<compile_context>
chip_gen: v7x
topology: tpu7x:2x2x1
jax: 0.10.2.dev20260603
libtpu: 0.0.44.dev20260713+nightly
codegen_flags: <defaults>
</compile_context>

<pallas_src>
import functools

import jax
import jax.numpy as jnp
import numpy as np
from jax import lax
from jax.experimental import pallas as pl
from jax.experimental.pallas import tpu as pltpu
from jax.experimental.pallas import tpu_sc as plsc

N_NODES = 10000
N_EDGES = 320000
D = 128
DH = 64

NC = 2
NS = 16
NW = NC * NS

N_PAD = 10240
ECHUNK = 128
CPT = 160
EPT = CPT * ECHUNK
E_PAD = NS * EPT
PAD_IDX = N_PAD - 1

NBUF = 4
LOOKAHEAD = 2
BLK = 8
RB = 3
RROWS = RB * BLK
NBLK = CPT // BLK
TROWS = NS * CPT
SLAB_ROWS = TROWS + 2 * BLK

ROWS_PER_TILE = N_PAD // NS
DEG_PER_TILE = E_PAD // NS



def _deg_body(srcw_hbm, dstw_hbm, deg_hbm, slab_v, deg2d_v, iota_v, zbuf_v, acc):
  c = lax.axis_index("c")
  s = lax.axis_index("s")

  @pl.when(c == 0)
  def _():
    pltpu.sync_copy(srcw_hbm.at[pl.ds(s * CPT, CPT)], slab_v)

  @pl.when(c == 1)
  def _():
    pltpu.sync_copy(dstw_hbm.at[pl.ds(s * CPT, CPT)], slab_v)

  for k in range(8):
    z = jnp.zeros((16,), jnp.float32)
    for r in range(8):
      zbuf_v[r, pl.ds(16 * k, 16)] = z

  @pl.when(s < 10)
  def _():
    pltpu.sync_copy(zbuf_v, acc.at[pl.ds(s * 8, 8)])

  @pl.loop(0, 80)
  def _(r):
    z16 = jnp.zeros((16,), jnp.float32)
    for k in range(8):
      deg2d_v[r, pl.ds(16 * k, 16)] = z16

  for r in range(5):
    iota_v[r, :] = lax.iota(jnp.int32, 16) + 16 * r
  plsc.subcore_barrier()

  ones = jnp.ones((16,), jnp.float32)

  @pl.loop(0, CPT)
  def _(r):
    for k in range(ECHUNK // 16):
      v = slab_v[r, pl.ds(16 * k, 16)]
      rows = lax.shift_right_logical(v, 7)
      cols = jnp.bitwise_and(v, 127)
      plsc.addupdate_scatter(deg2d_v, (rows, cols), ones)

  for r in range(5):
    pltpu.sync_copy(deg2d_v.at[pl.ds(r * 16, 16)], acc.at[iota_v.at[r]],
                    add=True)
  plsc.subcore_barrier()

  @pl.when(s < 10)
  def _():
    pltpu.sync_copy(acc.at[pl.ds(s * 8, 8)], deg_hbm.at[c, pl.ds(s * 8, 8)])


def _degrees(srcw, dstw):
  mesh = plsc.VectorSubcoreMesh(core_axis_name="c", subcore_axis_name="s",
                                num_cores=NC, num_subcores=NS)
  return pl.kernel(
      _deg_body,
      out_type=jax.ShapeDtypeStruct((2, 80, 128), jnp.float32),
      mesh=mesh,
      compiler_params=pltpu.CompilerParams(needs_layout_passes=False),
      scratch_types=[
          pltpu.VMEM((CPT, ECHUNK), jnp.int32),
          pltpu.VMEM((80, 128), jnp.float32),
          pltpu.VMEM((5, 16), jnp.int32),
          pltpu.VMEM((8, 128), jnp.float32),
          pltpu.VMEM_SHARED((80, 128), jnp.float32),
      ],
  )(srcw, dstw)



def _prop_body(z_hbm, srcw_hbm, dstw_hbm, p_hbm,
               ring_s, ring_d, *rest):
  bufs = rest[:NBUF]
  zbuf_v = rest[NBUF]
  gsems = rest[NBUF + 1:2 * NBUF + 1]
  ssems = rest[2 * NBUF + 1:3 * NBUF + 1]
  rsem = rest[3 * NBUF + 1]
  zsp = rest[3 * NBUF + 2]
  acc = rest[3 * NBUF + 3]

  c = lax.axis_index("c")
  s = lax.axis_index("s")

  pltpu.sync_copy(z_hbm.at[pl.ds(c * N_PAD + s * ROWS_PER_TILE, ROWS_PER_TILE)],
                  zsp.at[pl.ds(s * ROWS_PER_TILE, ROWS_PER_TILE)])

  for k in range(4):
    z = jnp.zeros((16,), jnp.float32)
    for r in range(16):
      zbuf_v[r, pl.ds(16 * k, 16)] = z

  @pl.loop(0, ROWS_PER_TILE // 16)
  def _(i):
    pltpu.async_copy(zbuf_v, acc.at[pl.ds(s * ROWS_PER_TILE + i * 16, 16)],
                     rsem)

  @pl.loop(0, ROWS_PER_TILE // 16)
  def _(i):
    pltpu.make_async_copy(
        zbuf_v, acc.at[pl.ds(s * ROWS_PER_TILE, 16)], rsem).wait()

  def slab_row(r0):
    if isinstance(r0, int):
      return s * CPT + r0 if r0 < CPT else TROWS + (r0 - CPT)
    return jnp.where(r0 < CPT, s * CPT + r0, TROWS + (r0 - CPT))

  def issue_ring(row0):
    rr = row0 % RROWS if isinstance(row0, int) else lax.rem(row0, RROWS)
    g0 = slab_row(row0)
    pltpu.async_copy(srcw_hbm.at[pl.ds(g0, BLK)],
                     ring_s.at[pl.ds(rr, BLK)], rsem)
    pltpu.async_copy(dstw_hbm.at[pl.ds(g0, BLK)],
                     ring_d.at[pl.ds(rr, BLK)], rsem)

  def wait_ring():
    pltpu.make_async_copy(srcw_hbm.at[pl.ds(0, BLK)],
                          ring_s.at[pl.ds(0, BLK)], rsem).wait()
    pltpu.make_async_copy(dstw_hbm.at[pl.ds(0, BLK)],
                          ring_d.at[pl.ds(0, BLK)], rsem).wait()

  def issue_gather(chunk, b):
    rr = chunk % RROWS if isinstance(chunk, int) else lax.rem(chunk, RROWS)
    pltpu.async_copy(zsp.at[ring_s.at[rr]], bufs[b], gsems[b])

  def wait_gather(b):
    pltpu.make_async_copy(zsp.at[ring_s.at[0]], bufs[b], gsems[b]).wait()

  def issue_scatter(chunk, b):
    rr = chunk % RROWS if isinstance(chunk, int) else lax.rem(chunk, RROWS)
    pltpu.async_copy(bufs[b], acc.at[ring_d.at[rr]], ssems[b], add=True)

  def wait_scatter(b):
    pltpu.make_async_copy(bufs[b], acc.at[ring_d.at[0]], ssems[b]).wait()

  for g in range(RB):
    issue_ring(g * BLK)
  wait_ring()
  wait_ring()

  plsc.subcore_barrier()

  for i in range(LOOKAHEAD):
    issue_gather(i, i % NBUF)
  for i in range(BLK):
    bf = (i + LOOKAHEAD) % NBUF
    if i + LOOKAHEAD >= NBUF:
      wait_scatter(bf)
    issue_gather(i + LOOKAHEAD, bf)
    wait_gather(i % NBUF)
    issue_scatter(i, i % NBUF)

  @pl.loop(BLK, CPT, step=BLK)
  def _(j):
    wait_ring()
    for p in range(BLK):
      i = j + p
      b = p % NBUF
      bf = (p + LOOKAHEAD) % NBUF
      wait_scatter(bf)
      issue_gather(i + LOOKAHEAD, bf)
      wait_gather(b)
      issue_scatter(i, b)
    issue_ring(j + 2 * BLK)

  for i in range(CPT - (NBUF - LOOKAHEAD), CPT):
    wait_scatter(i % NBUF)
  for i in range(CPT, CPT + LOOKAHEAD):
    wait_gather(i % NBUF)
  wait_ring()

  plsc.subcore_barrier()
  pltpu.sync_copy(acc.at[pl.ds(s * ROWS_PER_TILE, ROWS_PER_TILE)],
                  p_hbm.at[c, pl.ds(s * ROWS_PER_TILE, ROWS_PER_TILE)])


@functools.cache
def _propagate_kernel():
  mesh = plsc.VectorSubcoreMesh(core_axis_name="c", subcore_axis_name="s",
                                num_cores=NC, num_subcores=NS)
  return pl.kernel(
      _prop_body,
      out_type=jax.ShapeDtypeStruct((2, N_PAD, DH), jnp.float32),
      mesh=mesh,
      compiler_params=pltpu.CompilerParams(needs_layout_passes=False,
                                           use_tc_tiling_on_sc=False),
      scratch_types=(
          [pltpu.VMEM((RROWS, ECHUNK), jnp.int32),
           pltpu.VMEM((RROWS, ECHUNK), jnp.int32)]
          + [pltpu.VMEM((ECHUNK, DH), jnp.float32) for _ in range(NBUF)]
          + [pltpu.VMEM((16, DH), jnp.float32)]
          + [pltpu.SemaphoreType.DMA for _ in range(2 * NBUF + 1)]
          + [pltpu.VMEM_SHARED((N_PAD, DH), jnp.float32),
             pltpu.VMEM_SHARED((N_PAD, DH), jnp.float32)]
      ),
  )


@jax.jit
def _propagate(zflat, srcw, dstw):
  return _propagate_kernel()(zflat, srcw, dstw)



def _norm_col(deg_ref):
  return lax.rsqrt(jnp.maximum(deg_ref[...], 1.0))


def _emit(e2, o2, th):
  return jnp.concatenate(
      [jnp.dot(e2, th, preferred_element_type=jnp.float32),
       jnp.dot(o2, th, preferred_element_type=jnp.float32)], axis=1)


def _deinter(et2, ot2, q):
  return (jnp.dot(et2, q[:, :64], preferred_element_type=jnp.float32)
          + jnp.dot(ot2, q[:, 64:], preferred_element_type=jnp.float32))


def _mm1_body(degs_ref, x_ref, w_ref, e2_ref, o2_ref, o_ref):
  t = jnp.dot(x_ref[...], w_ref[...], preferred_element_type=jnp.float32)
  ts = t * _norm_col(degs_ref)
  e2, o2 = e2_ref[...], o2_ref[...]
  q0 = _emit(e2, o2, ts[:, :64])
  q1 = _emit(e2, o2, ts[:, 64:])
  o_ref[...] = jnp.concatenate([q0[None], q1[None]], axis=0)


def _mm1(degs_col, x_pad, w1, e2, o2):
  return pl.pallas_call(
      _mm1_body,
      grid=(20,),
      in_specs=[
          pl.BlockSpec((512, 1), lambda i: (i, 0)),
          pl.BlockSpec((512, 128), lambda i: (i, 0)),
          pl.BlockSpec((128, 128), lambda i: (0, 0)),
          pl.BlockSpec((256, 512), lambda i: (0, 0)),
          pl.BlockSpec((256, 512), lambda i: (0, 0)),
      ],
      out_specs=pl.BlockSpec((2, 256, 128), lambda i: (0, i, 0)),
      out_shape=jax.ShapeDtypeStruct((2, N_PAD // 2, 128), jnp.float32),
  )(degs_col, x_pad, w1, e2, o2)


def _mm2_body(degs_ref, degd_ref, p_ref, w_ref, b_ref, e2_ref, o2_ref,
              et2_ref, ot2_ref, o_ref):
  et2, ot2 = et2_ref[...], ot2_ref[...]
  cat = jnp.concatenate([_deinter(et2, ot2, p_ref[0]),
                         _deinter(et2, ot2, p_ref[1])], axis=1)
  h = cat * _norm_col(degd_ref) + b_ref[...]
  t = jnp.dot(h, w_ref[...], preferred_element_type=jnp.float32)
  ts = t * _norm_col(degs_ref)
  e2, o2 = e2_ref[...], o2_ref[...]
  q0 = _emit(e2, o2, ts[:, :64])
  q1 = _emit(e2, o2, ts[:, 64:])
  o_ref[...] = jnp.concatenate([q0[None], q1[None]], axis=0)


def _mm2(degs_col, degd_col, p, w2, b1, e2, o2, et2, ot2):
  return pl.pallas_call(
      _mm2_body,
      grid=(20,),
      in_specs=[
          pl.BlockSpec((512, 1), lambda i: (i, 0)),
          pl.BlockSpec((512, 1), lambda i: (i, 0)),
          pl.BlockSpec((2, 256, 128), lambda i: (0, i, 0)),
          pl.BlockSpec((128, 128), lambda i: (0, 0)),
          pl.BlockSpec((1, 128), lambda i: (0, 0)),
          pl.BlockSpec((256, 512), lambda i: (0, 0)),
          pl.BlockSpec((256, 512), lambda i: (0, 0)),
          pl.BlockSpec((512, 256), lambda i: (0, 0)),
          pl.BlockSpec((512, 256), lambda i: (0, 0)),
      ],
      out_specs=pl.BlockSpec((2, 256, 128), lambda i: (0, i, 0)),
      out_shape=jax.ShapeDtypeStruct((2, N_PAD // 2, 128), jnp.float32),
  )(degs_col, degd_col, p, w2, b1, e2, o2, et2, ot2)


def _fin_body(degd_ref, p_ref, b_ref, et2_ref, ot2_ref, o_ref):
  et2, ot2 = et2_ref[...], ot2_ref[...]
  cat = jnp.concatenate([_deinter(et2, ot2, p_ref[0]),
                         _deinter(et2, ot2, p_ref[1])], axis=1)
  o_ref[...] = cat * _norm_col(degd_ref) + b_ref[...]


def _fin(degd_col, p, b2, et2, ot2):
  return pl.pallas_call(
      _fin_body,
      grid=(20,),
      in_specs=[
          pl.BlockSpec((512, 1), lambda i: (i, 0)),
          pl.BlockSpec((2, 256, 128), lambda i: (0, i, 0)),
          pl.BlockSpec((1, 128), lambda i: (0, 0)),
          pl.BlockSpec((512, 256), lambda i: (0, 0)),
          pl.BlockSpec((512, 256), lambda i: (0, 0)),
      ],
      out_specs=pl.BlockSpec((512, 128), lambda i: (i, 0)),
      out_shape=jax.ShapeDtypeStruct((N_PAD, D), jnp.float32),
  )(degd_col, p, b2, et2, ot2)



@jax.jit
def kernel(x, edge_index, W1, b1, W2, b2):
  src = edge_index[0].astype(jnp.int32)
  dst = edge_index[1].astype(jnp.int32)
  pad = jnp.full((SLAB_ROWS * ECHUNK - N_EDGES,), PAD_IDX, jnp.int32)
  srcw = jnp.concatenate([src, pad]).reshape(SLAB_ROWS, ECHUNK)
  dstw = jnp.concatenate([dst, pad]).reshape(SLAB_ROWS, ECHUNK)

  deg = _degrees(srcw, dstw)
  degs_col = deg[0].reshape(N_PAD, 1)
  degd_col = deg[1].reshape(N_PAD, 1)

  x_pad = jnp.pad(x, ((0, N_PAD - N_NODES), (0, 0)))
  b1r = b1.reshape(1, D)
  b2r = b2.reshape(1, D)

  ii = np.arange(256)
  e2_np = np.zeros((256, 512), np.float32)
  o2_np = np.zeros((256, 512), np.float32)
  e2_np[ii, 2 * ii] = 1.0
  o2_np[ii, 2 * ii + 1] = 1.0
  e2 = jnp.asarray(e2_np)
  o2 = jnp.asarray(o2_np)
  et2 = jnp.asarray(e2_np.T.copy())
  ot2 = jnp.asarray(o2_np.T.copy())

  z1 = _mm1(degs_col, x_pad, W1, e2, o2)
  p1 = _propagate(z1.reshape(2 * N_PAD, DH), srcw, dstw)
  z2 = _mm2(degs_col, degd_col, p1.reshape(2, N_PAD // 2, 128), W2, b1r,
            e2, o2, et2, ot2)
  p2 = _propagate(z2.reshape(2 * N_PAD, DH), srcw, dstw)
  h = _fin(degd_col, p2.reshape(2, N_PAD // 2, 128), b2r, et2, ot2)
  return h[:N_NODES]

# --- scband reference (transcript-rebuilt; emitter-appended) ---
"""Pipeline reference for scband-gcn-64914135712499 (READ-ONLY COPY).

The authoritative reference and input builder live on the scoring server;
editing this copy changes nothing except your own understanding.
"""

import jax, jax.numpy as jnp
import numpy as np

N_NODES = 10000
N_EDGES = 320000
D_IN = 128
D_H = 128

def setup_inputs(seed: int = 0) -> dict:
    key = jax.random.key(seed)
    k1, k2, k3, k4, k5, k6 = jax.random.split(key, 6)
    x = jax.random.normal(k1, (N_NODES, D_IN), dtype=jnp.float32)
    edge_index = jax.random.randint(k2, (2, N_EDGES), 0, N_NODES, dtype=jnp.int64)
    # GraphConv weights (glorot-like init)
    s1 = 1.0 / np.sqrt(D_IN)
    s2 = 1.0 / np.sqrt(D_H)
    W1 = jax.random.uniform(k3, (D_IN, D_H), dtype=jnp.float32, minval=-s1, maxval=s1)
    b1 = jnp.zeros((D_H,), dtype=jnp.float32)
    W2 = jax.random.uniform(k4, (D_H, D_H), dtype=jnp.float32, minval=-s2, maxval=s2)
    b2 = jnp.zeros((D_H,), dtype=jnp.float32)
    return {"x": x, "edge_index": edge_index, "W1": W1, "b1": b1, "W2": W2, "b2": b2}

def _graph_conv(x, W, b, src, dst, norm_src, norm_dst):
    # DGL GraphConv, norm='both': D^{-1/2} A D^{-1/2} X W + b
    h = x * norm_src[:, None]
    m = jnp.take(h, src, axis=0)                      # gather messages from src
    agg = jax.ops.segment_sum(m, dst, num_segments=N_NODES)  # scatter-add to dst
    agg = agg * norm_dst[:, None]
    return agg @ W + b

def reference(x, edge_index, W1, b1, W2, b2):
    src = edge_index[0]
    dst = edge_index[1]
    ones = jnp.ones((N_EDGES,), dtype=jnp.float32)
    deg_out = jax.ops.segment_sum(ones, src, num_segments=N_NODES)
    deg_in = jax.ops.segment_sum(ones, dst, num_segments=N_NODES)
    norm_src = 1.0 / jnp.sqrt(jnp.clip(deg_out, 1.0))
    norm_dst = 1.0 / jnp.sqrt(jnp.clip(deg_in, 1.0))
    residual = 0.0
    # conv1 + residual * ori (residual=0)
    h = _graph_conv(x, W1, b1, src, dst, norm_src, norm_dst) + residual * x
    # prop_step = 2 -> one more conv2 pass; relu=False, norm=False
    h = _graph_conv(h, W2, b2, src, dst, norm_src, norm_dst) + residual * x
    return h

if __name__ == "__main__":
    import jax
    _d = setup_inputs()
    print(jax.jit(kernel)(*tuple(_d.values())))

</pallas_src>

<mosaic_0001>
#map = affine_map<(d0, d1) -> (0, 0)>
#map1 = affine_map<(d0, d1) -> (0, 0, 0)>
module attributes {stable_mosaic.version = 14 : i64} {
  func.func @_prop_body(%arg0: i32, %arg1: i32, %arg2: memref<20480x64xf32, #tpu.memory_space<hbm>>, %arg3: memref<2576x128xi32, #tpu.memory_space<hbm>>, %arg4: memref<2576x128xi32, #tpu.memory_space<hbm>>, %arg5: memref<2x10240x64xf32, #tpu.memory_space<hbm>>, %arg6: memref<24x128xi32, #tpu.memory_space<vmem>>, %arg7: memref<24x128xi32, #tpu.memory_space<vmem>>, %arg8: memref<128x64xf32, #tpu.memory_space<vmem>>, %arg9: memref<128x64xf32, #tpu.memory_space<vmem>>, %arg10: memref<128x64xf32, #tpu.memory_space<vmem>>, %arg11: memref<128x64xf32, #tpu.memory_space<vmem>>, %arg12: memref<16x64xf32, #tpu.memory_space<vmem>>, %arg13: memref<!tpu.dma_semaphore, #tpu.memory_space<semaphore_mem>>, %arg14: memref<!tpu.dma_semaphore, #tpu.memory_space<semaphore_mem>>, %arg15: memref<!tpu.dma_semaphore, #tpu.memory_space<semaphore_mem>>, %arg16: memref<!tpu.dma_semaphore, #tpu.memory_space<semaphore_mem>>, %arg17: memref<!tpu.dma_semaphore, #tpu.memory_space<semaphore_mem>>, %arg18: memref<!tpu.dma_semaphore, #tpu.memory_space<semaphore_mem>>, %arg19: memref<!tpu.dma_semaphore, #tpu.memory_space<semaphore_mem>>, %arg20: memref<!tpu.dma_semaphore, #tpu.memory_space<semaphore_mem>>, %arg21: memref<!tpu.dma_semaphore, #tpu.memory_space<semaphore_mem>>, %arg22: memref<10240x64xf32, #tpu.memory_space<vmem_shared>>, %arg23: memref<10240x64xf32, #tpu.memory_space<vmem_shared>>) attributes {dimension_semantics = [#tpu.dimension_semantics<core_parallel>, #tpu.dimension_semantics<subcore_parallel>], iteration_bounds = array<i64: 2, 16>, scalar_prefetch = 0 : i64, scratch_operands = 18 : i64, tpu.core_type = #tpu.core_type<sc_vector_subcore>, window_params = [{transform_indices = #map}, {transform_indices = #map}, {transform_indices = #map}, {transform_indices = #map1}]} {
    %mul3A = arith.constant 10240 : i32
    %mul3A_0 = arith.muli %arg0, %mul3A : i32
    %mul3A_1 = arith.constant 640 : i32
    %mul3A_2 = arith.muli %arg1, %mul3A_1 : i32
    %add3A = arith.addi %mul3A_0, %mul3A_2 : i32
    %mul3A_3 = arith.constant 640 : i32
    %mul3A_4 = arith.muli %arg1, %mul3A_3 : i32
    "tpu.region"() ({
      %run_scoped3A = tpu.sem_alloc : memref<!tpu.dma_semaphore, #tpu.memory_space<semaphore_mem>>
      %dma_start3A_680 = arith.constant 0 : i32
      %dma_start3A_681 = tpu.memref_slice %arg22[%mul3A_4, %dma_start3A_680] : memref<10240x64xf32, #tpu.memory_space<vmem_shared>> -> memref<640x64xf32, #tpu.memory_space<vmem_shared>>
      %dma_start3A_682 = arith.constant 0 : i32
      %dma_start3A_683 = tpu.memref_slice %arg2[%add3A, %dma_start3A_682] : memref<20480x64xf32, #tpu.memory_space<hbm>> -> memref<640x64xf32, #tpu.memory_space<hbm>>
      tpu.enqueue_dma source(%dma_start3A_683 : memref<640x64xf32, #tpu.memory_space<hbm>>) target(%dma_start3A_681 : memref<640x64xf32, #tpu.memory_space<vmem_shared>>) target_semaphore(%run_scoped3A : memref<!tpu.dma_semaphore, #tpu.memory_space<semaphore_mem>>)
      %dma_wait3A_684 = arith.constant 0 : i32
      %dma_wait3A_685 = tpu.memref_slice %arg22[%mul3A_4, %dma_wait3A_684] : memref<10240x64xf32, #tpu.memory_space<vmem_shared>> -> memref<640x64xf32, #tpu.memory_space<vmem_shared>>
      %dma_wait3A_686 = arith.constant 0 : i32
      %dma_wait3A_687 = tpu.memref_slice %arg2[%add3A, %dma_wait3A_686] : memref<20480x64xf32, #tpu.memory_space<hbm>> -> memref<640x64xf32, #tpu.memory_space<hbm>>
      tpu.wait_dma2 semaphore(%run_scoped3A : memref<!tpu.dma_semaphore, #tpu.memory_space<semaphore_mem>>) src(%dma_wait3A_687 : memref<640x64xf32, #tpu.memory_space<hbm>>) dst(%dma_wait3A_685 : memref<640x64xf32, #tpu.memory_space<vmem_shared>>)
      tpu.yield
    }) : () -> ()
    %broadcast_in_dim3A = arith.constant 0.000000e+00 : f32
    %broadcast_in_dim3A_5 = vector.broadcast %broadcast_in_dim3A : f32 to vector<16xf32>
    %swap3A = arith.constant 0 : i32
    %swap3A_6 = arith.index_cast %swap3A : i32 to index
    %swap3A_7 = arith.constant 0 : index
    %swap3A_8 = tpu.vector_load %arg12[%swap3A_6, %swap3A_7] {strides = array<i32>} : memref<16x64xf32, #tpu.memory_space<vmem>>, vector<16xf32>,
    tpu.vector_store %arg12[%swap3A_6, %swap3A_7], %broadcast_in_dim3A_5 {strides = array<i32>} : memref<16x64xf32, #tpu.memory_space<vmem>>, vector<16xf32>,
    %swap3A_9 = arith.constant 1 : i32
    %swap3A_10 = arith.index_cast %swap3A_9 : i32 to index
    %swap3A_11 = arith.constant 0 : index
    %swap3A_12 = tpu.vector_load %arg12[%swap3A_10, %swap3A_11] {strides = array<i32>} : memref<16x64xf32, #tpu.memory_space<vmem>>, vector<16xf32>,
    tpu.vector_store %arg12[%swap3A_10, %swap3A_11], %broadcast_in_dim3A_5 {strides = array<i32>} : memref<16x64xf32, #tpu.memory_space<vmem>>, vector<16xf32>,
    %swap3A_13 = arith.constant 2 : i32
    %swap3A_14 = arith.index_cast %swap3A_13 : i32 to index
    %swap3A_15 = arith.constant 0 : index
    %swap3A_16 = tpu.vector_load %arg12[%swap3A_14, %swap3A_15] {strides = array<i32>} : memref<16x64xf32, #tpu.memory_space<vmem>>, vector<16xf32>,
    tpu.vector_store %arg12[%swap3A_14, %swap3A_15], %broadcast_in_dim3A_5 {strides = array<i32>} : memref<16x64xf32, #tpu.memory_space<vmem>>, vector<16xf32>,
    %swap3A_17 = arith.constant 3 : i32
    %swap3A_18 = arith.index_cast %swap3A_17 : i32 to index
    %swap3A_19 = arith.constant 0 : index
    %swap3A_20 = tpu.vector_load %arg12[%swap3A_18, %swap3A_19] {strides = array<i32>} : memref<16x64xf32, #tpu.memory_space<vmem>>, vector<16xf32>,
    tpu.vector_store %arg12[%swap3A_18, %swap3A_19], %broadcast_in_dim3A_5 {strides = array<i32>} : memref<16x64xf32, #tpu.memory_space<vmem>>, vector<16xf32>,
    %swap3A_21 = arith.constant 4 : i32
    %swap3A_22 = arith.index_cast %swap3A_21 : i32 to index
    %swap3A_23 = arith.constant 0 : index
    %swap3A_24 = tpu.vector_load %arg12[%swap3A_22, %swap3A_23] {strides = array<i32>} : memref<16x64xf32, #tpu.memory_space<vmem>>, vector<16xf32>,
    tpu.vector_store %arg12[%swap3A_22, %swap3A_23], %broadcast_in_dim3A_5 {strides = array<i32>} : memref<16x64xf32, #tpu.memory_space<vmem>>, vector<16xf32>,
    %swap3A_25 = arith.constant 5 : i32
    %swap3A_26 = arith.index_cast %swap3A_25 : i32 to index
    %swap3A_27 = arith.constant 0 : index
    %swap3A_28 = tpu.vector_load %arg12[%swap3A_26, %swap3A_27] {strides = array<i32>} : memref<16x64xf32, #tpu.memory_space<vmem>>, vector<16xf32>,
    tpu.vector_store %arg12[%swap3A_26, %swap3A_27], %broadcast_in_dim3A_5 {strides = array<i32>} : memref<16x64xf32, #tpu.memory_space<vmem>>, vector<16xf32>,
    %swap3A_29 = arith.constant 6 : i32
    %swap3A_30 = arith.index_cast %swap3A_29 : i32 to index
    %swap3A_31 = arith.constant 0 : index
    %swap3A_32 = tpu.vector_load %arg12[%swap3A_30, %swap3A_31] {strides = array<i32>} : memref<16x64xf32, #tpu.memory_space<vmem>>, vector<16xf32>,
    tpu.vector_store %arg12[%swap3A_30, %swap3A_31], %broadcast_in_dim3A_5 {strides = array<i32>} : memref<16x64xf32, #tpu.memory_space<vmem>>, vector<16xf32>,
    %swap3A_33 = arith.constant 7 : i32
    %swap3A_34 = arith.index_cast %swap3A_33 : i32 to index
    %swap3A_35 = arith.constant 0 : index
    %swap3A_36 = tpu.vector_load %arg12[%swap3A_34, %swap3A_35] {strides = array<i32>} : memref<16x64xf32, #tpu.memory_space<vmem>>, vector<16xf32>,
    tpu.vector_store %arg12[%swap3A_34, %swap3A_35], %broadcast_in_dim3A_5 {strides = array<i32>} : memref<16x64xf32, #tpu.memory_space<vmem>>, vector<16xf32>,
    %swap3A_37 = arith.constant 8 : i32
    %swap3A_38 = arith.index_cast %swap3A_37 : i32 to index
    %swap3A_39 = arith.constant 0 : index
    %swap3A_40 = tpu.vector_load %arg12[%swap3A_38, %swap3A_39] {strides = array<i32>} : memref<16x64xf32, #tpu.memory_space<vmem>>, vector<16xf32>,
    tpu.vector_store %arg12[%swap3A_38, %swap3A_39], %broadcast_in_dim3A_5 {strides = array<i32>} : memref<16x64xf32, #tpu.memory_space<vmem>>, vector<16xf32>,
    %swap3A_41 = arith.constant 9 : i32
    %swap3A_42 = arith.index_cast %swap3A_41 : i32 to index
    %swap3A_43 = arith.constant 0 : index
    %swap3A_44 = tpu.vector_load %arg12[%swap3A_42, %swap3A_43] {strides = array<i32>} : memref<16x64xf32, #tpu.memory_space<vmem>>, vector<16xf32>,
    tpu.vector_store %arg12[%swap3A_42, %swap3A_43], %broadcast_in_dim3A_5 {strides = array<i32>} : memref<16x64xf32, #tpu.memory_space<vmem>>, vector<16xf32>,
    %swap3A_45 = arith.constant 10 : i32
    %swap3A_46 = arith.index_cast %swap3A_45 : i32 to index
    %swap3A_47 = arith.constant 0 : index
    %swap3A_48 = tpu.vector_load %arg12[%swap3A_46, %swap3A_47] {strides = array<i32>} : memref<16x64xf32, #tpu.memory_space<vmem>>, vector<16xf32>,
    tpu.vector_store %arg12[%swap3A_46, %swap3A_47], %broadcast_in_dim3A_5 {strides = array<i32>} : memref<16x64xf32, #tpu.memory_space<vmem>>, vector<16xf32>,
    %swap3A_49 = arith.constant 11 : i32
    %swap3A_50 = arith.index_cast %swap3A_49 : i32 to index
    %swap3A_51 = arith.constant 0 : index
    %swap3A_52 = tpu.vector_load %arg12[%swap3A_50, %swap3A_51] {strides = array<i32>} : memref<16x64xf32, #tpu.memory_space<vmem>>, vector<16xf32>,
    tpu.vector_store %arg12[%swap3A_50, %swap3A_51], %broadcast_in_dim3A_5 {strides = array<i32>} : memref<16x64xf32, #tpu.memory_space<vmem>>, vector<16xf32>,
    %swap3A_53 = arith.constant 12 : i32
    %swap3A_54 = arith.index_cast %swap3A_53 : i32 to index
    %swap3A_55 = arith.constant 0 : index
    %swap3A_56 = tpu.vector_load %arg12[%swap3A_54, %swap3A_55] {strides = array<i32>} : memref<16x64xf32, #tpu.memory_space<vmem>>, vector<16xf32>,
    tpu.vector_store %arg12[%swap3A_54, %swap3A_55], %broadcast_in_dim3A_5 {strides = array<i32>} : memref<16x64xf32, #tpu.memory_space<vmem>>, vector<16xf32>,
    %swap3A_57 = arith.constant 13 : i32
    %swap3A_58 = arith.index_cast %swap3A_57 : i32 to index
    %swap3A_59 = arith.constant 0 : index
    %swap3A_60 = tpu.vector_load %arg12[%swap3A_58, %swap3A_59] {strides = array<i32>} : memref<16x64xf32, #tpu.memory_space<vmem>>, vector<16xf32>,
    tpu.vector_store %arg12[%swap3A_58, %swap3A_59], %broadcast_in_dim3A_5 {strides = array<i32>} : memref<16x64xf32, #tpu.memory_space<vmem>>, vector<16xf32>,
    %swap3A_61 = arith.constant 14 : i32
    %swap3A_62 = arith.index_cast %swap3A_61 : i32 to index
    %swap3A_63 = arith.constant 0 : index
    %swap3A_64 = tpu.vector_load %arg12[%swap3A_62, %swap3A_63] {strides = array<i32>} : memref<16x64xf32, #tpu.memory_space<vmem>>, vector<16xf32>,
    tpu.vector_store %arg12[%swap3A_62, %swap3A_63], %broadcast_in_dim3A_5 {strides = array<i32>} : memref<16x64xf32, #tpu.memory_space<vmem>>, vector<16xf32>,
    %swap3A_65 = arith.constant 15 : i32
    %swap3A_66 = arith.index_cast %swap3A_65 : i32 to index
    %swap3A_67 = arith.constant 0 : index
    %swap3A_68 = tpu.vector_load %arg12[%swap3A_66, %swap3A_67] {strides = array<i32>} : memref<16x64xf32, #tpu.memory_space<vmem>>, vector<16xf32>,
    tpu.vector_store %arg12[%swap3A_66, %swap3A_67], %broadcast_in_dim3A_5 {strides = array<i32>} : memref<16x64xf32, #tpu.memory_space<vmem>>, vector<16xf32>,
    %broadcast_in_dim3A_69 = arith.constant 0.000000e+00 : f32
    %broadcast_in_dim3A_70 = vector.broadcast %broadcast_in_dim3A_69 : f32 to vector<16xf32>
    %swap3A_71 = arith.constant 0 : i32
    %swap3A_72 = arith.index_cast %swap3A_71 : i32 to index
    %swap3A_73 = arith.constant 16 : index
    %swap3A_74 = tpu.vector_load %arg12[%swap3A_72, %swap3A_73] {strides = array<i32>} : memref<16x64xf32, #tpu.memory_space<vmem>>, vector<16xf32>,
    tpu.vector_store %arg12[%swap3A_72, %swap3A_73], %broadcast_in_dim3A_70 {strides = array<i32>} : memref<16x64xf32, #tpu.memory_space<vmem>>, vector<16xf32>,
    %swap3A_75 = arith.constant 1 : i32
    %swap3A_76 = arith.index_cast %swap3A_75 : i32 to index
    %swap3A_77 = arith.constant 16 : index
    %swap3A_78 = tpu.vector_load %arg12[%swap3A_76, %swap3A_77] {strides = array<i32>} : memref<16x64xf32, #tpu.memory_space<vmem>>, vector<16xf32>,
    tpu.vector_store %arg12[%swap3A_76, %swap3A_77], %broadcast_in_dim3A_70 {strides = array<i32>} : memref<16x64xf32, #tpu.memory_space<vmem>>, vector<16xf32>,
    %swap3A_79 = arith.constant 2 : i32
    %swap3A_80 = arith.index_cast %swap3A_79 : i32 to index
    %swap3A_81 = arith.constant 16 : index
    %swap3A_82 = tpu.vector_load %arg12[%swap3A_80, %swap3A_81] {strides = array<i32>} : memref<16x64xf32, #tpu.memory_space<vmem>>, vector<16xf32>,
    tpu.vector_store %arg12[%swap3A_80, %swap3A_81], %broadcast_in_dim3A_70 {strides = array<i32>} : memref<16x64xf32, #tpu.memory_space<vmem>>, vector<16xf32>,
    %swap3A_83 = arith.constant 3 : i32
    %swap3A_84 = arith.index_cast %swap3A_83 : i32 to index
    %swap3A_85 = arith.constant 16 : index
    %swap3A_86 = tpu.vector_load %arg12[%swap3A_84, %swap3A_85] {strides = array<i32>} : memref<16x64xf32, #tpu.memory_space<vmem>>, vector<16xf32>,
    tpu.vector_store %arg12[%swap3A_84, %swap3A_85], %broadcast_in_dim3A_70 {strides = array<i32>} : memref<16x64xf32, #tpu.memory_space<vmem>>, vector<16xf32>,
    %swap3A_87 = arith.constant 4 : i32
    %swap3A_88 = arith.index_cast %swap3A_87 : i32 to index
    %swap3A_89 = arith.constant 16 : index
    %swap3A_90 = tpu.vector_load %arg12[%swap3A_88, %swap3A_89] {strides = array<i32>} : memref<16x64xf32, #tpu.memory_space<vmem>>, vector<16xf32>,
    tpu.vector_store %arg12[%swap3A_88, %swap3A_89], %broadcast_in_dim3A_70 {strides = array<i32>} : memref<16x64xf32, #tpu.memory_space<vmem>>, vector<16xf32>,
    %swap3A_91 = arith.constant 5 : i32
    %swap3A_92 = arith.index_cast %swap3A_91 : i32 to index
    %swap3A_93 = arith.constant 16 : index
    %swap3A_94 = tpu.vector_load %arg12[%swap3A_92, %swap3A_93] {strides = array<i32>} : memref<16x64xf32, #tpu.memory_space<vmem>>, vector<16xf32>,
    tpu.vector_store %arg12[%swap3A_92, %swap3A_93], %broadcast_in_dim3A_70 {strides = array<i32>} : memref<16x64xf32, #tpu.memory_space<vmem>>, vector<16xf32>,
    %swap3A_95 = arith.constant 6 : i32
    %swap3A_96 = arith.index_cast %swap3A_95 : i32 to index
    %swap3A_97 = arith.constant 16 : index
    %swap3A_98 = tpu.vector_load %arg12[%swap3A_96, %swap3A_97] {strides = array<i32>} : memref<16x64xf32, #tpu.memory_space<vmem>>, vector<16xf32>,
    tpu.vector_store %arg12[%swap3A_96, %swap3A_97], %broadcast_in_dim3A_70 {strides = array<i32>} : memref<16x64xf32, #tpu.memory_space<vmem>>, vector<16xf32>,
    %swap3A_99 = arith.constant 7 : i32
    %swap3A_100 = arith.index_cast %swap3A_99 : i32 to index
    %swap3A_101 = arith.constant 16 : index
    %swap3A_102 = tpu.vector_load %arg12[%swap3A_100, %swap3A_101] {strides = array<i32>} : memref<16x64xf32, #tpu.memory_space<vmem>>, vector<16xf32>,
    tpu.vector_store %arg12[%swap3A_100, %swap3A_101], %broadcast_in_dim3A_70 {strides = array<i32>} : memref<16x64xf32, #tpu.memory_space<vmem>>, vector<16xf32>,
    %swap3A_103 = arith.constant 8 : i32
    %swap3A_104 = arith.index_cast %swap3A_103 : i32 to index
    %swap3A_105 = arith.constant 16 : index
    %swap3A_106 = tpu.vector_load %arg12[%swap3A_104, %swap3A_105] {strides = array<i32>} : memref<16x64xf32, #tpu.memory_space<vmem>>, vector<16xf32>,
    tpu.vector_store %arg12[%swap3A_104, %swap3A_105], %broadcast_in_dim3A_70 {strides = array<i32>} : memref<16x64xf32, #tpu.memory_space<vmem>>, vector<16xf32>,
    %swap3A_107 = arith.constant 9 : i32
    %swap3A_108 = arith.index_cast %swap3A_107 : i32 to index
    %swap3A_109 = arith.constant 16 : index
    %swap3A_110 = tpu.vector_load %arg12[%swap3A_108, %swap3A_109] {strides = array<i32>} : memref<16x64xf32, #tpu.memory_space<vmem>>, vector<16xf32>,
    tpu.vector_store %arg12[%swap3A_108, %swap3A_109], %broadcast_in_dim3A_70 {strides = array<i32>} : memref<16x64xf32, #tpu.memory_space<vmem>>, vector<16xf32>,
    %swap3A_111 = arith.constant 10 : i32
    %swap3A_112 = arith.index_cast %swap3A_111 : i32 to index
    %swap3A_113 = arith.constant 16 : index
    %swap3A_114 = tpu.vector_load %arg12[%swap3A_112, %swap3A_113] {strides = array<i32>} : memref<16x64xf32, #tpu.memory_space<vmem>>, vector<16xf32>,
    tpu.vector_store %arg12[%swap3A_112, %swap3A_113], %broadcast_in_dim3A_70 {strides = array<i32>} : memref<16x64xf32, #tpu.memory_space<vmem>>, vector<16xf32>,
    %swap3A_115 = arith.constant 11 : i32
    %swap3A_116 = arith.index_cast %swap3A_115 : i32 to index
    %swap3A_117 = arith.constant 16 : index
    %swap3A_118 = tpu.vector_load %arg12[%swap3A_116, %swap3A_117] {strides = array<i32>} : memref<16x64xf32, #tpu.memory_space<vmem>>, vector<16xf32>,
    tpu.vector_store %arg12[%swap3A_116, %swap3A_117], %broadcast_in_dim3A_70 {strides = array<i32>} : memref<16x64xf32, #tpu.memory_space<vmem>>, vector<16xf32>,
    %swap3A_119 = arith.constant 12 : i32
    %swap3A_120 = arith.index_cast %swap3A_119 : i32 to index
    %swap3A_121 = arith.constant 16 : index
    %swap3A_122 = tpu.vector_load %arg12[%swap3A_120, %swap3A_121] {strides = array<i32>} : memref<16x64xf32, #tpu.memory_space<vmem>>, vector<16xf32>,
    tpu.vector_store %arg12[%swap3A_120, %swap3A_121], %broadcast_in_dim3A_70 {strides = array<i32>} : memref<16x64xf32, #tpu.memory_space<vmem>>, vector<16xf32>,
    %swap3A_123 = arith.constant 13 : i32
    %swap3A_124 = arith.index_cast %swap3A_123 : i32 to index
    %swap3A_125 = arith.constant 16 : index
    %swap3A_126 = tpu.vector_load %arg12[%swap3A_124, %swap3A_125] {strides = array<i32>} : memref<16x64xf32, #tpu.memory_space<vmem>>, vector<16xf32>,
    tpu.vector_store %arg12[%swap3A_124, %swap3A_125], %broadcast_in_dim3A_70 {strides = array<i32>} : memref<16x64xf32, #tpu.memory_space<vmem>>, vector<16xf32>,
    %swap3A_127 = arith.constant 14 : i32
    %swap3A_128 = arith.index_cast %swap3A_127 : i32 to index
    %swap3A_129 = arith.constant 16 : index
    %swap3A_130 = tpu.vector_load %arg12[%swap3A_128, %swap3A_129] {strides = array<i32>} : memref<16x64xf32, #tpu.memory_space<vmem>>, vector<16xf32>,
    tpu.vector_store %arg12[%swap3A_128, %swap3A_129], %broadcast_in_dim3A_70 {strides = array<i32>} : memref<16x64xf32, #tpu.memory_space<vmem>>, vector<16xf32>,
    %swap3A_131 = arith.constant 15 : i32
    %swap3A_132 = arith.index_cast %swap3A_131 : i32 to index
    %swap3A_133 = arith.constant 16 : index
    %swap3A_134 = tpu.vector_load %arg12[%swap3A_132, %swap3A_133] {strides = array<i32>} : memref<16x64xf32, #tpu.memory_space<vmem>>, vector<16xf32>,
    tpu.vector_store %arg12[%swap3A_132, %swap3A_133], %broadcast_in_dim3A_70 {strides = array<i32>} : memref<16x64xf32, #tpu.memory_space<vmem>>, vector<16xf32>,
    %broadcast_in_dim3A_135 = arith.constant 0.000000e+00 : f32
    %broadcast_in_dim3A_136 = vector.broadcast %broadcast_in_dim3A_135 : f32 to vector<16xf32>
    %swap3A_137 = arith.constant 0 : i32
    %swap3A_138 = arith.index_cast %swap3A_137 : i32 to index
    %swap3A_139 = arith.constant 32 : index
    %swap3A_140 = tpu.vector_load %arg12[%swap3A_138, %swap3A_139] {strides = array<i32>} : memref<16x64xf32, #tpu.memory_space<vmem>>, vector<16xf32>,
    tpu.vector_store %arg12[%swap3A_138, %swap3A_139], %broadcast_in_dim3A_136 {strides = array<i32>} : memref<16x64xf32, #tpu.memory_space<vmem>>, vector<16xf32>,
    %swap3A_141 = arith.constant 1 : i32
    %swap3A_142 = arith.index_cast %swap3A_141 : i32 to index
    %swap3A_143 = arith.constant 32 : index
    %swap3A_144 = tpu.vector_load %arg12[%swap3A_142, %swap3A_143] {strides = array<i32>} : memref<16x64xf32, #tpu.memory_space<vmem>>, vector<16xf32>,
    tpu.vector_store %arg12[%swap3A_142, %swap3A_143], %broadcast_in_dim3A_136 {strides = array<i32>} : memref<16x64xf32, #tpu.memory_space<vmem>>, vector<16xf32>,
    %swap3A_145 = arith.constant 2 : i32
    %swap3A_146 = arith.index_cast %swap3A_145 : i32 to index
    %swap3A_147 = arith.constant 32 : index
    %swap3A_148 = tpu.vector_load %arg12[%swap3A_146, %swap3A_147] {strides = array<i32>} : memref<16x64xf32, #tpu.memory_space<vmem>>, vector<16xf32>,
    tpu.vector_store %arg12[%swap3A_146, %swap3A_147], %broadcast_in_dim3A_136 {strides = array<i32>} : memref<16x64xf32, #tpu.memory_space<vmem>>, vector<16xf32>,
    %swap3A_149 = arith.constant 3 : i32
    %swap3A_150 = arith.index_cast %swap3A_149 : i32 to index
    %swap3A_151 = arith.constant 32 : index
    %swap3A_152 = tpu.vector_load %arg12[%swap3A_150, %swap3A_151] {strides = array<i32>} : memref<16x64xf32, #tpu.memory_space<vmem>>, vector<16xf32>,
    tpu.vector_store %arg12[%swap3A_150, %swap3A_151], %broadcast_in_dim3A_136 {strides = array<i32>} : memref<16x64xf32, #tpu.memory_space<vmem>>, vector<16xf32>,
    %swap3A_153 = arith.constant 4 : i32
    %swap3A_154 = arith.index_cast %swap3A_153 : i32 to index
    %swap3A_155 = arith.constant 32 : index
    %swap3A_156 = tpu.vector_load %arg12[%swap3A_154, %swap3A_155] {strides = array<i32>} : memref<16x64xf32, #tpu.memory_space<vmem>>, vector<16xf32>,
    tpu.vector_store %arg12[%swap3A_154, %swap3A_155], %broadcast_in_dim3A_136 {strides = array<i32>} : memref<16x64xf32, #tpu.memory_space<vmem>>, vector<16xf32>,
    %swap3A_157 = arith.constant 5 : i32
    %swap3A_158 = arith.index_cast %swap3A_157 : i32 to index
    %swap3A_159 = arith.constant 32 : index
    %swap3A_160 = tpu.vector_load %arg12[%swap3A_158, %swap3A_159] {strides = array<i32>} : memref<16x64xf32, #tpu.memory_space<vmem>>, vector<16xf32>,
    tpu.vector_store %arg12[%swap3A_158, %swap3A_159], %broadcast_in_dim3A_136 {strides = array<i32>} : memref<16x64xf32, #tpu.memory_space<vmem>>, vector<16xf32>,
    %swap3A_161 = arith.constant 6 : i32
    %swap3A_162 = arith.index_cast %swap3A_161 : i32 to index
    %swap3A_163 = arith.constant 32 : index
    %swap3A_164 = tpu.vector_load %arg12[%swap3A_162, %swap3A_163] {strides = array<i32>} : memref<16x64xf32, #tpu.memory_space<vmem>>, vector<16xf32>,
    tpu.vector_store %arg12[%swap3A_162, %swap3A_163], %broadcast_in_dim3A_136 {strides = array<i32>} : memref<16x64xf32, #tpu.memory_space<vmem>>, vector<16xf32>,
    %swap3A_165 = arith.constant 7 : i32
    %swap3A_166 = arith.index_cast %swap3A_165 : i32 to index
    %swap3A_167 = arith.constant 32 : index
    %swap3A_168 = tpu.vector_load %arg12[%swap3A_166, %swap3A_167] {strides = array<i32>} : memref<16x64xf32, #tpu.memory_space<vmem>>, vector<16xf32>,
    tpu.vector_store %arg12[%swap3A_166, %swap3A_167], %broadcast_in_dim3A_136 {strides = array<i32>} : memref<16x64xf32, #tpu.memory_space<vmem>>, vector<16xf32>,
    %swap3A_169 = arith.constant 8 : i32
    %swap3A_170 = arith.index_cast %swap3A_169 : i32 to index
    %swap3A_171 = arith.constant 32 : index
    %swap3A_172 = tpu.vector_load %arg12[%swap3A_170, %swap3A_171] {strides = array<i32>} : memref<16x64xf32, #tpu.memory_space<vmem>>, vector<16xf32>,
    tpu.vector_store %arg12[%swap3A_170, %swap3A_171], %broadcast_in_dim3A_136 {strides = array<i32>} : memref<16x64xf32, #tpu.memory_space<vmem>>, vector<16xf32>,
    %swap3A_173 = arith.constant 9 : i32
    %swap3A_174 = arith.index_cast %swap3A_173 : i32 to index
    %swap3A_175 = arith.constant 32 : index
    %swap3A_176 = tpu.vector_load %arg12[%swap3A_174, %swap3A_175] {strides = array<i32>} : memref<16x64xf32, #tpu.memory_space<vmem>>, vector<16xf32>,
    tpu.vector_store %arg12[%swap3A_174, %swap3A_175], %broadcast_in_dim3A_136 {strides = array<i32>} : memref<16x64xf32, #tpu.memory_space<vmem>>, vector<16xf32>,
    %swap3A_177 = arith.constant 10 : i32
    %swap3A_178 = arith.index_cast %swap3A_177 : i32 to index
    %swap3A_179 = arith.constant 32 : index
    %swap3A_180 = tpu.vector_load %arg12[%swap3A_178, %swap3A_179] {strides = array<i32>} : memref<16x64xf32, #tpu.memory_space<vmem>>, vector<16xf32>,
    tpu.vector_store %arg12[%swap3A_178, %swap3A_179], %broadcast_in_dim3A_136 {strides = array<i32>} : memref<16x64xf32, #tpu.memory_space<vmem>>, vector<16xf32>,
    %swap3A_181 = arith.constant 11 : i32
    %swap3A_182 = arith.index_cast %swap3A_181 : i32 to index
    %swap3A_183 = arith.constant 32 : index
    %swap3A_184 = tpu.vector_load %arg12[%swap3A_182, %swap3A_183] {strides = array<i32>} : memref<16x64xf32, #tpu.memory_space<vmem>>, vector<16xf32>,
    tpu.vector_store %arg12[%swap3A_182, %swap3A_183], %broadcast_in_dim3A_136 {strides = array<i32>} : memref<16x64xf32, #tpu.memory_space<vmem>>, vector<16xf32>,
    %swap3A_185 = arith.constant 12 : i32
    %swap3A_186 = arith.index_cast %swap3A_185 : i32 to index
    %swap3A_187 = arith.constant 32 : index
    %swap3A_188 = tpu.vector_load %arg12[%swap3A_186, %swap3A_187] {strides = array<i32>} : memref<16x64xf32, #tpu.memory_space<vmem>>, vector<16xf32>,
    tpu.vector_store %arg12[%swap3A_186, %swap3A_187], %broadcast_in_dim3A_136 {strides = array<i32>} : memref<16x64xf32, #tpu.memory_space<vmem>>, vector<16xf32>,
    %swap3A_189 = arith.constant 13 : i32
    %swap3A_190 = arith.index_cast %swap3A_189 : i32 to index
    %swap3A_191 = arith.constant 32 : index
    %swap3A_192 = tpu.vector_load %arg12[%swap3A_190, %swap3A_191] {strides = array<i32>} : memref<16x64xf32, #tpu.memory_space<vmem>>, vector<16xf32>,
    tpu.vector_store %arg12[%swap3A_190, %swap3A_191], %broadcast_in_dim3A_136 {strides = array<i32>} : memref<16x64xf32, #tpu.memory_space<vmem>>, vector<16xf32>,
    %swap3A_193 = arith.constant 14 : i32
    %swap3A_194 = arith.index_cast %swap3A_193 : i32 to index
    %swap3A_195 = arith.constant 32 : index
    %swap3A_196 = tpu.vector_load %arg12[%swap3A_194, %swap3A_195] {strides = array<i32>} : memref<16x64xf32, #tpu.memory_space<vmem>>, vector<16xf32>,
    tpu.vector_store %arg12[%swap3A_194, %swap3A_195], %broadcast_in_dim3A_136 {strides = array<i32>} : memref<16x64xf32, #tpu.memory_space<vmem>>, vector<16xf32>,
    %swap3A_197 = arith.constant 15 : i32
    %swap3A_198 = arith.index_cast %swap3A_197 : i32 to index
    %swap3A_199 = arith.constant 32 : index
    %swap3A_200 = tpu.vector_load %arg12[%swap3A_198, %swap3A_199] {strides = array<i32>} : memref<16x64xf32, #tpu.memory_space<vmem>>, vector<16xf32>,
    tpu.vector_store %arg12[%swap3A_198, %swap3A_199], %broadcast_in_dim3A_136 {strides = array<i32>} : memref<16x64xf32, #tpu.memory_space<vmem>>, vector<16xf32>,
    %broadcast_in_dim3A_201 = arith.constant 0.000000e+00 : f32
    %broadcast_in_dim3A_202 = vector.broadcast %broadcast_in_dim3A_201 : f32 to vector<16xf32>
    %swap3A_203 = arith.constant 0 : i32
    %swap3A_204 = arith.index_cast %swap3A_203 : i32 to index
    %swap3A_205 = arith.constant 48 : index
    %swap3A_206 = tpu.vector_load %arg12[%swap3A_204, %swap3A_205] {strides = array<i32>} : memref<16x64xf32, #tpu.memory_space<vmem>>, vector<16xf32>,
    tpu.vector_store %arg12[%swap3A_204, %swap3A_205], %broadcast_in_dim3A_202 {strides = array<i32>} : memref<16x64xf32, #tpu.memory_space<vmem>>, vector<16xf32>,
    %swap3A_207 = arith.constant 1 : i32
    %swap3A_208 = arith.index_cast %swap3A_207 : i32 to index
    %swap3A_209 = arith.constant 48 : index
    %swap3A_210 = tpu.vector_load %arg12[%swap3A_208, %swap3A_209] {strides = array<i32>} : memref<16x64xf32, #tpu.memory_space<vmem>>, vector<16xf32>,
    tpu.vector_store %arg12[%swap3A_208, %swap3A_209], %broadcast_in_dim3A_202 {strides = array<i32>} : memref<16x64xf32, #tpu.memory_space<vmem>>, vector<16xf32>,
    %swap3A_211 = arith.constant 2 : i32
    %swap3A_212 = arith.index_cast %swap3A_211 : i32 to index
    %swap3A_213 = arith.constant 48 : index
    %swap3A_214 = tpu.vector_load %arg12[%swap3A_212, %swap3A_213] {strides = array<i32>} : memref<16x64xf32, #tpu.memory_space<vmem>>, vector<16xf32>,
    tpu.vector_store %arg12[%swap3A_212, %swap3A_213], %broadcast_in_dim3A_202 {strides = array<i32>} : memref<16x64xf32, #tpu.memory_space<vmem>>, vector<16xf32>,
    %swap3A_215 = arith.constant 3 : i32
    %swap3A_216 = arith.index_cast %swap3A_215 : i32 to index
    %swap3A_217 = arith.constant 48 : index
    %swap3A_218 = tpu.vector_load %arg12[%swap3A_216, %swap3A_217] {strides = array<i32>} : memref<16x64xf32, #tpu.memory_space<vmem>>, vector<16xf32>,
    tpu.vector_store %arg12[%swap3A_216, %swap3A_217], %broadcast_in_dim3A_202 {strides = array<i32>} : memref<16x64xf32, #tpu.memory_space<vmem>>, vector<16xf32>,
    %swap3A_219 = arith.constant 4 : i32
    %swap3A_220 = arith.index_cast %swap3A_219 : i32 to index
    %swap3A_221 = arith.constant 48 : index
    %swap3A_222 = tpu.vector_load %arg12[%swap3A_220, %swap3A_221] {strides = array<i32>} : memref<16x64xf32, #tpu.memory_space<vmem>>, vector<16xf32>,
    tpu.vector_store %arg12[%swap3A_220, %swap3A_221], %broadcast_in_dim3A_202 {strides = array<i32>} : memref<16x64xf32, #tpu.memory_space<vmem>>, vector<16xf32>,
    %swap3A_223 = arith.constant 5 : i32
    %swap3A_224 = arith.index_cast %swap3A_223 : i32 to index
    %swap3A_225 = arith.constant 48 : index
    %swap3A_226 = tpu.vector_load %arg12[%swap3A_224, %swap3A_225] {strides = array<i32>} : memref<16x64xf32, #tpu.memory_space<vmem>>, vector<16xf32>,
    tpu.vector_store %arg12[%swap3A_224, %swap3A_225], %broadcast_in_dim3A_202 {strides = array<i32>} : memref<16x64xf32, #tpu.memory_space<vmem>>, vector<16xf32>,
    %swap3A_227 = arith.constant 6 : i32
    %swap3A_228 = arith.index_cast %swap3A_227 : i32 to index
    %swap3A_229 = arith.constant 48 : index
    %swap3A_230 = tpu.vector_load %arg12[%swap3A_228, %swap3A_229] {strides = array<i32>} : memref<16x64xf32, #tpu.memory_space<vmem>>, vector<16xf32>,
    tpu.vector_store %arg12[%swap3A_228, %swap3A_229], %broadcast_in_dim3A_202 {strides = array<i32>} : memref<16x64xf32, #tpu.memory_space<vmem>>, vector<16xf32>,
    %swap3A_231 = arith.constant 7 : i32
    %swap3A_232 = arith.index_cast %swap3A_231 : i32 to index
    %swap3A_233 = arith.constant 48 : index
    %swap3A_234 = tpu.vector_load %arg12[%swap3A_232, %swap3A_233] {strides = array<i32>} : memref<16x64xf32, #tpu.memory_space<vmem>>, vector<16xf32>,
    tpu.vector_store %arg12[%swap3A_232, %swap3A_233], %broadcast_in_dim3A_202 {strides = array<i32>} : memref<16x64xf32, #tpu.memory_space<vmem>>, vector<16xf32>,
    %swap3A_235 = arith.constant 8 : i32
    %swap3A_236 = arith.index_cast %swap3A_235 : i32 to index
    %swap3A_237 = arith.constant 48 : index
    %swap3A_238 = tpu.vector_load %arg12[%swap3A_236, %swap3A_237] {strides = array<i32>} : memref<16x64xf32, #tpu.memory_space<vmem>>, vector<16xf32>,
    tpu.vector_store %arg12[%swap3A_236, %swap3A_237], %broadcast_in_dim3A_202 {strides = array<i32>} : memref<16x64xf32, #tpu.memory_space<vmem>>, vector<16xf32>,
    %swap3A_239 = arith.constant 9 : i32
    %swap3A_240 = arith.index_cast %swap3A_239 : i32 to index
    %swap3A_241 = arith.constant 48 : index
    %swap3A_242 = tpu.vector_load %arg12[%swap3A_240, %swap3A_241] {strides = array<i32>} : memref<16x64xf32, #tpu.memory_space<vmem>>, vector<16xf32>,
    tpu.vector_store %arg12[%swap3A_240, %swap3A_241], %broadcast_in_dim3A_202 {strides = array<i32>} : memref<16x64xf32, #tpu.memory_space<vmem>>, vector<16xf32>,
    %swap3A_243 = arith.constant 10 : i32
    %swap3A_244 = arith.index_cast %swap3A_243 : i32 to index
    %swap3A_245 = arith.constant 48 : index
    %swap3A_246 = tpu.vector_load %arg12[%swap3A_244, %swap3A_245] {strides = array<i32>} : memref<16x64xf32, #tpu.memory_space<vmem>>, vector<16xf32>,
    tpu.vector_store %arg12[%swap3A_244, %swap3A_245], %broadcast_in_dim3A_202 {strides = array<i32>} : memref<16x64xf32, #tpu.memory_space<vmem>>, vector<16xf32>,
    %swap3A_247 = arith.constant 11 : i32
    %swap3A_248 = arith.index_cast %swap3A_247 : i32 to index
    %swap3A_249 = arith.constant 48 : index
    %swap3A_250 = tpu.vector_load %arg12[%swap3A_248, %swap3A_249] {strides = array<i32>} : memref<16x64xf32, #tpu.memory_space<vmem>>, vector<16xf32>,
    tpu.vector_store %arg12[%swap3A_248, %swap3A_249], %broadcast_in_dim3A_202 {strides = array<i32>} : memref<16x64xf32, #tpu.memory_space<vmem>>, vector<16xf32>,
    %swap3A_251 = arith.constant 12 : i32
    %swap3A_252 = arith.index_cast %swap3A_251 : i32 to index
    %swap3A_253 = arith.constant 48 : index
    %swap3A_254 = tpu.vector_load %arg12[%swap3A_252, %swap3A_253] {strides = array<i32>} : memref<16x64xf32, #tpu.memory_space<vmem>>, vector<16xf32>,
    tpu.vector_store %arg12[%swap3A_252, %swap3A_253], %broadcast_in_dim3A_202 {strides = array<i32>} : memref<16x64xf32, #tpu.memory_space<vmem>>, vector<16xf32>,
    %swap3A_255 = arith.constant 13 : i32
    %swap3A_256 = arith.index_cast %swap3A_255 : i32 to index
    %swap3A_257 = arith.constant 48 : index
    %swap3A_258 = tpu.vector_load %arg12[%swap3A_256, %swap3A_257] {strides = array<i32>} : memref<16x64xf32, #tpu.memory_space<vmem>>, vector<16xf32>,
    tpu.vector_store %arg12[%swap3A_256, %swap3A_257], %broadcast_in_dim3A_202 {strides = array<i32>} : memref<16x64xf32, #tpu.memory_space<vmem>>, vector<16xf32>,
    %swap3A_259 = arith.constant 14 : i32
    %swap3A_260 = arith.index_cast %swap3A_259 : i32 to index
    %swap3A_261 = arith.constant 48 : index
    %swap3A_262 = tpu.vector_load %arg12[%swap3A_260, %swap3A_261] {strides = array<i32>} : memref<16x64xf32, #tpu.memory_space<vmem>>, vector<16xf32>,
    tpu.vector_store %arg12[%swap3A_260, %swap3A_261], %broadcast_in_dim3A_202 {strides = array<i32>} : memref<16x64xf32, #tpu.memory_space<vmem>>, vector<16xf32>,
    %swap3A_263 = arith.constant 15 : i32
    %swap3A_264 = arith.index_cast %swap3A_263 : i32 to index
    %swap3A_265 = arith.constant 48 : index
    %swap3A_266 = tpu.vector_load %arg12[%swap3A_264, %swap3A_265] {strides = array<i32>} : memref<16x64xf32, #tpu.memory_space<vmem>>, vector<16xf32>,
    tpu.vector_store %arg12[%swap3A_264, %swap3A_265], %broadcast_in_dim3A_202 {strides = array<i32>} : memref<16x64xf32, #tpu.memory_space<vmem>>, vector<16xf32>,
    %scan3A = arith.constant 0 : i32
    %scan3A_267 = arith.constant 40 : i32
    %scan3A_268 = arith.addi %scan3A, %scan3A_267 : i32
    %scan3A_269 = arith.constant 1 : i32
    scf.for %scan3A_680 = %scan3A to %scan3A_268 step %scan3A_269  : i32 {
      %mul3A_681 = arith.constant 1 : i32
      %mul3A_682 = arith.muli %scan3A_680, %mul3A_681 : i32
      %add3A_683 = arith.constant 0 : i32
      %add3A_684 = arith.addi %add3A_683, %mul3A_682 : i32
      %mul3A_685 = arith.constant 640 : i32
      %mul3A_686 = arith.muli %arg1, %mul3A_685 : i32
      %mul3A_687 = arith.constant 16 : i32
      %mul3A_688 = arith.muli %add3A_684, %mul3A_687 : i32
      %add3A_689 = arith.addi %mul3A_686, %mul3A_688 : i32
      %dma_start3A_690 = arith.constant 0 : i32
      %dma_start3A_691 = tpu.memref_slice %arg23[%add3A_689, %dma_start3A_690] : memref<10240x64xf32, #tpu.memory_space<vmem_shared>> -> memref<16x64xf32, #tpu.memory_space<vmem_shared>>
      %dma_start3A_692 = arith.constant 0 : i32
      %dma_start3A_693 = tpu.memref_slice %arg23[%add3A_689, %dma_start3A_692] : memref<10240x64xf32, #tpu.memory_space<vmem_shared>> -> memref<16x64xf32, #tpu.memory_space<vmem_shared>>
      tpu.enqueue_dma source(%arg12 : memref<16x64xf32, #tpu.memory_space<vmem>>) target(%dma_start3A_693 : memref<16x64xf32, #tpu.memory_space<vmem_shared>>) target_semaphore(%arg21 : memref<!tpu.dma_semaphore, #tpu.memory_space<semaphore_mem>>)
    }
    %scan3A_270 = arith.constant 40 : i32
    %scan3A_271 = arith.constant 0 : i32
    %scan3A_272 = arith.constant 40 : i32
    %scan3A_273 = arith.addi %scan3A_271, %scan3A_272 : i32
    %scan3A_274 = arith.constant 1 : i32
    scf.for %scan3A_680 = %scan3A_271 to %scan3A_273 step %scan3A_274  : i32 {
      %mul3A_681 = arith.constant 1 : i32
      %mul3A_682 = arith.muli %scan3A_680, %mul3A_681 : i32
      %add3A_683 = arith.constant 0 : i32
      %add3A_684 = arith.addi %add3A_683, %mul3A_682 : i32
      %mul3A_685 = arith.constant 640 : i32
      %mul3A_686 = arith.muli %arg1, %mul3A_685 : i32
      %dma_wait3A_687 = arith.constant 0 : i32
      %dma_wait3A_688 = tpu.memref_slice %arg23[%mul3A_686, %dma_wait3A_687] : memref<10240x64xf32, #tpu.memory_space<vmem_shared>> -> memref<16x64xf32, #tpu.memory_space<vmem_shared>>
      %dma_wait3A_689 = arith.constant 0 : i32
      %dma_wait3A_690 = tpu.memref_slice %arg23[%mul3A_686, %dma_wait3A_689] : memref<10240x64xf32, #tpu.memory_space<vmem_shared>> -> memref<16x64xf32, #tpu.memory_space<vmem_shared>>
      tpu.wait_dma2 semaphore(%arg21 : memref<!tpu.dma_semaphore, #tpu.memory_space<semaphore_mem>>) src(%arg12 : memref<16x64xf32, #tpu.memory_space<vmem>>) dst(%dma_wait3A_690 : memref<16x64xf32, #tpu.memory_space<vmem_shared>>)
    }
    %scan3A_275 = arith.constant 40 : i32
    %mul3A_276 = arith.constant 160 : i32
    %mul3A_277 = arith.muli %arg1, %mul3A_276 : i32
    %add3A_278 = arith.constant 0 : i32
    %add3A_279 = arith.addi %mul3A_277, %add3A_278 : i32
    %dma_start3A = arith.constant 0 : i32
    %dma_start3A_280 = arith.constant 0 : i32
    %dma_start3A_281 = tpu.memref_slice %arg6[%dma_start3A, %dma_start3A_280] : memref<24x128xi32, #tpu.memory_space<vmem>> -> memref<8x128xi32, #tpu.memory_space<vmem>>
    %dma_start3A_282 = arith.constant 0 : i32
    %dma_start3A_283 = tpu.memref_slice %arg3[%add3A_279, %dma_start3A_282] : memref<2576x128xi32, #tpu.memory_space<hbm>> -> memref<8x128xi32, #tpu.memory_space<hbm>>
    %dma_start3A_284 = arith.constant 0 : i32
    %dma_start3A_285 = arith.constant 0 : i32
    %dma_start3A_286 = tpu.memref_slice %arg6[%dma_start3A_284, %dma_start3A_285] : memref<24x128xi32, #tpu.memory_space<vmem>> -> memref<8x128xi32, #tpu.memory_space<vmem>>
    %dma_start3A_287 = arith.constant 0 : i32
    %dma_start3A_288 = tpu.memref_slice %arg3[%add3A_279, %dma_start3A_287] : memref<2576x128xi32, #tpu.memory_space<hbm>> -> memref<8x128xi32, #tpu.memory_space<hbm>>
    tpu.enqueue_dma source(%dma_start3A_288 : memref<8x128xi32, #tpu.memory_space<hbm>>) target(%dma_start3A_286 : memref<8x128xi32, #tpu.memory_space<vmem>>) target_semaphore(%arg21 : memref<!tpu.dma_semaphore, #tpu.memory_space<semaphore_mem>>)
    %dma_start3A_289 = arith.constant 0 : i32
    %dma_start3A_290 = arith.constant 0 : i32
    %dma_start3A_291 = tpu.memref_slice %arg7[%dma_start3A_289, %dma_start3A_290] : memref<24x128xi32, #tpu.memory_space<vmem>> -> memref<8x128xi32, #tpu.memory_space<vmem>>
    %dma_start3A_292 = arith.constant 0 : i32
    %dma_start3A_293 = tpu.memref_slice %arg4[%add3A_279, %dma_start3A_292] : memref<2576x128xi32, #tpu.memory_space<hbm>> -> memref<8x128xi32, #tpu.memory_space<hbm>>
    %dma_start3A_294 = arith.constant 0 : i32
    %dma_start3A_295 = arith.constant 0 : i32
    %dma_start3A_296 = tpu.memref_slice %arg7[%dma_start3A_294, %dma_start3A_295] : memref<24x128xi32, #tpu.memory_space<vmem>> -> memref<8x128xi32, #tpu.memory_space<vmem>>
    %dma_start3A_297 = arith.constant 0 : i32
    %dma_start3A_298 = tpu.memref_slice %arg4[%add3A_279, %dma_start3A_297] : memref<2576x128xi32, #tpu.memory_space<hbm>> -> memref<8x128xi32, #tpu.memory_space<hbm>>
    tpu.enqueue_dma source(%dma_start3A_298 : memref<8x128xi32, #tpu.memory_space<hbm>>) target(%dma_start3A_296 : memref<8x128xi32, #tpu.memory_space<vmem>>) target_semaphore(%arg21 : memref<!tpu.dma_semaphore, #tpu.memory_space<semaphore_mem>>)
    %mul3A_299 = arith.constant 160 : i32
    %mul3A_300 = arith.muli %arg1, %mul3A_299 : i32
    %add3A_301 = arith.constant 8 : i32
    %add3A_302 = arith.addi %mul3A_300, %add3A_301 : i32
    %dma_start3A_303 = arith.constant 8 : i32
    %dma_start3A_304 = arith.constant 0 : i32
    %dma_start3A_305 = tpu.memref_slice %arg6[%dma_start3A_303, %dma_start3A_304] : memref<24x128xi32, #tpu.memory_space<vmem>> -> memref<8x128xi32, #tpu.memory_space<vmem>>
    %dma_start3A_306 = arith.constant 0 : i32
    %dma_start3A_307 = tpu.memref_slice %arg3[%add3A_302, %dma_start3A_306] : memref<2576x128xi32, #tpu.memory_space<hbm>> -> memref<8x128xi32, #tpu.memory_space<hbm>>
    %dma_start3A_308 = arith.constant 8 : i32
    %dma_start3A_309 = arith.constant 0 : i32
    %dma_start3A_310 = tpu.memref_slice %arg6[%dma_start3A_308, %dma_start3A_309] : memref<24x128xi32, #tpu.memory_space<vmem>> -> memref<8x128xi32, #tpu.memory_space<vmem>>
    %dma_start3A_311 = arith.constant 0 : i32
    %dma_start3A_312 = tpu.memref_slice %arg3[%add3A_302, %dma_start3A_311] : memref<2576x128xi32, #tpu.memory_space<hbm>> -> memref<8x128xi32, #tpu.memory_space<hbm>>
    tpu.enqueue_dma source(%dma_start3A_312 : memref<8x128xi32, #tpu.memory_space<hbm>>) target(%dma_start3A_310 : memref<8x128xi32, #tpu.memory_space<vmem>>) target_semaphore(%arg21 : memref<!tpu.dma_semaphore, #tpu.memory_space<semaphore_mem>>)
    %dma_start3A_313 = arith.constant 8 : i32
    %dma_start3A_314 = arith.constant 0 : i32
    %dma_start3A_315 = tpu.memref_slice %arg7[%dma_start3A_313, %dma_start3A_314] : memref<24x128xi32, #tpu.memory_space<vmem>> -> memref<8x128xi32, #tpu.memory_space<vmem>>
    %dma_start3A_316 = arith.constant 0 : i32
    %dma_start3A_317 = tpu.memref_slice %arg4[%add3A_302, %dma_start3A_316] : memref<2576x128xi32, #tpu.memory_space<hbm>> -> memref<8x128xi32, #tpu.memory_space<hbm>>
    %dma_start3A_318 = arith.constant 8 : i32
    %dma_start3A_319 = arith.constant 0 : i32
    %dma_start3A_320 = tpu.memref_slice %arg7[%dma_start3A_318, %dma_start3A_319] : memref<24x128xi32, #tpu.memory_space<vmem>> -> memref<8x128xi32, #tpu.memory_space<vmem>>
    %dma_start3A_321 = arith.constant 0 : i32
    %dma_start3A_322 = tpu.memref_slice %arg4[%add3A_302, %dma_start3A_321] : memref<2576x128xi32, #tpu.memory_space<hbm>> -> memref<8x128xi32, #tpu.memory_space<hbm>>
    tpu.enqueue_dma source(%dma_start3A_322 : memref<8x128xi32, #tpu.memory_space<hbm>>) target(%dma_start3A_320 : memref<8x128xi32, #tpu.memory_space<vmem>>) target_semaphore(%arg21 : memref<!tpu.dma_semaphore, #tpu.memory_space<semaphore_mem>>)
    %mul3A_323 = arith.constant 160 : i32
    %mul3A_324 = arith.muli %arg1, %mul3A_323 : i32
    %add3A_325 = arith.constant 16 : i32
    %add3A_326 = arith.addi %mul3A_324, %add3A_325 : i32
    %dma_start3A_327 = arith.constant 16 : i32
    %dma_start3A_328 = arith.constant 0 : i32
    %dma_start3A_329 = tpu.memref_slice %arg6[%dma_start3A_327, %dma_start3A_328] : memref<24x128xi32, #tpu.memory_space<vmem>> -> memref<8x128xi32, #tpu.memory_space<vmem>>
    %dma_start3A_330 = arith.constant 0 : i32
    %dma_start3A_331 = tpu.memref_slice %arg3[%add3A_326, %dma_start3A_330] : memref<2576x128xi32, #tpu.memory_space<hbm>> -> memref<8x128xi32, #tpu.memory_space<hbm>>
    %dma_start3A_332 = arith.constant 16 : i32
    %dma_start3A_333 = arith.constant 0 : i32
    %dma_start3A_334 = tpu.memref_slice %arg6[%dma_start3A_332, %dma_start3A_333] : memref<24x128xi32, #tpu.memory_space<vmem>> -> memref<8x128xi32, #tpu.memory_space<vmem>>
    %dma_start3A_335 = arith.constant 0 : i32
    %dma_start3A_336 = tpu.memref_slice %arg3[%add3A_326, %dma_start3A_335] : memref<2576x128xi32, #tpu.memory_space<hbm>> -> memref<8x128xi32, #tpu.memory_space<hbm>>
    tpu.enqueue_dma source(%dma_start3A_336 : memref<8x128xi32, #tpu.memory_space<hbm>>) target(%dma_start3A_334 : memref<8x128xi32, #tpu.memory_space<vmem>>) target_semaphore(%arg21 : memref<!tpu.dma_semaphore, #tpu.memory_space<semaphore_mem>>)
    %dma_start3A_337 = arith.constant 16 : i32
    %dma_start3A_338 = arith.constant 0 : i32
    %dma_start3A_339 = tpu.memref_slice %arg7[%dma_start3A_337, %dma_start3A_338] : memref<24x128xi32, #tpu.memory_space<vmem>> -> memref<8x128xi32, #tpu.memory_space<vmem>>
    %dma_start3A_340 = arith.constant 0 : i32
    %dma_start3A_341 = tpu.memref_slice %arg4[%add3A_326, %dma_start3A_340] : memref<2576x128xi32, #tpu.memory_space<hbm>> -> memref<8x128xi32, #tpu.memory_space<hbm>>
    %dma_start3A_342 = arith.constant 16 : i32
    %dma_start3A_343 = arith.constant 0 : i32
    %dma_start3A_344 = tpu.memref_slice %arg7[%dma_start3A_342, %dma_start3A_343] : memref<24x128xi32, #tpu.memory_space<vmem>> -> memref<8x128xi32, #tpu.memory_space<vmem>>
    %dma_start3A_345 = arith.constant 0 : i32
    %dma_start3A_346 = tpu.memref_slice %arg4[%add3A_326, %dma_start3A_345] : memref<2576x128xi32, #tpu.memory_space<hbm>> -> memref<8x128xi32, #tpu.memory_space<hbm>>
    tpu.enqueue_dma source(%dma_start3A_346 : memref<8x128xi32, #tpu.memory_space<hbm>>) target(%dma_start3A_344 : memref<8x128xi32, #tpu.memory_space<vmem>>) target_semaphore(%arg21 : memref<!tpu.dma_semaphore, #tpu.memory_space<semaphore_mem>>)
    %dma_wait3A = arith.constant 0 : i32
    %dma_wait3A_347 = arith.constant 0 : i32
    %dma_wait3A_348 = tpu.memref_slice %arg6[%dma_wait3A, %dma_wait3A_347] : memref<24x128xi32, #tpu.memory_space<vmem>> -> memref<8x128xi32, #tpu.memory_space<vmem>>
    %dma_wait3A_349 = arith.constant 0 : i32
    %dma_wait3A_350 = arith.constant 0 : i32
    %dma_wait3A_351 = tpu.memref_slice %arg3[%dma_wait3A_349, %dma_wait3A_350] : memref<2576x128xi32, #tpu.memory_space<hbm>> -> memref<8x128xi32, #tpu.memory_space<hbm>>
    %dma_wait3A_352 = arith.constant 0 : i32
    %dma_wait3A_353 = arith.constant 0 : i32
    %dma_wait3A_354 = tpu.memref_slice %arg6[%dma_wait3A_352, %dma_wait3A_353] : memref<24x128xi32, #tpu.memory_space<vmem>> -> memref<8x128xi32, #tpu.memory_space<vmem>>
    %dma_wait3A_355 = arith.constant 0 : i32
    %dma_wait3A_356 = arith.constant 0 : i32
    %dma_wait3A_357 = tpu.memref_slice %arg3[%dma_wait3A_355, %dma_wait3A_356] : memref<2576x128xi32, #tpu.memory_space<hbm>> -> memref<8x128xi32, #tpu.memory_space<hbm>>
    tpu.wait_dma2 semaphore(%arg21 : memref<!tpu.dma_semaphore, #tpu.memory_space<semaphore_mem>>) src(%dma_wait3A_357 : memref<8x128xi32, #tpu.memory_space<hbm>>) dst(%dma_wait3A_354 : memref<8x128xi32, #tpu.memory_space<vmem>>)
    %dma_wait3A_358 = arith.constant 0 : i32
    %dma_wait3A_359 = arith.constant 0 : i32
    %dma_wait3A_360 = tpu.memref_slice %arg7[%dma_wait3A_358, %dma_wait3A_359] : memref<24x128xi32, #tpu.memory_space<vmem>> -> memref<8x128xi32, #tpu.memory_space<vmem>>
    %dma_wait3A_361 = arith.constant 0 : i32
    %dma_wait3A_362 = arith.constant 0 : i32
    %dma_wait3A_363 = tpu.memref_slice %arg4[%dma_wait3A_361, %dma_wait3A_362] : memref<2576x128xi32, #tpu.memory_space<hbm>> -> memref<8x128xi32, #tpu.memory_space<hbm>>
    %dma_wait3A_364 = arith.constant 0 : i32
    %dma_wait3A_365 = arith.constant 0 : i32
    %dma_wait3A_366 = tpu.memref_slice %arg7[%dma_wait3A_364, %dma_wait3A_365] : memref<24x128xi32, #tpu.memory_space<vmem>> -> memref<8x128xi32, #tpu.memory_space<vmem>>
    %dma_wait3A_367 = arith.constant 0 : i32
    %dma_wait3A_368 = arith.constant 0 : i32
    %dma_wait3A_369 = tpu.memref_slice %arg4[%dma_wait3A_367, %dma_wait3A_368] : memref<2576x128xi32, #tpu.memory_space<hbm>> -> memref<8x128xi32, #tpu.memory_space<hbm>>
    tpu.wait_dma2 semaphore(%arg21 : memref<!tpu.dma_semaphore, #tpu.memory_space<semaphore_mem>>) src(%dma_wait3A_369 : memref<8x128xi32, #tpu.memory_space<hbm>>) dst(%dma_wait3A_366 : memref<8x128xi32, #tpu.memory_space<vmem>>)
    %dma_wait3A_370 = arith.constant 0 : i32
    %dma_wait3A_371 = arith.constant 0 : i32
    %dma_wait3A_372 = tpu.memref_slice %arg6[%dma_wait3A_370, %dma_wait3A_371] : memref<24x128xi32, #tpu.memory_space<vmem>> -> memref<8x128xi32, #tpu.memory_space<vmem>>
    %dma_wait3A_373 = arith.constant 0 : i32
    %dma_wait3A_374 = arith.constant 0 : i32
    %dma_wait3A_375 = tpu.memref_slice %arg3[%dma_wait3A_373, %dma_wait3A_374] : memref<2576x128xi32, #tpu.memory_space<hbm>> -> memref<8x128xi32, #tpu.memory_space<hbm>>
    %dma_wait3A_376 = arith.constant 0 : i32
    %dma_wait3A_377 = arith.constant 0 : i32
    %dma_wait3A_378 = tpu.memref_slice %arg6[%dma_wait3A_376, %dma_wait3A_377] : memref<24x128xi32, #tpu.memory_space<vmem>> -> memref<8x128xi32, #tpu.memory_space<vmem>>
    %dma_wait3A_379 = arith.constant 0 : i32
    %dma_wait3A_380 = arith.constant 0 : i32
    %dma_wait3A_381 = tpu.memref_slice %arg3[%dma_wait3A_379, %dma_wait3A_380] : memref<2576x128xi32, #tpu.memory_space<hbm>> -> memref<8x128xi32, #tpu.memory_space<hbm>>
    tpu.wait_dma2 semaphore(%arg21 : memref<!tpu.dma_semaphore, #tpu.memory_space<semaphore_mem>>) src(%dma_wait3A_381 : memref<8x128xi32, #tpu.memory_space<hbm>>) dst(%dma_wait3A_378 : memref<8x128xi32, #tpu.memory_space<vmem>>)
    %dma_wait3A_382 = arith.constant 0 : i32
    %dma_wait3A_383 = arith.constant 0 : i32
    %dma_wait3A_384 = tpu.memref_slice %arg7[%dma_wait3A_382, %dma_wait3A_383] : memref<24x128xi32, #tpu.memory_space<vmem>> -> memref<8x128xi32, #tpu.memory_space<vmem>>
    %dma_wait3A_385 = arith.constant 0 : i32
    %dma_wait3A_386 = arith.constant 0 : i32
    %dma_wait3A_387 = tpu.memref_slice %arg4[%dma_wait3A_385, %dma_wait3A_386] : memref<2576x128xi32, #tpu.memory_space<hbm>> -> memref<8x128xi32, #tpu.memory_space<hbm>>
    %dma_wait3A_388 = arith.constant 0 : i32
    %dma_wait3A_389 = arith.constant 0 : i32
    %dma_wait3A_390 = tpu.memref_slice %arg7[%dma_wait3A_388, %dma_wait3A_389] : memref<24x128xi32, #tpu.memory_space<vmem>> -> memref<8x128xi32, #tpu.memory_space<vmem>>
    %dma_wait3A_391 = arith.constant 0 : i32
    %dma_wait3A_392 = arith.constant 0 : i32
    %dma_wait3A_393 = tpu.memref_slice %arg4[%dma_wait3A_391, %dma_wait3A_392] : memref<2576x128xi32, #tpu.memory_space<hbm>> -> memref<8x128xi32, #tpu.memory_space<hbm>>
    tpu.wait_dma2 semaphore(%arg21 : memref<!tpu.dma_semaphore, #tpu.memory_space<semaphore_mem>>) src(%dma_wait3A_393 : memref<8x128xi32, #tpu.memory_space<hbm>>) dst(%dma_wait3A_390 : memref<8x128xi32, #tpu.memory_space<vmem>>)
    %barrier3A = arith.constant 0 : index
    tpu.barrier barrier_id(%barrier3A)
    %dma_start3A_394 = arith.constant 0 : i32
    %dma_start3A_395 = arith.constant 0 : i32
    %dma_start3A_396 = tpu.memref_slice %arg6[%dma_start3A_394, %dma_start3A_395] : memref<24x128xi32, #tpu.memory_space<vmem>> -> memref<1x128xi32, #tpu.memory_space<vmem>>
    %dma_start3A_397 = tpu.memref_squeeze %dma_start3A_396 : memref<1x128xi32, #tpu.memory_space<vmem>> -> memref<128xi32, #tpu.memory_space<vmem>>
    %dma_start3A_398 = arith.constant 0 : i32
    %dma_start3A_399 = arith.constant 0 : i32
    %dma_start3A_400 = tpu.memref_slice %arg22[%dma_start3A_398, %dma_start3A_399] : memref<10240x64xf32, #tpu.memory_space<vmem_shared>> -> memref<10240x64xf32, #tpu.memory_space<vmem_shared>>
    tpu.enqueue_indirect_dma source(%dma_start3A_400 : memref<10240x64xf32, #tpu.memory_space<vmem_shared>>) target(%arg8 : memref<128x64xf32, #tpu.memory_space<vmem>>) offsets(%dma_start3A_397 : memref<128xi32, #tpu.memory_space<vmem>>) semaphore(%arg13 : memref<!tpu.dma_semaphore, #tpu.memory_space<semaphore_mem>>)
    %dma_start3A_401 = arith.constant 1 : i32
    %dma_start3A_402 = arith.constant 0 : i32
    %dma_start3A_403 = tpu.memref_slice %arg6[%dma_start3A_401, %dma_start3A_402] : memref<24x128xi32, #tpu.memory_space<vmem>> -> memref<1x128xi32, #tpu.memory_space<vmem>>
    %dma_start3A_404 = tpu.memref_squeeze %dma_start3A_403 : memref<1x128xi32, #tpu.memory_space<vmem>> -> memref<128xi32, #tpu.memory_space<vmem>>
    %dma_start3A_405 = arith.constant 0 : i32
    %dma_start3A_406 = arith.constant 0 : i32
    %dma_start3A_407 = tpu.memref_slice %arg22[%dma_start3A_405, %dma_start3A_406] : memref<10240x64xf32, #tpu.memory_space<vmem_shared>> -> memref<10240x64xf32, #tpu.memory_space<vmem_shared>>
    tpu.enqueue_indirect_dma source(%dma_start3A_407 : memref<10240x64xf32, #tpu.memory_space<vmem_shared>>) target(%arg9 : memref<128x64xf32, #tpu.memory_space<vmem>>) offsets(%dma_start3A_404 : memref<128xi32, #tpu.memory_space<vmem>>) semaphore(%arg14 : memref<!tpu.dma_semaphore, #tpu.memory_space<semaphore_mem>>)
    %dma_start3A_408 = arith.constant 2 : i32
    %dma_start3A_409 = arith.constant 0 : i32
    %dma_start3A_410 = tpu.memref_slice %arg6[%dma_start3A_408, %dma_start3A_409] : memref<24x128xi32, #tpu.memory_space<vmem>> -> memref<1x128xi32, #tpu.memory_space<vmem>>
    %dma_start3A_411 = tpu.memref_squeeze %dma_start3A_410 : memref<1x128xi32, #tpu.memory_space<vmem>> -> memref<128xi32, #tpu.memory_space<vmem>>
    %dma_start3A_412 = arith.constant 0 : i32
    %dma_start3A_413 = arith.constant 0 : i32
    %dma_start3A_414 = tpu.memref_slice %arg22[%dma_start3A_412, %dma_start3A_413] : memref<10240x64xf32, #tpu.memory_space<vmem_shared>> -> memref<10240x64xf32, #tpu.memory_space<vmem_shared>>
    tpu.enqueue_indirect_dma source(%dma_start3A_414 : memref<10240x64xf32, #tpu.memory_space<vmem_shared>>) target(%arg10 : memref<128x64xf32, #tpu.memory_space<vmem>>) offsets(%dma_start3A_411 : memref<128xi32, #tpu.memory_space<vmem>>) semaphore(%arg15 : memref<!tpu.dma_semaphore, #tpu.memory_space<semaphore_mem>>)
    %dma_wait3A_415 = arith.constant 0 : i32
    %dma_wait3A_416 = arith.constant 0 : i32
    %dma_wait3A_417 = tpu.memref_slice %arg6[%dma_wait3A_415, %dma_wait3A_416] : memref<24x128xi32, #tpu.memory_space<vmem>> -> memref<1x128xi32, #tpu.memory_space<vmem>>
    %dma_wait3A_418 = tpu.memref_squeeze %dma_wait3A_417 : memref<1x128xi32, #tpu.memory_space<vmem>> -> memref<128xi32, #tpu.memory_space<vmem>>
    %dma_wait3A_419 = arith.constant 0 : i32
    %dma_wait3A_420 = arith.constant 0 : i32
    %dma_wait3A_421 = tpu.memref_slice %arg22[%dma_wait3A_419, %dma_wait3A_420] : memref<10240x64xf32, #tpu.memory_space<vmem_shared>> -> memref<10240x64xf32, #tpu.memory_space<vmem_shared>>
    tpu.wait_indirect_dma semaphore(%arg13 : memref<!tpu.dma_semaphore, #tpu.memory_space<semaphore_mem>>) src(%dma_wait3A_421 : memref<10240x64xf32, #tpu.memory_space<vmem_shared>>) dst(%arg8 : memref<128x64xf32, #tpu.memory_space<vmem>>)
    %dma_start3A_422 = arith.constant 0 : i32
    %dma_start3A_423 = arith.constant 0 : i32
    %dma_start3A_424 = tpu.memref_slice %arg7[%dma_start3A_422, %dma_start3A_423] : memref<24x128xi32, #tpu.memory_space<vmem>> -> memref<1x128xi32, #tpu.memory_space<vmem>>
    %dma_start3A_425 = tpu.memref_squeeze %dma_start3A_424 : memref<1x128xi32, #tpu.memory_space<vmem>> -> memref<128xi32, #tpu.memory_space<vmem>>
    %dma_start3A_426 = arith.constant 0 : i32
    %dma_start3A_427 = arith.constant 0 : i32
    %dma_start3A_428 = tpu.memref_slice %arg23[%dma_start3A_426, %dma_start3A_427] : memref<10240x64xf32, #tpu.memory_space<vmem_shared>> -> memref<10240x64xf32, #tpu.memory_space<vmem_shared>>
    tpu.enqueue_indirect_dma source(%arg8 : memref<128x64xf32, #tpu.memory_space<vmem>>) target(%dma_start3A_428 : memref<10240x64xf32, #tpu.memory_space<vmem_shared>>) offsets(%dma_start3A_425 : memref<128xi32, #tpu.memory_space<vmem>>) semaphore(%arg17 : memref<!tpu.dma_semaphore, #tpu.memory_space<semaphore_mem>>) {add = true}
    %dma_start3A_429 = arith.constant 3 : i32
    %dma_start3A_430 = arith.constant 0 : i32
    %dma_start3A_431 = tpu.memref_slice %arg6[%dma_start3A_429, %dma_start3A_430] : memref<24x128xi32, #tpu.memory_space<vmem>> -> memref<1x128xi32, #tpu.memory_space<vmem>>
    %dma_start3A_432 = tpu.memref_squeeze %dma_start3A_431 : memref<1x128xi32, #tpu.memory_space<vmem>> -> memref<128xi32, #tpu.memory_space<vmem>>
    %dma_start3A_433 = arith.constant 0 : i32
    %dma_start3A_434 = arith.constant 0 : i32
    %dma_start3A_435 = tpu.memref_slice %arg22[%dma_start3A_433, %dma_start3A_434] : memref<10240x64xf32, #tpu.memory_space<vmem_shared>> -> memref<10240x64xf32, #tpu.memory_space<vmem_shared>>
    tpu.enqueue_indirect_dma source(%dma_start3A_435 : memref<10240x64xf32, #tpu.memory_space<vmem_shared>>) target(%arg11 : memref<128x64xf32, #tpu.memory_space<vmem>>) offsets(%dma_start3A_432 : memref<128xi32, #tpu.memory_space<vmem>>) semaphore(%arg16 : memref<!tpu.dma_semaphore, #tpu.memory_space<semaphore_mem>>)
    %dma_wait3A_436 = arith.constant 0 : i32
    %dma_wait3A_437 = arith.constant 0 : i32
    %dma_wait3A_438 = tpu.memref_slice %arg6[%dma_wait3A_436, %dma_wait3A_437] : memref<24x128xi32, #tpu.memory_space<vmem>> -> memref<1x128xi32, #tpu.memory_space<vmem>>
    %dma_wait3A_439 = tpu.memref_squeeze %dma_wait3A_438 : memref<1x128xi32, #tpu.memory_space<vmem>> -> memref<128xi32, #tpu.memory_space<vmem>>
    %dma_wait3A_440 = arith.constant 0 : i32
    %dma_wait3A_441 = arith.constant 0 : i32
    %dma_wait3A_442 = tpu.memref_slice %arg22[%dma_wait3A_440, %dma_wait3A_441] : memref<10240x64xf32, #tpu.memory_space<vmem_shared>> -> memref<10240x64xf32, #tpu.memory_space<vmem_shared>>
    tpu.wait_indirect_dma semaphore(%arg14 : memref<!tpu.dma_semaphore, #tpu.memory_space<semaphore_mem>>) src(%dma_wait3A_442 : memref<10240x64xf32, #tpu.memory_space<vmem_shared>>) dst(%arg9 : memref<128x64xf32, #tpu.memory_space<vmem>>)
    %dma_start3A_443 = arith.constant 1 : i32
    %dma_start3A_444 = arith.constant 0 : i32
    %dma_start3A_445 = tpu.memref_slice %arg7[%dma_start3A_443, %dma_start3A_444] : memref<24x128xi32, #tpu.memory_space<vmem>> -> memref<1x128xi32, #tpu.memory_space<vmem>>
    %dma_start3A_446 = tpu.memref_squeeze %dma_start3A_445 : memref<1x128xi32, #tpu.memory_space<vmem>> -> memref<128xi32, #tpu.memory_space<vmem>>
    %dma_start3A_447 = arith.constant 0 : i32
    %dma_start3A_448 = arith.constant 0 : i32
    %dma_start3A_449 = tpu.memref_slice %arg23[%dma_start3A_447, %dma_start3A_448] : memref<10240x64xf32, #tpu.memory_space<vmem_shared>> -> memref<10240x64xf32, #tpu.memory_space<vmem_shared>>
    tpu.enqueue_indirect_dma source(%arg9 : memref<128x64xf32, #tpu.memory_space<vmem>>) target(%dma_start3A_449 : memref<10240x64xf32, #tpu.memory_space<vmem_shared>>) offsets(%dma_start3A_446 : memref<128xi32, #tpu.memory_space<vmem>>) semaphore(%arg18 : memref<!tpu.dma_semaphore, #tpu.memory_space<semaphore_mem>>) {add = true}
    %dma_wait3A_450 = arith.constant 0 : i32
    %dma_wait3A_451 = arith.constant 0 : i32
    %dma_wait3A_452 = tpu.memref_slice %arg7[%dma_wait3A_450, %dma_wait3A_451] : memref<24x128xi32, #tpu.memory_space<vmem>> -> memref<1x128xi32, #tpu.memory_space<vmem>>
    %dma_wait3A_453 = tpu.memref_squeeze %dma_wait3A_452 : memref<1x128xi32, #tpu.memory_space<vmem>> -> memref<128xi32, #tpu.memory_space<vmem>>
    %dma_wait3A_454 = arith.constant 0 : i32
    %dma_wait3A_455 = arith.constant 0 : i32
    %dma_wait3A_456 = tpu.memref_slice %arg23[%dma_wait3A_454, %dma_wait3A_455] : memref<10240x64xf32, #tpu.memory_space<vmem_shared>> -> memref<10240x64xf32, #tpu.memory_space<vmem_shared>>
    tpu.wait_indirect_dma semaphore(%arg17 : memref<!tpu.dma_semaphore, #tpu.memory_space<semaphore_mem>>) src(%arg8 : memref<128x64xf32, #tpu.memory_space<vmem>>) dst(%dma_wait3A_456 : memref<10240x64xf32, #tpu.memory_space<vmem_shared>>)
    %dma_start3A_457 = arith.constant 4 : i32
    %dma_start3A_458 = arith.constant 0 : i32
    %dma_start3A_459 = tpu.memref_slice %arg6[%dma_start3A_457, %dma_start3A_458] : memref<24x128xi32, #tpu.memory_space<vmem>> -> memref<1x128xi32, #tpu.memory_space<vmem>>
    %dma_start3A_460 = tpu.memref_squeeze %dma_start3A_459 : memref<1x128xi32, #tpu.memory_space<vmem>> -> memref<128xi32, #tpu.memory_space<vmem>>
    %dma_start3A_461 = arith.constant 0 : i32
    %dma_start3A_462 = arith.constant 0 : i32
    %dma_start3A_463 = tpu.memref_slice %arg22[%dma_start3A_461, %dma_start3A_462] : memref<10240x64xf32, #tpu.memory_space<vmem_shared>> -> memref<10240x64xf32, #tpu.memory_space<vmem_shared>>
    tpu.enqueue_indirect_dma source(%dma_start3A_463 : memref<10240x64xf32, #tpu.memory_space<vmem_shared>>) target(%arg8 : memref<128x64xf32, #tpu.memory_space<vmem>>) offsets(%dma_start3A_460 : memref<128xi32, #tpu.memory_space<vmem>>) semaphore(%arg13 : memref<!tpu.dma_semaphore, #tpu.memory_space<semaphore_mem>>)
    %dma_wait3A_464 = arith.constant 0 : i32
    %dma_wait3A_465 = arith.constant 0 : i32
    %dma_wait3A_466 = tpu.memref_slice %arg6[%dma_wait3A_464, %dma_wait3A_465] : memref<24x128xi32, #tpu.memory_space<vmem>> -> memref<1x128xi32, #tpu.memory_space<vmem>>
    %dma_wait3A_467 = tpu.memref_squeeze %dma_wait3A_466 : memref<1x128xi32, #tpu.memory_space<vmem>> -> memref<128xi32, #tpu.memory_space<vmem>>
    %dma_wait3A_468 = arith.constant 0 : i32
    %dma_wait3A_469 = arith.constant 0 : i32
    %dma_wait3A_470 = tpu.memref_slice %arg22[%dma_wait3A_468, %dma_wait3A_469] : memref<10240x64xf32, #tpu.memory_space<vmem_shared>> -> memref<10240x64xf32, #tpu.memory_space<vmem_shared>>
    tpu.wait_indirect_dma semaphore(%arg15 : memref<!tpu.dma_semaphore, #tpu.memory_space<semaphore_mem>>) src(%dma_wait3A_470 : memref<10240x64xf32, #tpu.memory_space<vmem_shared>>) dst(%arg10 : memref<128x64xf32, #tpu.memory_space<vmem>>)
    %dma_start3A_471 = arith.constant 2 : i32
    %dma_start3A_472 = arith.constant 0 : i32
    %dma_start3A_473 = tpu.memref_slice %arg7[%dma_start3A_471, %dma_start3A_472] : memref<24x128xi32, #tpu.memory_space<vmem>> -> memref<1x128xi32, #tpu.memory_space<vmem>>
    %dma_start3A_474 = tpu.memref_squeeze %dma_start3A_473 : memref<1x128xi32, #tpu.memory_space<vmem>> -> memref<128xi32, #tpu.memory_space<vmem>>
    %dma_start3A_475 = arith.constant 0 : i32
    %dma_start3A_476 = arith.constant 0 : i32
    %dma_start3A_477 = tpu.memref_slice %arg23[%dma_start3A_475, %dma_start3A_476] : memref<10240x64xf32, #tpu.memory_space<vmem_shared>> -> memref<10240x64xf32, #tpu.memory_space<vmem_shared>>
    tpu.enqueue_indirect_dma source(%arg10 : memref<128x64xf32, #tpu.memory_space<vmem>>) target(%dma_start3A_477 : memref<10240x64xf32, #tpu.memory_space<vmem_shared>>) offsets(%dma_start3A_474 : memref<128xi32, #tpu.memory_space<vmem>>) semaphore(%arg19 : memref<!tpu.dma_semaphore, #tpu.memory_space<semaphore_mem>>) {add = true}
    %dma_wait3A_478 = arith.constant 0 : i32
    %dma_wait3A_479 = arith.constant 0 : i32
    %dma_wait3A_480 = tpu.memref_slice %arg7[%dma_wait3A_478, %dma_wait3A_479] : memref<24x128xi32, #tpu.memory_space<vmem>> -> memref<1x128xi32, #tpu.memory_space<vmem>>
    %dma_wait3A_481 = tpu.memref_squeeze %dma_wait3A_480 : memref<1x128xi32, #tpu.memory_space<vmem>> -> memref<128xi32, #tpu.memory_space<vmem>>
    %dma_wait3A_482 = arith.constant 0 : i32
    %dma_wait3A_483 = arith.constant 0 : i32
    %dma_wait3A_484 = tpu.memref_slice %arg23[%dma_wait3A_482, %dma_wait3A_483] : memref<10240x64xf32, #tpu.memory_space<vmem_shared>> -> memref<10240x64xf32, #tpu.memory_space<vmem_shared>>
    tpu.wait_indirect_dma semaphore(%arg18 : memref<!tpu.dma_semaphore, #tpu.memory_space<semaphore_mem>>) src(%arg9 : memref<128x64xf32, #tpu.memory_space<vmem>>) dst(%dma_wait3A_484 : memref<10240x64xf32, #tpu.memory_space<vmem_shared>>)
    %dma_start3A_485 = arith.constant 5 : i32
    %dma_start3A_486 = arith.constant 0 : i32
    %dma_start3A_487 = tpu.memref_slice %arg6[%dma_start3A_485, %dma_start3A_486] : memref<24x128xi32, #tpu.memory_space<vmem>> -> memref<1x128xi32, #tpu.memory_space<vmem>>
    %dma_start3A_488 = tpu.memref_squeeze %dma_start3A_487 : memref<1x128xi32, #tpu.memory_space<vmem>> -> memref<128xi32, #tpu.memory_space<vmem>>
    %dma_start3A_489 = arith.constant 0 : i32
    %dma_start3A_490 = arith.constant 0 : i32
    %dma_start3A_491 = tpu.memref_slice %arg22[%dma_start3A_489, %dma_start3A_490] : memref<10240x64xf32, #tpu.memory_space<vmem_shared>> -> memref<10240x64xf32, #tpu.memory_space<vmem_shared>>
    tpu.enqueue_indirect_dma source(%dma_start3A_491 : memref<10240x64xf32, #tpu.memory_space<vmem_shared>>) target(%arg9 : memref<128x64xf32, #tpu.memory_space<vmem>>) offsets(%dma_start3A_488 : memref<128xi32, #tpu.memory_space<vmem>>) semaphore(%arg14 : memref<!tpu.dma_semaphore, #tpu.memory_space<semaphore_mem>>)
    %dma_wait3A_492 = arith.constant 0 : i32
    %dma_wait3A_493 = arith.constant 0 : i32
    %dma_wait3A_494 = tpu.memref_slice %arg6[%dma_wait3A_492, %dma_wait3A_493] : memref<24x128xi32, #tpu.memory_space<vmem>> -> memref<1x128xi32, #tpu.memory_space<vmem>>
    %dma_wait3A_495 = tpu.memref_squeeze %dma_wait3A_494 : memref<1x128xi32, #tpu.memory_space<vmem>> -> memref<128xi32, #tpu.memory_space<vmem>>
    %dma_wait3A_496 = arith.constant 0 : i32
    %dma_wait3A_497 = arith.constant 0 : i32
    %dma_wait3A_498 = tpu.memref_slice %arg22[%dma_wait3A_496, %dma_wait3A_497] : memref<10240x64xf32, #tpu.memory_space<vmem_shared>> -> memref<10240x64xf32, #tpu.memory_space<vmem_shared>>
    tpu.wait_indirect_dma semaphore(%arg16 : memref<!tpu.dma_semaphore, #tpu.memory_space<semaphore_mem>>) src(%dma_wait3A_498 : memref<10240x64xf32, #tpu.memory_space<vmem_shared>>) dst(%arg11 : memref<128x64xf32, #tpu.memory_space<vmem>>)
    %dma_start3A_499 = arith.constant 3 : i32
    %dma_start3A_500 = arith.constant 0 : i32
    %dma_start3A_501 = tpu.memref_slice %arg7[%dma_start3A_499, %dma_start3A_500] : memref<24x128xi32, #tpu.memory_space<vmem>> -> memref<1x128xi32, #tpu.memory_space<vmem>>
    %dma_start3A_502 = tpu.memref_squeeze %dma_start3A_501 : memref<1x128xi32, #tpu.memory_space<vmem>> -> memref<128xi32, #tpu.memory_space<vmem>>
    %dma_start3A_503 = arith.constant 0 : i32
    %dma_start3A_504 = arith.constant 0 : i32
    %dma_start3A_505 = tpu.memref_slice %arg23[%dma_start3A_503, %dma_start3A_504] : memref<10240x64xf32, #tpu.memory_space<vmem_shared>> -> memref<10240x64xf32, #tpu.memory_space<vmem_shared>>
    tpu.enqueue_indirect_dma source(%arg11 : memref<128x64xf32, #tpu.memory_space<vmem>>) target(%dma_start3A_505 : memref<10240x64xf32, #tpu.memory_space<vmem_shared>>) offsets(%dma_start3A_502 : memref<128xi32, #tpu.memory_space<vmem>>) semaphore(%arg20 : memref<!tpu.dma_semaphore, #tpu.memory_space<semaphore_mem>>) {add = true}
    %dma_wait3A_506 = arith.constant 0 : i32
    %dma_wait3A_507 = arith.constant 0 : i32
    %dma_wait3A_508 = tpu.memref_slice %arg7[%dma_wait3A_506, %dma_wait3A_507] : memref<24x128xi32, #tpu.memory_space<vmem>> -> memref<1x128xi32, #tpu.memory_space<vmem>>
    %dma_wait3A_509 = tpu.memref_squeeze %dma_wait3A_508 : memref<1x128xi32, #tpu.memory_space<vmem>> -> memref<128xi32, #tpu.memory_space<vmem>>
    %dma_wait3A_510 = arith.constant 0 : i32
    %dma_wait3A_511 = arith.constant 0 : i32
    %dma_wait3A_512 = tpu.memref_slice %arg23[%dma_wait3A_510, %dma_wait3A_511] : memref<10240x64xf32, #tpu.memory_space<vmem_shared>> -> memref<10240x64xf32, #tpu.memory_space<vmem_shared>>
    tpu.wait_indirect_dma semaphore(%arg19 : memref<!tpu.dma_semaphore, #tpu.memory_space<semaphore_mem>>) src(%arg10 : memref<128x64xf32, #tpu.memory_space<vmem>>) dst(%dma_wait3A_512 : memref<10240x64xf32, #tpu.memory_space<vmem_shared>>)
    %dma_start3A_513 = arith.constant 6 : i32
    %dma_start3A_514 = arith.constant 0 : i32
    %dma_start3A_515 = tpu.memref_slice %arg6[%dma_start3A_513, %dma_start3A_514] : memref<24x128xi32, #tpu.memory_space<vmem>> -> memref<1x128xi32, #tpu.memory_space<vmem>>
    %dma_start3A_516 = tpu.memref_squeeze %dma_start3A_515 : memref<1x128xi32, #tpu.memory_space<vmem>> -> memref<128xi32, #tpu.memory_space<vmem>>
    %dma_start3A_517 = arith.constant 0 : i32
    %dma_start3A_518 = arith.constant 0 : i32
    %dma_start3A_519 = tpu.memref_slice %arg22[%dma_start3A_517, %dma_start3A_518] : memref<10240x64xf32, #tpu.memory_space<vmem_shared>> -> memref<10240x64xf32, #tpu.memory_space<vmem_shared>>
    tpu.enqueue_indirect_dma source(%dma_start3A_519 : memref<10240x64xf32, #tpu.memory_space<vmem_shared>>) target(%arg10 : memref<128x64xf32, #tpu.memory_space<vmem>>) offsets(%dma_start3A_516 : memref<128xi32, #tpu.memory_space<vmem>>) semaphore(%arg15 : memref<!tpu.dma_semaphore, #tpu.memory_space<semaphore_mem>>)
    %dma_wait3A_520 = arith.constant 0 : i32
    %dma_wait3A_521 = arith.constant 0 : i32
    %dma_wait3A_522 = tpu.memref_slice %arg6[%dma_wait3A_520, %dma_wait3A_521] : memref<24x128xi32, #tpu.memory_space<vmem>> -> memref<1x128xi32, #tpu.memory_space<vmem>>
    %dma_wait3A_523 = tpu.memref_squeeze %dma_wait3A_522 : memref<1x128xi32, #tpu.memory_space<vmem>> -> memref<128xi32, #tpu.memory_space<vmem>>
    %dma_wait3A_524 = arith.constant 0 : i32
    %dma_wait3A_525 = arith.constant 0 : i32
    %dma_wait3A_526 = tpu.memref_slice %arg22[%dma_wait3A_524, %dma_wait3A_525] : memref<10240x64xf32, #tpu.memory_space<vmem_shared>> -> memref<10240x64xf32, #tpu.memory_space<vmem_shared>>
    tpu.wait_indirect_dma semaphore(%arg13 : memref<!tpu.dma_semaphore, #tpu.memory_space<semaphore_mem>>) src(%dma_wait3A_526 : memref<10240x64xf32, #tpu.memory_space<vmem_shared>>) dst(%arg8 : memref<128x64xf32, #tpu.memory_space<vmem>>)
    %dma_start3A_527 = arith.constant 4 : i32
    %dma_start3A_528 = arith.constant 0 : i32
    %dma_start3A_529 = tpu.memref_slice %arg7[%dma_start3A_527, %dma_start3A_528] : memref<24x128xi32, #tpu.memory_space<vmem>> -> memref<1x128xi32, #tpu.memory_space<vmem>>
    %dma_start3A_530 = tpu.memref_squeeze %dma_start3A_529 : memref<1x128xi32, #tpu.memory_space<vmem>> -> memref<128xi32, #tpu.memory_space<vmem>>
    %dma_start3A_531 = arith.constant 0 : i32
    %dma_start3A_532 = arith.constant 0 : i32
    %dma_start3A_533 = tpu.memref_slice %arg23[%dma_start3A_531, %dma_start3A_532] : memref<10240x64xf32, #tpu.memory_space<vmem_shared>> -> memref<10240x64xf32, #tpu.memory_space<vmem_shared>>
    tpu.enqueue_indirect_dma source(%arg8 : memref<128x64xf32, #tpu.memory_space<vmem>>) target(%dma_start3A_533 : memref<10240x64xf32, #tpu.memory_space<vmem_shared>>) offsets(%dma_start3A_530 : memref<128xi32, #tpu.memory_space<vmem>>) semaphore(%arg17 : memref<!tpu.dma_semaphore, #tpu.memory_space<semaphore_mem>>) {add = true}
    %dma_wait3A_534 = arith.constant 0 : i32
    %dma_wait3A_535 = arith.constant 0 : i32
    %dma_wait3A_536 = tpu.memref_slice %arg7[%dma_wait3A_534, %dma_wait3A_535] : memref<24x128xi32, #tpu.memory_space<vmem>> -> memref<1x128xi32, #tpu.memory_space<vmem>>
    %dma_wait3A_537 = tpu.memref_squeeze %dma_wait3A_536 : memref<1x128xi32, #tpu.memory_space<vmem>> -> memref<128xi32, #tpu.memory_space<vmem>>
    %dma_wait3A_538 = arith.constant 0 : i32
    %dma_wait3A_539 = arith.constant 0 : i32
    %dma_wait3A_540 = tpu.memref_slice %arg23[%dma_wait3A_538, %dma_wait3A_539] : memref<10240x64xf32, #tpu.memory_space<vmem_shared>> -> memref<10240x64xf32, #tpu.memory_space<vmem_shared>>
    tpu.wait_indirect_dma semaphore(%arg20 : memref<!tpu.dma_semaphore, #tpu.memory_space<semaphore_mem>>) src(%arg11 : memref<128x64xf32, #tpu.memory_space<vmem>>) dst(%dma_wait3A_540 : memref<10240x64xf32, #tpu.memory_space<vmem_shared>>)
    %dma_start3A_541 = arith.constant 7 : i32
    %dma_start3A_542 = arith.constant 0 : i32
    %dma_start3A_543 = tpu.memref_slice %arg6[%dma_start3A_541, %dma_start3A_542] : memref<24x128xi32, #tpu.memory_space<vmem>> -> memref<1x128xi32, #tpu.memory_space<vmem>>
    %dma_start3A_544 = tpu.memref_squeeze %dma_start3A_543 : memref<1x128xi32, #tpu.memory_space<vmem>> -> memref<128xi32, #tpu.memory_space<vmem>>
    %dma_start3A_545 = arith.constant 0 : i32
    %dma_start3A_546 = arith.constant 0 : i32
    %dma_start3A_547 = tpu.memref_slice %arg22[%dma_start3A_545, %dma_start3A_546] : memref<10240x64xf32, #tpu.memory_space<vmem_shared>> -> memref<10240x64xf32, #tpu.memory_space<vmem_shared>>
    tpu.enqueue_indirect_dma source(%dma_start3A_547 : memref<10240x64xf32, #tpu.memory_space<vmem_shared>>) target(%arg11 : memref<128x64xf32, #tpu.memory_space<vmem>>) offsets(%dma_start3A_544 : memref<128xi32, #tpu.memory_space<vmem>>) semaphore(%arg16 : memref<!tpu.dma_semaphore, #tpu.memory_space<semaphore_mem>>)
    %dma_wait3A_548 = arith.constant 0 : i32
    %dma_wait3A_549 = arith.constant 0 : i32
    %dma_wait3A_550 = tpu.memref_slice %arg6[%dma_wait3A_548, %dma_wait3A_549] : memref<24x128xi32, #tpu.memory_space<vmem>> -> memref<1x128xi32, #tpu.memory_space<vmem>>
    %dma_wait3A_551 = tpu.memref_squeeze %dma_wait3A_550 : memref<1x128xi32, #tpu.memory_space<vmem>> -> memref<128xi32, #tpu.memory_space<vmem>>
    %dma_wait3A_552 = arith.constant 0 : i32
    %dma_wait3A_553 = arith.constant 0 : i32
    %dma_wait3A_554 = tpu.memref_slice %arg22[%dma_wait3A_552, %dma_wait3A_553] : memref<10240x64xf32, #tpu.memory_space<vmem_shared>> -> memref<10240x64xf32, #tpu.memory_space<vmem_shared>>
    tpu.wait_indirect_dma semaphore(%arg14 : memref<!tpu.dma_semaphore, #tpu.memory_space<semaphore_mem>>) src(%dma_wait3A_554 : memref<10240x64xf32, #tpu.memory_space<vmem_shared>>) dst(%arg9 : memref<128x64xf32, #tpu.memory_space<vmem>>)
    %dma_start3A_555 = arith.constant 5 : i32
    %dma_start3A_556 = arith.constant 0 : i32
    %dma_start3A_557 = tpu.memref_slice %arg7[%dma_start3A_555, %dma_start3A_556] : memref<24x128xi32, #tpu.memory_space<vmem>> -> memref<1x128xi32, #tpu.memory_space<vmem>>
    %dma_start3A_558 = tpu.memref_squeeze %dma_start3A_557 : memref<1x128xi32, #tpu.memory_space<vmem>> -> memref<128xi32, #tpu.memory_space<vmem>>
    %dma_start3A_559 = arith.constant 0 : i32
    %dma_start3A_560 = arith.constant 0 : i32
    %dma_start3A_561 = tpu.memref_slice %arg23[%dma_start3A_559, %dma_start3A_560] : memref<10240x64xf32, #tpu.memory_space<vmem_shared>> -> memref<10240x64xf32, #tpu.memory_space<vmem_shared>>
    tpu.enqueue_indirect_dma source(%arg9 : memref<128x64xf32, #tpu.memory_space<vmem>>) target(%dma_start3A_561 : memref<10240x64xf32, #tpu.memory_space<vmem_shared>>) offsets(%dma_start3A_558 : memref<128xi32, #tpu.memory_space<vmem>>) semaphore(%arg18 : memref<!tpu.dma_semaphore, #tpu.memory_space<semaphore_mem>>) {add = true}
    %dma_wait3A_562 = arith.constant 0 : i32
    %dma_wait3A_563 = arith.constant 0 : i32
    %dma_wait3A_564 = tpu.memref_slice %arg7[%dma_wait3A_562, %dma_wait3A_563] : memref<24x128xi32, #tpu.memory_space<vmem>> -> memref<1x128xi32, #tpu.memory_space<vmem>>
    %dma_wait3A_565 = tpu.memref_squeeze %dma_wait3A_564 : memref<1x128xi32, #tpu.memory_space<vmem>> -> memref<128xi32, #tpu.memory_space<vmem>>
    %dma_wait3A_566 = arith.constant 0 : i32
    %dma_wait3A_567 = arith.constant 0 : i32
    %dma_wait3A_568 = tpu.memref_slice %arg23[%dma_wait3A_566, %dma_wait3A_567] : memref<10240x64xf32, #tpu.memory_space<vmem_shared>> -> memref<10240x64xf32, #tpu.memory_space<vmem_shared>>
    tpu.wait_indirect_dma semaphore(%arg17 : memref<!tpu.dma_semaphore, #tpu.memory_space<semaphore_mem>>) src(%arg8 : memref<128x64xf32, #tpu.memory_space<vmem>>) dst(%dma_wait3A_568 : memref<10240x64xf32, #tpu.memory_space<vmem_shared>>)
    %dma_start3A_569 = arith.constant 8 : i32
    %dma_start3A_570 = arith.constant 0 : i32
    %dma_start3A_571 = tpu.memref_slice %arg6[%dma_start3A_569, %dma_start3A_570] : memref<24x128xi32, #tpu.memory_space<vmem>> -> memref<1x128xi32, #tpu.memory_space<vmem>>
    %dma_start3A_572 = tpu.memref_squeeze %dma_start3A_571 : memref<1x128xi32, #tpu.memory_space<vmem>> -> memref<128xi32, #tpu.memory_space<vmem>>
    %dma_start3A_573 = arith.constant 0 : i32
    %dma_start3A_574 = arith.constant 0 : i32
    %dma_start3A_575 = tpu.memref_slice %arg22[%dma_start3A_573, %dma_start3A_574] : memref<10240x64xf32, #tpu.memory_space<vmem_shared>> -> memref<10240x64xf32, #tpu.memory_space<vmem_shared>>
    tpu.enqueue_indirect_dma source(%dma_start3A_575 : memref<10240x64xf32, #tpu.memory_space<vmem_shared>>) target(%arg8 : memref<128x64xf32, #tpu.memory_space<vmem>>) offsets(%dma_start3A_572 : memref<128xi32, #tpu.memory_space<vmem>>) semaphore(%arg13 : memref<!tpu.dma_semaphore, #tpu.memory_space<semaphore_mem>>)
    %dma_wait3A_576 = arith.constant 0 : i32
    %dma_wait3A_577 = arith.constant 0 : i32
    %dma_wait3A_578 = tpu.memref_slice %arg6[%dma_wait3A_576, %dma_wait3A_577] : memref<24x128xi32, #tpu.memory_space<vmem>> -> memref<1x128xi32, #tpu.memory_space<vmem>>
    %dma_wait3A_579 = tpu.memref_squeeze %dma_wait3A_578 : memref<1x128xi32, #tpu.memory_space<vmem>> -> memref<128xi32, #tpu.memory_space<vmem>>
    %dma_wait3A_580 = arith.constant 0 : i32
    %dma_wait3A_581 = arith.constant 0 : i32
    %dma_wait3A_582 = tpu.memref_slice %arg22[%dma_wait3A_580, %dma_wait3A_581] : memref<10240x64xf32, #tpu.memory_space<vmem_shared>> -> memref<10240x64xf32, #tpu.memory_space<vmem_shared>>
    tpu.wait_indirect_dma semaphore(%arg15 : memref<!tpu.dma_semaphore, #tpu.memory_space<semaphore_mem>>) src(%dma_wait3A_582 : memref<10240x64xf32, #tpu.memory_space<vmem_shared>>) dst(%arg10 : memref<128x64xf32, #tpu.memory_space<vmem>>)
    %dma_start3A_583 = arith.constant 6 : i32
    %dma_start3A_584 = arith.constant 0 : i32
    %dma_start3A_585 = tpu.memref_slice %arg7[%dma_start3A_583, %dma_start3A_584] : memref<24x128xi32, #tpu.memory_space<vmem>> -> memref<1x128xi32, #tpu.memory_space<vmem>>
    %dma_start3A_586 = tpu.memref_squeeze %dma_start3A_585 : memref<1x128xi32, #tpu.memory_space<vmem>> -> memref<128xi32, #tpu.memory_space<vmem>>
    %dma_start3A_587 = arith.constant 0 : i32
    %dma_start3A_588 = arith.constant 0 : i32
    %dma_start3A_589 = tpu.memref_slice %arg23[%dma_start3A_587, %dma_start3A_588] : memref<10240x64xf32, #tpu.memory_space<vmem_shared>> -> memref<10240x64xf32, #tpu.memory_space<vmem_shared>>
    tpu.enqueue_indirect_dma source(%arg10 : memref<128x64xf32, #tpu.memory_space<vmem>>) target(%dma_start3A_589 : memref<10240x64xf32, #tpu.memory_space<vmem_shared>>) offsets(%dma_start3A_586 : memref<128xi32, #tpu.memory_space<vmem>>) semaphore(%arg19 : memref<!tpu.dma_semaphore, #tpu.memory_space<semaphore_mem>>) {add = true}
    %dma_wait3A_590 = arith.constant 0 : i32
    %dma_wait3A_591 = arith.constant 0 : i32
    %dma_wait3A_592 = tpu.memref_slice %arg7[%dma_wait3A_590, %dma_wait3A_591] : memref<24x128xi32, #tpu.memory_space<vmem>> -> memref<1x128xi32, #tpu.memory_space<vmem>>
    %dma_wait3A_593 = tpu.memref_squeeze %dma_wait3A_592 : memref<1x128xi32, #tpu.memory_space<vmem>> -> memref<128xi32, #tpu.memory_space<vmem>>
    %dma_wait3A_594 = arith.constant 0 : i32
    %dma_wait3A_595 = arith.constant 0 : i32
    %dma_wait3A_596 = tpu.memref_slice %arg23[%dma_wait3A_594, %dma_wait3A_595] : memref<10240x64xf32, #tpu.memory_space<vmem_shared>> -> memref<10240x64xf32, #tpu.memory_space<vmem_shared>>
    tpu.wait_indirect_dma semaphore(%arg18 : memref<!tpu.dma_semaphore, #tpu.memory_space<semaphore_mem>>) src(%arg9 : memref<128x64xf32, #tpu.memory_space<vmem>>) dst(%dma_wait3A_596 : memref<10240x64xf32, #tpu.memory_space<vmem_shared>>)
    %dma_start3A_597 = arith.constant 9 : i32
    %dma_start3A_598 = arith.constant 0 : i32
    %dma_start3A_599 = tpu.memref_slice %arg6[%dma_start3A_597, %dma_start3A_598] : memref<24x128xi32, #tpu.memory_space<vmem>> -> memref<1x128xi32, #tpu.memory_space<vmem>>
    %dma_start3A_600 = tpu.memref_squeeze %dma_start3A_599 : memref<1x128xi32, #tpu.memory_space<vmem>> -> memref<128xi32, #tpu.memory_space<vmem>>
    %dma_start3A_601 = arith.constant 0 : i32
    %dma_start3A_602 = arith.constant 0 : i32
    %dma_start3A_603 = tpu.memref_slice %arg22[%dma_start3A_601, %dma_start3A_602] : memref<10240x64xf32, #tpu.memory_space<vmem_shared>> -> memref<10240x64xf32, #tpu.memory_space<vmem_shared>>
    tpu.enqueue_indirect_dma source(%dma_start3A_603 : memref<10240x64xf32, #tpu.memory_space<vmem_shared>>) target(%arg9 : memref<128x64xf32, #tpu.memory_space<vmem>>) offsets(%dma_start3A_600 : memref<128xi32, #tpu.memory_space<vmem>>) semaphore(%arg14 : memref<!tpu.dma_semaphore, #tpu.memory_space<semaphore_mem>>)
    %dma_wait3A_604 = arith.constant 0 : i32
    %dma_wait3A_605 = arith.constant 0 : i32
    %dma_wait3A_606 = tpu.memref_slice %arg6[%dma_wait3A_604, %dma_wait3A_605] : memref<24x128xi32, #tpu.memory_space<vmem>> -> memref<1x128xi32, #tpu.memory_space<vmem>>
    %dma_wait3A_607 = tpu.memref_squeeze %dma_wait3A_606 : memref<1x128xi32, #tpu.memory_space<vmem>> -> memref<128xi32, #tpu.memory_space<vmem>>
    %dma_wait3A_608 = arith.constant 0 : i32
    %dma_wait3A_609 = arith.constant 0 : i32
    %dma_wait3A_610 = tpu.memref_slice %arg22[%dma_wait3A_608, %dma_wait3A_609] : memref<10240x64xf32, #tpu.memory_space<vmem_shared>> -> memref<10240x64xf32, #tpu.memory_space<vmem_shared>>
    tpu.wait_indirect_dma semaphore(%arg16 : memref<!tpu.dma_semaphore, #tpu.memory_space<semaphore_mem>>) src(%dma_wait3A_610 : memref<10240x64xf32, #tpu.memory_space<vmem_shared>>) dst(%arg11 : memref<128x64xf32, #tpu.memory_space<vmem>>)
    %dma_start3A_611 = arith.constant 7 : i32
    %dma_start3A_612 = arith.constant 0 : i32
    %dma_start3A_613 = tpu.memref_slice %arg7[%dma_start3A_611, %dma_start3A_612] : memref<24x128xi32, #tpu.memory_space<vmem>> -> memref<1x128xi32, #tpu.memory_space<vmem>>
    %dma_start3A_614 = tpu.memref_squeeze %dma_start3A_613 : memref<1x128xi32, #tpu.memory_space<vmem>> -> memref<128xi32, #tpu.memory_space<vmem>>
    %dma_start3A_615 = arith.constant 0 : i32
    %dma_start3A_616 = arith.constant 0 : i32
    %dma_start3A_617 = tpu.memref_slice %arg23[%dma_start3A_615, %dma_start3A_616] : memref<10240x64xf32, #tpu.memory_space<vmem_shared>> -> memref<10240x64xf32, #tpu.memory_space<vmem_shared>>
    tpu.enqueue_indirect_dma source(%arg11 : memref<128x64xf32, #tpu.memory_space<vmem>>) target(%dma_start3A_617 : memref<10240x64xf32, #tpu.memory_space<vmem_shared>>) offsets(%dma_start3A_614 : memref<128xi32, #tpu.memory_space<vmem>>) semaphore(%arg20 : memref<!tpu.dma_semaphore, #tpu.memory_space<semaphore_mem>>) {add = true}
    %scan3A_618 = arith.constant 0 : i32
    %scan3A_619 = arith.constant 19 : i32
    %scan3A_620 = arith.addi %scan3A_618, %scan3A_619 : i32
    %scan3A_621 = arith.constant 1 : i32
    scf.for %scan3A_680 = %scan3A_618 to %scan3A_620 step %scan3A_621  : i32 {
      %mul3A_681 = arith.constant 8 : i32
      %mul3A_682 = arith.muli %scan3A_680, %mul3A_681 : i32
      %add3A_683 = arith.constant 8 : i32
      %add3A_684 = arith.addi %add3A_683, %mul3A_682 : i32
      %dma_wait3A_685 = arith.constant 0 : i32
      %dma_wait3A_686 = arith.constant 0 : i32
      %dma_wait3A_687 = tpu.memref_slice %arg6[%dma_wait3A_685, %dma_wait3A_686] : memref<24x128xi32, #tpu.memory_space<vmem>> -> memref<8x128xi32, #tpu.memory_space<vmem>>
      %dma_wait3A_688 = arith.constant 0 : i32
      %dma_wait3A_689 = arith.constant 0 : i32
      %dma_wait3A_690 = tpu.memref_slice %arg3[%dma_wait3A_688, %dma_wait3A_689] : memref<2576x128xi32, #tpu.memory_space<hbm>> -> memref<8x128xi32, #tpu.memory_space<hbm>>
      %dma_wait3A_691 = arith.constant 0 : i32
      %dma_wait3A_692 = arith.constant 0 : i32
      %dma_wait3A_693 = tpu.memref_slice %arg6[%dma_wait3A_691, %dma_wait3A_692] : memref<24x128xi32, #tpu.memory_space<vmem>> -> memref<8x128xi32, #tpu.memory_space<vmem>>
      %dma_wait3A_694 = arith.constant 0 : i32
      %dma_wait3A_695 = arith.constant 0 : i32
      %dma_wait3A_696 = tpu.memref_slice %arg3[%dma_wait3A_694, %dma_wait3A_695] : memref<2576x128xi32, #tpu.memory_space<hbm>> -> memref<8x128xi32, #tpu.memory_space<hbm>>
      tpu.wait_dma2 semaphore(%arg21 : memref<!tpu.dma_semaphore, #tpu.memory_space<semaphore_mem>>) src(%dma_wait3A_696 : memref<8x128xi32, #tpu.memory_space<hbm>>) dst(%dma_wait3A_693 : memref<8x128xi32, #tpu.memory_space<vmem>>)
      %dma_wait3A_697 = arith.constant 0 : i32
      %dma_wait3A_698 = arith.constant 0 : i32
      %dma_wait3A_699 = tpu.memref_slice %arg7[%dma_wait3A_697, %dma_wait3A_698] : memref<24x128xi32, #tpu.memory_space<vmem>> -> memref<8x128xi32, #tpu.memory_space<vmem>>
      %dma_wait3A_700 = arith.constant 0 : i32
      %dma_wait3A_701 = arith.constant 0 : i32
      %dma_wait3A_702 = tpu.memref_slice %arg4[%dma_wait3A_700, %dma_wait3A_701] : memref<2576x128xi32, #tpu.memory_space<hbm>> -> memref<8x128xi32, #tpu.memory_space<hbm>>
      %dma_wait3A_703 = arith.constant 0 : i32
      %dma_wait3A_704 = arith.constant 0 : i32
      %dma_wait3A_705 = tpu.memref_slice %arg7[%dma_wait3A_703, %dma_wait3A_704] : memref<24x128xi32, #tpu.memory_space<vmem>> -> memref<8x128xi32, #tpu.memory_space<vmem>>
      %dma_wait3A_706 = arith.constant 0 : i32
      %dma_wait3A_707 = arith.constant 0 : i32
      %dma_wait3A_708 = tpu.memref_slice %arg4[%dma_wait3A_706, %dma_wait3A_707] : memref<2576x128xi32, #tpu.memory_space<hbm>> -> memref<8x128xi32, #tpu.memory_space<hbm>>
      tpu.wait_dma2 semaphore(%arg21 : memref<!tpu.dma_semaphore, #tpu.memory_space<semaphore_mem>>) src(%dma_wait3A_708 : memref<8x128xi32, #tpu.memory_space<hbm>>) dst(%dma_wait3A_705 : memref<8x128xi32, #tpu.memory_space<vmem>>)
      %add3A_709 = arith.constant 0 : i32
      %add3A_710 = arith.addi %add3A_684, %add3A_709 : i32
      %dma_wait3A_711 = arith.constant 0 : i32
      %dma_wait3A_712 = arith.constant 0 : i32
      %dma_wait3A_713 = tpu.memref_slice %arg7[%dma_wait3A_711, %dma_wait3A_712] : memref<24x128xi32, #tpu.memory_space<vmem>> -> memref<1x128xi32, #tpu.memory_space<vmem>>
      %dma_wait3A_714 = tpu.memref_squeeze %dma_wait3A_713 : memref<1x128xi32, #tpu.memory_space<vmem>> -> memref<128xi32, #tpu.memory_space<vmem>>
      %dma_wait3A_715 = arith.constant 0 : i32
      %dma_wait3A_716 = arith.constant 0 : i32
      %dma_wait3A_717 = tpu.memref_slice %arg23[%dma_wait3A_715, %dma_wait3A_716] : memref<10240x64xf32, #tpu.memory_space<vmem_shared>> -> memref<10240x64xf32, #tpu.memory_space<vmem_shared>>
      tpu.wait_indirect_dma semaphore(%arg19 : memref<!tpu.dma_semaphore, #tpu.memory_space<semaphore_mem>>) src(%arg10 : memref<128x64xf32, #tpu.memory_space<vmem>>) dst(%dma_wait3A_717 : memref<10240x64xf32, #tpu.memory_space<vmem_shared>>)
      %add3A_718 = arith.constant 2 : i32
      %add3A_719 = arith.addi %add3A_710, %add3A_718 : i32
      %rem3A = arith.constant 24 : i32
      %rem3A_720 = arith.remsi %add3A_719, %rem3A : i32
      %dma_start3A_721 = arith.constant 0 : i32
      %dma_start3A_722 = tpu.memref_slice %arg6[%rem3A_720, %dma_start3A_721] : memref<24x128xi32, #tpu.memory_space<vmem>> -> memref<1x128xi32, #tpu.memory_space<vmem>>
      %dma_start3A_723 = tpu.memref_squeeze %dma_start3A_722 : memref<1x128xi32, #tpu.memory_space<vmem>> -> memref<128xi32, #tpu.memory_space<vmem>>
      %dma_start3A_724 = arith.constant 0 : i32
      %dma_start3A_725 = arith.constant 0 : i32
      %dma_start3A_726 = tpu.memref_slice %arg22[%dma_start3A_724, %dma_start3A_725] : memref<10240x64xf32, #tpu.memory_space<vmem_shared>> -> memref<10240x64xf32, #tpu.memory_space<vmem_shared>>
      tpu.enqueue_indirect_dma source(%dma_start3A_726 : memref<10240x64xf32, #tpu.memory_space<vmem_shared>>) target(%arg10 : memref<128x64xf32, #tpu.memory_space<vmem>>) offsets(%dma_start3A_723 : memref<128xi32, #tpu.memory_space<vmem>>) semaphore(%arg15 : memref<!tpu.dma_semaphore, #tpu.memory_space<semaphore_mem>>)
      %dma_wait3A_727 = arith.constant 0 : i32
      %dma_wait3A_728 = arith.constant 0 : i32
      %dma_wait3A_729 = tpu.memref_slice %arg6[%dma_wait3A_727, %dma_wait3A_728] : memref<24x128xi32, #tpu.memory_space<vmem>> -> memref<1x128xi32, #tpu.memory_space<vmem>>
      %dma_wait3A_730 = tpu.memref_squeeze %dma_wait3A_729 : memref<1x128xi32, #tpu.memory_space<vmem>> -> memref<128xi32, #tpu.memory_space<vmem>>
      %dma_wait3A_731 = arith.constant 0 : i32
      %dma_wait3A_732 = arith.constant 0 : i32
      %dma_wait3A_733 = tpu.memref_slice %arg22[%dma_wait3A_731, %dma_wait3A_732] : memref<10240x64xf32, #tpu.memory_space<vmem_shared>> -> memref<10240x64xf32, #tpu.memory_space<vmem_shared>>
      tpu.wait_indirect_dma semaphore(%arg13 : memref<!tpu.dma_semaphore, #tpu.memory_space<semaphore_mem>>) src(%dma_wait3A_733 : memref<10240x64xf32, #tpu.memory_space<vmem_shared>>) dst(%arg8 : memref<128x64xf32, #tpu.memory_space<vmem>>)
      %rem3A_734 = arith.constant 24 : i32
      %rem3A_735 = arith.remsi %add3A_710, %rem3A_734 : i32
      %dma_start3A_736 = arith.constant 0 : i32
      %dma_start3A_737 = tpu.memref_slice %arg7[%rem3A_735, %dma_start3A_736] : memref<24x128xi32, #tpu.memory_space<vmem>> -> memref<1x128xi32, #tpu.memory_space<vmem>>
      %dma_start3A_738 = tpu.memref_squeeze %dma_start3A_737 : memref<1x128xi32, #tpu.memory_space<vmem>> -> memref<128xi32, #tpu.memory_space<vmem>>
      %dma_start3A_739 = arith.constant 0 : i32
      %dma_start3A_740 = arith.constant 0 : i32
      %dma_start3A_741 = tpu.memref_slice %arg23[%dma_start3A_739, %dma_start3A_740] : memref<10240x64xf32, #tpu.memory_space<vmem_shared>> -> memref<10240x64xf32, #tpu.memory_space<vmem_shared>>
      tpu.enqueue_indirect_dma source(%arg8 : memref<128x64xf32, #tpu.memory_space<vmem>>) target(%dma_start3A_741 : memref<10240x64xf32, #tpu.memory_space<vmem_shared>>) offsets(%dma_start3A_738 : memref<128xi32, #tpu.memory_space<vmem>>) semaphore(%arg17 : memref<!tpu.dma_semaphore, #tpu.memory_space<semaphore_mem>>) {add = true}
      %add3A_742 = arith.constant 1 : i32
      %add3A_743 = arith.addi %add3A_684, %add3A_742 : i32
      %dma_wait3A_744 = arith.constant 0 : i32
      %dma_wait3A_745 = arith.constant 0 : i32
      %dma_wait3A_746 = tpu.memref_slice %arg7[%dma_wait3A_744, %dma_wait3A_745] : memref<24x128xi32, #tpu.memory_space<vmem>> -> memref<1x128xi32, #tpu.memory_space<vmem>>
      %dma_wait3A_747 = tpu.memref_squeeze %dma_wait3A_746 : memref<1x128xi32, #tpu.memory_space<vmem>> -> memref<128xi32, #tpu.memory_space<vmem>>
      %dma_wait3A_748 = arith.constant 0 : i32
      %dma_wait3A_749 = arith.constant 0 : i32
      %dma_wait3A_750 = tpu.memref_slice %arg23[%dma_wait3A_748, %dma_wait3A_749] : memref<10240x64xf32, #tpu.memory_space<vmem_shared>> -> memref<10240x64xf32, #tpu.memory_space<vmem_shared>>
      tpu.wait_indirect_dma semaphore(%arg20 : memref<!tpu.dma_semaphore, #tpu.memory_space<semaphore_mem>>) src(%arg11 : memref<128x64xf32, #tpu.memory_space<vmem>>) dst(%dma_wait3A_750 : memref<10240x64xf32, #tpu.memory_space<vmem_shared>>)
      %add3A_751 = arith.constant 2 : i32
      %add3A_752 = arith.addi %add3A_743, %add3A_751 : i32
      %rem3A_753 = arith.constant 24 : i32
      %rem3A_754 = arith.remsi %add3A_752, %rem3A_753 : i32
      %dma_start3A_755 = arith.constant 0 : i32
      %dma_start3A_756 = tpu.memref_slice %arg6[%rem3A_754, %dma_start3A_755] : memref<24x128xi32, #tpu.memory_space<vmem>> -> memref<1x128xi32, #tpu.memory_space<vmem>>
      %dma_start3A_757 = tpu.memref_squeeze %dma_start3A_756 : memref<1x128xi32, #tpu.memory_space<vmem>> -> memref<128xi32, #tpu.memory_space<vmem>>
      %dma_start3A_758 = arith.constant 0 : i32
      %dma_start3A_759 = arith.constant 0 : i32
      %dma_start3A_760 = tpu.memref_slice %arg22[%dma_start3A_758, %dma_start3A_759] : memref<10240x64xf32, #tpu.memory_space<vmem_shared>> -> memref<10240x64xf32, #tpu.memory_space<vmem_shared>>
      tpu.enqueue_indirect_dma source(%dma_start3A_760 : memref<10240x64xf32, #tpu.memory_space<vmem_shared>>) target(%arg11 : memref<128x64xf32, #tpu.memory_space<vmem>>) offsets(%dma_start3A_757 : memref<128xi32, #tpu.memory_space<vmem>>) semaphore(%arg16 : memref<!tpu.dma_semaphore, #tpu.memory_space<semaphore_mem>>)
      %dma_wait3A_761 = arith.constant 0 : i32
      %dma_wait3A_762 = arith.constant 0 : i32
      %dma_wait3A_763 = tpu.memref_slice %arg6[%dma_wait3A_761, %dma_wait3A_762] : memref<24x128xi32, #tpu.memory_space<vmem>> -> memref<1x128xi32, #tpu.memory_space<vmem>>
      %dma_wait3A_764 = tpu.memref_squeeze %dma_wait3A_763 : memref<1x128xi32, #tpu.memory_space<vmem>> -> memref<128xi32, #tpu.memory_space<vmem>>
      %dma_wait3A_765 = arith.constant 0 : i32
      %dma_wait3A_766 = arith.constant 0 : i32
      %dma_wait3A_767 = tpu.memref_slice %arg22[%dma_wait3A_765, %dma_wait3A_766] : memref<10240x64xf32, #tpu.memory_space<vmem_shared>> -> memref<10240x64xf32, #tpu.memory_space<vmem_shared>>
      tpu.wait_indirect_dma semaphore(%arg14 : memref<!tpu.dma_semaphore, #tpu.memory_space<semaphore_mem>>) src(%dma_wait3A_767 : memref<10240x64xf32, #tpu.memory_space<vmem_shared>>) dst(%arg9 : memref<128x64xf32, #tpu.memory_space<vmem>>)
      %rem3A_768 = arith.constant 24 : i32
      %rem3A_769 = arith.remsi %add3A_743, %rem3A_768 : i32
      %dma_start3A_770 = arith.constant 0 : i32
      %dma_start3A_771 = tpu.memref_slice %arg7[%rem3A_769, %dma_start3A_770] : memref<24x128xi32, #tpu.memory_space<vmem>> -> memref<1x128xi32, #tpu.memory_space<vmem>>
      %dma_start3A_772 = tpu.memref_squeeze %dma_start3A_771 : memref<1x128xi32, #tpu.memory_space<vmem>> -> memref<128xi32, #tpu.memory_space<vmem>>
      %dma_start3A_773 = arith.constant 0 : i32
      %dma_start3A_774 = arith.constant 0 : i32
      %dma_start3A_775 = tpu.memref_slice %arg23[%dma_start3A_773, %dma_start3A_774] : memref<10240x64xf32, #tpu.memory_space<vmem_shared>> -> memref<10240x64xf32, #tpu.memory_space<vmem_shared>>
      tpu.enqueue_indirect_dma source(%arg9 : memref<128x64xf32, #tpu.memory_space<vmem>>) target(%dma_start3A_775 : memref<10240x64xf32, #tpu.memory_space<vmem_shared>>) offsets(%dma_start3A_772 : memref<128xi32, #tpu.memory_space<vmem>>) semaphore(%arg18 : memref<!tpu.dma_semaphore, #tpu.memory_space<semaphore_mem>>) {add = true}
      %add3A_776 = arith.constant 2 : i32
      %add3A_777 = arith.addi %add3A_684, %add3A_776 : i32
      %dma_wait3A_778 = arith.constant 0 : i32
      %dma_wait3A_779 = arith.constant 0 : i32
      %dma_wait3A_780 = tpu.memref_slice %arg7[%dma_wait3A_778, %dma_wait3A_779] : memref<24x128xi32, #tpu.memory_space<vmem>> -> memref<1x128xi32, #tpu.memory_space<vmem>>
      %dma_wait3A_781 = tpu.memref_squeeze %dma_wait3A_780 : memref<1x128xi32, #tpu.memory_space<vmem>> -> memref<128xi32, #tpu.memory_space<vmem>>
      %dma_wait3A_782 = arith.constant 0 : i32
      %dma_wait3A_783 = arith.constant 0 : i32
      %dma_wait3A_784 = tpu.memref_slice %arg23[%dma_wait3A_782, %dma_wait3A_783] : memref<10240x64xf32, #tpu.memory_space<vmem_shared>> -> memref<10240x64xf32, #tpu.memory_space<vmem_shared>>
      tpu.wait_indirect_dma semaphore(%arg17 : memref<!tpu.dma_semaphore, #tpu.memory_space<semaphore_mem>>) src(%arg8 : memref<128x64xf32, #tpu.memory_space<vmem>>) dst(%dma_wait3A_784 : memref<10240x64xf32, #tpu.memory_space<vmem_shared>>)
      %add3A_785 = arith.constant 2 : i32
      %add3A_786 = arith.addi %add3A_777, %add3A_785 : i32
      %rem3A_787 = arith.constant 24 : i32
      %rem3A_788 = arith.remsi %add3A_786, %rem3A_787 : i32
      %dma_start3A_789 = arith.constant 0 : i32
      %dma_start3A_790 = tpu.memref_slice %arg6[%rem3A_788, %dma_start3A_789] : memref<24x128xi32, #tpu.memory_space<vmem>> -> memref<1x128xi32, #tpu.memory_space<vmem>>
      %dma_start3A_791 = tpu.memref_squeeze %dma_start3A_790 : memref<1x128xi32, #tpu.memory_space<vmem>> -> memref<128xi32, #tpu.memory_space<vmem>>
      %dma_start3A_792 = arith.constant 0 : i32
      %dma_start3A_793 = arith.constant 0 : i32
      %dma_start3A_794 = tpu.memref_slice %arg22[%dma_start3A_792, %dma_start3A_793] : memref<10240x64xf32, #tpu.memory_space<vmem_shared>> -> memref<10240x64xf32, #tpu.memory_space<vmem_shared>>
      tpu.enqueue_indirect_dma source(%dma_start3A_794 : memref<10240x64xf32, #tpu.memory_space<vmem_shared>>) target(%arg8 : memref<128x64xf32, #tpu.memory_space<vmem>>) offsets(%dma_start3A_791 : memref<128xi32, #tpu.memory_space<vmem>>) semaphore(%arg13 : memref<!tpu.dma_semaphore, #tpu.memory_space<semaphore_mem>>)
      %dma_wait3A_795 = arith.constant 0 : i32
      %dma_wait3A_796 = arith.constant 0 : i32
      %dma_wait3A_797 = tpu.memref_slice %arg6[%dma_wait3A_795, %dma_wait3A_796] : memref<24x128xi32, #tpu.memory_space<vmem>> -> memref<1x128xi32, #tpu.memory_space<vmem>>
      %dma_wait3A_798 = tpu.memref_squeeze %dma_wait3A_797 : memref<1x128xi32, #tpu.memory_space<vmem>> -> memref<128xi32, #tpu.memory_space<vmem>>
      %dma_wait3A_799 = arith.constant 0 : i32
      %dma_wait3A_800 = arith.constant 0 : i32
      %dma_wait3A_801 = tpu.memref_slice %arg22[%dma_wait3A_799, %dma_wait3A_800] : memref<10240x64xf32, #tpu.memory_space<vmem_shared>> -> memref<10240x64xf32, #tpu.memory_space<vmem_shared>>
      tpu.wait_indirect_dma semaphore(%arg15 : memref<!tpu.dma_semaphore, #tpu.memory_space<semaphore_mem>>) src(%dma_wait3A_801 : memref<10240x64xf32, #tpu.memory_space<vmem_shared>>) dst(%arg10 : memref<128x64xf32, #tpu.memory_space<vmem>>)
      %rem3A_802 = arith.constant 24 : i32
      %rem3A_803 = arith.remsi %add3A_777, %rem3A_802 : i32
      %dma_start3A_804 = arith.constant 0 : i32
      %dma_start3A_805 = tpu.memref_slice %arg7[%rem3A_803, %dma_start3A_804] : memref<24x128xi32, #tpu.memory_space<vmem>> -> memref<1x128xi32, #tpu.memory_space<vmem>>
      %dma_start3A_806 = tpu.memref_squeeze %dma_start3A_805 : memref<1x128xi32, #tpu.memory_space<vmem>> -> memref<128xi32, #tpu.memory_space<vmem>>
      %dma_start3A_807 = arith.constant 0 : i32
      %dma_start3A_808 = arith.constant 0 : i32
      %dma_start3A_809 = tpu.memref_slice %arg23[%dma_start3A_807, %dma_start3A_808] : memref<10240x64xf32, #tpu.memory_space<vmem_shared>> -> memref<10240x64xf32, #tpu.memory_space<vmem_shared>>
      tpu.enqueue_indirect_dma source(%arg10 : memref<128x64xf32, #tpu.memory_space<vmem>>) target(%dma_start3A_809 : memref<10240x64xf32, #tpu.memory_space<vmem_shared>>) offsets(%dma_start3A_806 : memref<128xi32, #tpu.memory_space<vmem>>) semaphore(%arg19 : memref<!tpu.dma_semaphore, #tpu.memory_space<semaphore_mem>>) {add = true}
      %add3A_810 = arith.constant 3 : i32
      %add3A_811 = arith.addi %add3A_684, %add3A_810 : i32
      %dma_wait3A_812 = arith.constant 0 : i32
      %dma_wait3A_813 = arith.constant 0 : i32
      %dma_wait3A_814 = tpu.memref_slice %arg7[%dma_wait3A_812, %dma_wait3A_813] : memref<24x128xi32, #tpu.memory_space<vmem>> -> memref<1x128xi32, #tpu.memory_space<vmem>>
      %dma_wait3A_815 = tpu.memref_squeeze %dma_wait3A_814 : memref<1x128xi32, #tpu.memory_space<vmem>> -> memref<128xi32, #tpu.memory_space<vmem>>
      %dma_wait3A_816 = arith.constant 0 : i32
      %dma_wait3A_817 = arith.constant 0 : i32
      %dma_wait3A_818 = tpu.memref_slice %arg23[%dma_wait3A_816, %dma_wait3A_817] : memref<10240x64xf32, #tpu.memory_space<vmem_shared>> -> memref<10240x64xf32, #tpu.memory_space<vmem_shared>>
      tpu.wait_indirect_dma semaphore(%arg18 : memref<!tpu.dma_semaphore, #tpu.memory_space<semaphore_mem>>) src(%arg9 : memref<128x64xf32, #tpu.memory_space<vmem>>) dst(%dma_wait3A_818 : memref<10240x64xf32, #tpu.memory_space<vmem_shared>>)
      %add3A_819 = arith.constant 2 : i32
      %add3A_820 = arith.addi %add3A_811, %add3A_819 : i32
      %rem3A_821 = arith.constant 24 : i32
      %rem3A_822 = arith.remsi %add3A_820, %rem3A_821 : i32
      %dma_start3A_823 = arith.constant 0 : i32
      %dma_start3A_824 = tpu.memref_slice %arg6[%rem3A_822, %dma_start3A_823] : memref<24x128xi32, #tpu.memory_space<vmem>> -> memref<1x128xi32, #tpu.memory_space<vmem>>
      %dma_start3A_825 = tpu.memref_squeeze %dma_start3A_824 : memref<1x128xi32, #tpu.memory_space<vmem>> -> memref<128xi32, #tpu.memory_space<vmem>>
      %dma_start3A_826 = arith.constant 0 : i32
      %dma_start3A_827 = arith.constant 0 : i32
      %dma_start3A_828 = tpu.memref_slice %arg22[%dma_start3A_826, %dma_start3A_827] : memref<10240x64xf32, #tpu.memory_space<vmem_shared>> -> memref<10240x64xf32, #tpu.memory_space<vmem_shared>>
      tpu.enqueue_indirect_dma source(%dma_start3A_828 : memref<10240x64xf32, #tpu.memory_space<vmem_shared>>) target(%arg9 : memref<128x64xf32, #tpu.memory_space<vmem>>) offsets(%dma_start3A_825 : memref<128xi32, #tpu.memory_space<vmem>>) semaphore(%arg14 : memref<!tpu.dma_semaphore, #tpu.memory_space<semaphore_mem>>)
      %dma_wait3A_829 = arith.constant 0 : i32
      %dma_wait3A_830 = arith.constant 0 : i32
      %dma_wait3A_831 = tpu.memref_slice %arg6[%dma_wait3A_829, %dma_wait3A_830] : memref<24x128xi32, #tpu.memory_space<vmem>> -> memref<1x128xi32, #tpu.memory_space<vmem>>
      %dma_wait3A_832 = tpu.memref_squeeze %dma_wait3A_831 : memref<1x128xi32, #tpu.memory_space<vmem>> -> memref<128xi32, #tpu.memory_space<vmem>>
      %dma_wait3A_833 = arith.constant 0 : i32
      %dma_wait3A_834 = arith.constant 0 : i32
      %dma_wait3A_835 = tpu.memref_slice %arg22[%dma_wait3A_833, %dma_wait3A_834] : memref<10240x64xf32, #tpu.memory_space<vmem_shared>> -> memref<10240x64xf32, #tpu.memory_space<vmem_shared>>
      tpu.wait_indirect_dma semaphore(%arg16 : memref<!tpu.dma_semaphore, #tpu.memory_space<semaphore_mem>>) src(%dma_wait3A_835 : memref<10240x64xf32, #tpu.memory_space<vmem_shared>>) dst(%arg11 : memref<128x64xf32, #tpu.memory_space<vmem>>)
      %rem3A_836 = arith.constant 24 : i32
      %rem3A_837 = arith.remsi %add3A_811, %rem3A_836 : i32
      %dma_start3A_838 = arith.constant 0 : i32
      %dma_start3A_839 = tpu.memref_slice %arg7[%rem3A_837, %dma_start3A_838] : memref<24x128xi32, #tpu.memory_space<vmem>> -> memref<1x128xi32, #tpu.memory_space<vmem>>
      %dma_start3A_840 = tpu.memref_squeeze %dma_start3A_839 : memref<1x128xi32, #tpu.memory_space<vmem>> -> memref<128xi32, #tpu.memory_space<vmem>>
      %dma_start3A_841 = arith.constant 0 : i32
      %dma_start3A_842 = arith.constant 0 : i32
      %dma_start3A_843 = tpu.memref_slice %arg23[%dma_start3A_841, %dma_start3A_842] : memref<10240x64xf32, #tpu.memory_space<vmem_shared>> -> memref<10240x64xf32, #tpu.memory_space<vmem_shared>>
      tpu.enqueue_indirect_dma source(%arg11 : memref<128x64xf32, #tpu.memory_space<vmem>>) target(%dma_start3A_843 : memref<10240x64xf32, #tpu.memory_space<vmem_shared>>) offsets(%dma_start3A_840 : memref<128xi32, #tpu.memory_space<vmem>>) semaphore(%arg20 : memref<!tpu.dma_semaphore, #tpu.memory_space<semaphore_mem>>) {add = true}
      %add3A_844 = arith.constant 4 : i32
      %add3A_845 = arith.addi %add3A_684, %add3A_844 : i32
      %dma_wait3A_846 = arith.constant 0 : i32
      %dma_wait3A_847 = arith.constant 0 : i32
      %dma_wait3A_848 = tpu.memref_slice %arg7[%dma_wait3A_846, %dma_wait3A_847] : memref<24x128xi32, #tpu.memory_space<vmem>> -> memref<1x128xi32, #tpu.memory_space<vmem>>
      %dma_wait3A_849 = tpu.memref_squeeze %dma_wait3A_848 : memref<1x128xi32, #tpu.memory_space<vmem>> -> memref<128xi32, #tpu.memory_space<vmem>>
      %dma_wait3A_850 = arith.constant 0 : i32
      %dma_wait3A_851 = arith.constant 0 : i32
      %dma_wait3A_852 = tpu.memref_slice %arg23[%dma_wait3A_850, %dma_wait3A_851] : memref<10240x64xf32, #tpu.memory_space<vmem_shared>> -> memref<10240x64xf32, #tpu.memory_space<vmem_shared>>
      tpu.wait_indirect_dma semaphore(%arg19 : memref<!tpu.dma_semaphore, #tpu.memory_space<semaphore_mem>>) src(%arg10 : memref<128x64xf32, #tpu.memory_space<vmem>>) dst(%dma_wait3A_852 : memref<10240x64xf32, #tpu.memory_space<vmem_shared>>)
      %add3A_853 = arith.constant 2 : i32
      %add3A_854 = arith.addi %add3A_845, %add3A_853 : i32
      %rem3A_855 = arith.constant 24 : i32
      %rem3A_856 = arith.remsi %add3A_854, %rem3A_855 : i32
      %dma_start3A_857 = arith.constant 0 : i32
      %dma_start3A_858 = tpu.memref_slice %arg6[%rem3A_856, %dma_start3A_857] : memref<24x128xi32, #tpu.memory_space<vmem>> -> memref<1x128xi32, #tpu.memory_space<vmem>>
      %dma_start3A_859 = tpu.memref_squeeze %dma_start3A_858 : memref<1x128xi32, #tpu.memory_space<vmem>> -> memref<128xi32, #tpu.memory_space<vmem>>
      %dma_start3A_860 = arith.constant 0 : i32
      %dma_start3A_861 = arith.constant 0 : i32
      %dma_start3A_862 = tpu.memref_slice %arg22[%dma_start3A_860, %dma_start3A_861] : memref<10240x64xf32, #tpu.memory_space<vmem_shared>> -> memref<10240x64xf32, #tpu.memory_space<vmem_shared>>
      tpu.enqueue_indirect_dma source(%dma_start3A_862 : memref<10240x64xf32, #tpu.memory_space<vmem_shared>>) target(%arg10 : memref<128x64xf32, #tpu.memory_space<vmem>>) offsets(%dma_start3A_859 : memref<128xi32, #tpu.memory_space<vmem>>) semaphore(%arg15 : memref<!tpu.dma_semaphore, #tpu.memory_space<semaphore_mem>>)
      %dma_wait3A_863 = arith.constant 0 : i32
      %dma_wait3A_864 = arith.constant 0 : i32
      %dma_wait3A_865 = tpu.memref_slice %arg6[%dma_wait3A_863, %dma_wait3A_864] : memref<24x128xi32, #tpu.memory_space<vmem>> -> memref<1x128xi32, #tpu.memory_space<vmem>>
      %dma_wait3A_866 = tpu.memref_squeeze %dma_wait3A_865 : memref<1x128xi32, #tpu.memory_space<vmem>> -> memref<128xi32, #tpu.memory_space<vmem>>
      %dma_wait3A_867 = arith.constant 0 : i32
      %dma_wait3A_868 = arith.constant 0 : i32
      %dma_wait3A_869 = tpu.memref_slice %arg22[%dma_wait3A_867, %dma_wait3A_868] : memref<10240x64xf32, #tpu.memory_space<vmem_shared>> -> memref<10240x64xf32, #tpu.memory_space<vmem_shared>>
      tpu.wait_indirect_dma semaphore(%arg13 : memref<!tpu.dma_semaphore, #tpu.memory_space<semaphore_mem>>) src(%dma_wait3A_869 : memref<10240x64xf32, #tpu.memory_space<vmem_shared>>) dst(%arg8 : memref<128x64xf32, #tpu.memory_space<vmem>>)
      %rem3A_870 = arith.constant 24 : i32
      %rem3A_871 = arith.remsi %add3A_845, %rem3A_870 : i32
      %dma_start3A_872 = arith.constant 0 : i32
      %dma_start3A_873 = tpu.memref_slice %arg7[%rem3A_871, %dma_start3A_872] : memref<24x128xi32, #tpu.memory_space<vmem>> -> memref<1x128xi32, #tpu.memory_space<vmem>>
      %dma_start3A_874 = tpu.memref_squeeze %dma_start3A_873 : memref<1x128xi32, #tpu.memory_space<vmem>> -> memref<128xi32, #tpu.memory_space<vmem>>
      %dma_start3A_875 = arith.constant 0 : i32
      %dma_start3A_876 = arith.constant 0 : i32
      %dma_start3A_877 = tpu.memref_slice %arg23[%dma_start3A_875, %dma_start3A_876] : memref<10240x64xf32, #tpu.memory_space<vmem_shared>> -> memref<10240x64xf32, #tpu.memory_space<vmem_shared>>
      tpu.enqueue_indirect_dma source(%arg8 : memref<128x64xf32, #tpu.memory_space<vmem>>) target(%dma_start3A_877 : memref<10240x64xf32, #tpu.memory_space<vmem_shared>>) offsets(%dma_start3A_874 : memref<128xi32, #tpu.memory_space<vmem>>) semaphore(%arg17 : memref<!tpu.dma_semaphore, #tpu.memory_space<semaphore_mem>>) {add = true}
      %add3A_878 = arith.constant 5 : i32
      %add3A_879 = arith.addi %add3A_684, %add3A_878 : i32
      %dma_wait3A_880 = arith.constant 0 : i32
      %dma_wait3A_881 = arith.constant 0 : i32
      %dma_wait3A_882 = tpu.memref_slice %arg7[%dma_wait3A_880, %dma_wait3A_881] : memref<24x128xi32, #tpu.memory_space<vmem>> -> memref<1x128xi32, #tpu.memory_space<vmem>>
      %dma_wait3A_883 = tpu.memref_squeeze %dma_wait3A_882 : memref<1x128xi32, #tpu.memory_space<vmem>> -> memref<128xi32, #tpu.memory_space<vmem>>
      %dma_wait3A_884 = arith.constant 0 : i32
      %dma_wait3A_885 = arith.constant 0 : i32
      %dma_wait3A_886 = tpu.memref_slice %arg23[%dma_wait3A_884, %dma_wait3A_885] : memref<10240x64xf32, #tpu.memory_space<vmem_shared>> -> memref<10240x64xf32, #tpu.memory_space<vmem_shared>>
      tpu.wait_indirect_dma semaphore(%arg20 : memref<!tpu.dma_semaphore, #tpu.memory_space<semaphore_mem>>) src(%arg11 : memref<128x64xf32, #tpu.memory_space<vmem>>) dst(%dma_wait3A_886 : memref<10240x64xf32, #tpu.memory_space<vmem_shared>>)
      %add3A_887 = arith.constant 2 : i32
      %add3A_888 = arith.addi %add3A_879, %add3A_887 : i32
      %rem3A_889 = arith.constant 24 : i32
      %rem3A_890 = arith.remsi %add3A_888, %rem3A_889 : i32
      %dma_start3A_891 = arith.constant 0 : i32
      %dma_start3A_892 = tpu.memref_slice %arg6[%rem3A_890, %dma_start3A_891] : memref<24x128xi32, #tpu.memory_space<vmem>> -> memref<1x128xi32, #tpu.memory_space<vmem>>
      %dma_start3A_893 = tpu.memref_squeeze %dma_start3A_892 : memref<1x128xi32, #tpu.memory_space<vmem>> -> memref<128xi32, #tpu.memory_space<vmem>>
      %dma_start3A_894 = arith.constant 0 : i32
      %dma_start3A_895 = arith.constant 0 : i32
      %dma_start3A_896 = tpu.memref_slice %arg22[%dma_start3A_894, %dma_start3A_895] : memref<10240x64xf32, #tpu.memory_space<vmem_shared>> -> memref<10240x64xf32, #tpu.memory_space<vmem_shared>>
      tpu.enqueue_indirect_dma source(%dma_start3A_896 : memref<10240x64xf32, #tpu.memory_space<vmem_shared>>) target(%arg11 : memref<128x64xf32, #tpu.memory_space<vmem>>) offsets(%dma_start3A_893 : memref<128xi32, #tpu.memory_space<vmem>>) semaphore(%arg16 : memref<!tpu.dma_semaphore, #tpu.memory_space<semaphore_mem>>)
      %dma_wait3A_897 = arith.constant 0 : i32
      %dma_wait3A_898 = arith.constant 0 : i32
      %dma_wait3A_899 = tpu.memref_slice %arg6[%dma_wait3A_897, %dma_wait3A_898] : memref<24x128xi32, #tpu.memory_space<vmem>> -> memref<1x128xi32, #tpu.memory_space<vmem>>
      %dma_wait3A_900 = tpu.memref_squeeze %dma_wait3A_899 : memref<1x128xi32, #tpu.memory_space<vmem>> -> memref<128xi32, #tpu.memory_space<vmem>>
      %dma_wait3A_901 = arith.constant 0 : i32
      %dma_wait3A_902 = arith.constant 0 : i32
      %dma_wait3A_903 = tpu.memref_slice %arg22[%dma_wait3A_901, %dma_wait3A_902] : memref<10240x64xf32, #tpu.memory_space<vmem_shared>> -> memref<10240x64xf32, #tpu.memory_space<vmem_shared>>
      tpu.wait_indirect_dma semaphore(%arg14 : memref<!tpu.dma_semaphore, #tpu.memory_space<semaphore_mem>>) src(%dma_wait3A_903 : memref<10240x64xf32, #tpu.memory_space<vmem_shared>>) dst(%arg9 : memref<128x64xf32, #tpu.memory_space<vmem>>)
      %rem3A_904 = arith.constant 24 : i32
      %rem3A_905 = arith.remsi %add3A_879, %rem3A_904 : i32
      %dma_start3A_906 = arith.constant 0 : i32
      %dma_start3A_907 = tpu.memref_slice %arg7[%rem3A_905, %dma_start3A_906] : memref<24x128xi32, #tpu.memory_space<vmem>> -> memref<1x128xi32, #tpu.memory_space<vmem>>
      %dma_start3A_908 = tpu.memref_squeeze %dma_start3A_907 : memref<1x128xi32, #tpu.memory_space<vmem>> -> memref<128xi32, #tpu.memory_space<vmem>>
      %dma_start3A_909 = arith.constant 0 : i32
      %dma_start3A_910 = arith.constant 0 : i32
      %dma_start3A_911 = tpu.memref_slice %arg23[%dma_start3A_909, %dma_start3A_910] : memref<10240x64xf32, #tpu.memory_space<vmem_shared>> -> memref<10240x64xf32, #tpu.memory_space<vmem_shared>>
      tpu.enqueue_indirect_dma source(%arg9 : memref<128x64xf32, #tpu.memory_space<vmem>>) target(%dma_start3A_911 : memref<10240x64xf32, #tpu.memory_space<vmem_shared>>) offsets(%dma_start3A_908 : memref<128xi32, #tpu.memory_space<vmem>>) semaphore(%arg18 : memref<!tpu.dma_semaphore, #tpu.memory_space<semaphore_mem>>) {add = true}
      %add3A_912 = arith.constant 6 : i32
      %add3A_913 = arith.addi %add3A_684, %add3A_912 : i32
      %dma_wait3A_914 = arith.constant 0 : i32
      %dma_wait3A_915 = arith.constant 0 : i32
      %dma_wait3A_916 = tpu.memref_slice %arg7[%dma_wait3A_914, %dma_wait3A_915] : memref<24x128xi32, #tpu.memory_space<vmem>> -> memref<1x128xi32, #tpu.memory_space<vmem>>
      %dma_wait3A_917 = tpu.memref_squeeze %dma_wait3A_916 : memref<1x128xi32, #tpu.memory_space<vmem>> -> memref<128xi32, #tpu.memory_space<vmem>>
      %dma_wait3A_918 = arith.constant 0 : i32
      %dma_wait3A_919 = arith.constant 0 : i32
      %dma_wait3A_920 = tpu.memref_slice %arg23[%dma_wait3A_918, %dma_wait3A_919] : memref<10240x64xf32, #tpu.memory_space<vmem_shared>> -> memref<10240x64xf32, #tpu.memory_space<vmem_shared>>
      tpu.wait_indirect_dma semaphore(%arg17 : memref<!tpu.dma_semaphore, #tpu.memory_space<semaphore_mem>>) src(%arg8 : memref<128x64xf32, #tpu.memory_space<vmem>>) dst(%dma_wait3A_920 : memref<10240x64xf32, #tpu.memory_space<vmem_shared>>)
      %add3A_921 = arith.constant 2 : i32
      %add3A_922 = arith.addi %add3A_913, %add3A_921 : i32
      %rem3A_923 = arith.constant 24 : i32
      %rem3A_924 = arith.remsi %add3A_922, %rem3A_923 : i32
      %dma_start3A_925 = arith.constant 0 : i32
      %dma_start3A_926 = tpu.memref_slice %arg6[%rem3A_924, %dma_start3A_925] : memref<24x128xi32, #tpu.memory_space<vmem>> -> memref<1x128xi32, #tpu.memory_space<vmem>>
      %dma_start3A_927 = tpu.memref_squeeze %dma_start3A_926 : memref<1x128xi32, #tpu.memory_space<vmem>> -> memref<128xi32, #tpu.memory_space<vmem>>
      %dma_start3A_928 = arith.constant 0 : i32
      %dma_start3A_929 = arith.constant 0 : i32
      %dma_start3A_930 = tpu.memref_slice %arg22[%dma_start3A_928, %dma_start3A_929] : memref<10240x64xf32, #tpu.memory_space<vmem_shared>> -> memref<10240x64xf32, #tpu.memory_space<vmem_shared>>
      tpu.enqueue_indirect_dma source(%dma_start3A_930 : memref<10240x64xf32, #tpu.memory_space<vmem_shared>>) target(%arg8 : memref<128x64xf32, #tpu.memory_space<vmem>>) offsets(%dma_start3A_927 : memref<128xi32, #tpu.memory_space<vmem>>) semaphore(%arg13 : memref<!tpu.dma_semaphore, #tpu.memory_space<semaphore_mem>>)
      %dma_wait3A_931 = arith.constant 0 : i32
      %dma_wait3A_932 = arith.constant 0 : i32
      %dma_wait3A_933 = tpu.memref_slice %arg6[%dma_wait3A_931, %dma_wait3A_932] : memref<24x128xi32, #tpu.memory_space<vmem>> -> memref<1x128xi32, #tpu.memory_space<vmem>>
      %dma_wait3A_934 = tpu.memref_squeeze %dma_wait3A_933 : memref<1x128xi32, #tpu.memory_space<vmem>> -> memref<128xi32, #tpu.memory_space<vmem>>
      %dma_wait3A_935 = arith.constant 0 : i32
      %dma_wait3A_936 = arith.constant 0 : i32
      %dma_wait3A_937 = tpu.memref_slice %arg22[%dma_wait3A_935, %dma_wait3A_936] : memref<10240x64xf32, #tpu.memory_space<vmem_shared>> -> memref<10240x64xf32, #tpu.memory_space<vmem_shared>>
      tpu.wait_indirect_dma semaphore(%arg15 : memref<!tpu.dma_semaphore, #tpu.memory_space<semaphore_mem>>) src(%dma_wait3A_937 : memref<10240x64xf32, #tpu.memory_space<vmem_shared>>) dst(%arg10 : memref<128x64xf32, #tpu.memory_space<vmem>>)
      %rem3A_938 = arith.constant 24 : i32
      %rem3A_939 = arith.remsi %add3A_913, %rem3A_938 : i32
      %dma_start3A_940 = arith.constant 0 : i32
      %dma_start3A_941 = tpu.memref_slice %arg7[%rem3A_939, %dma_start3A_940] : memref<24x128xi32, #tpu.memory_space<vmem>> -> memref<1x128xi32, #tpu.memory_space<vmem>>
      %dma_start3A_942 = tpu.memref_squeeze %dma_start3A_941 : memref<1x128xi32, #tpu.memory_space<vmem>> -> memref<128xi32, #tpu.memory_space<vmem>>
      %dma_start3A_943 = arith.constant 0 : i32
      %dma_start3A_944 = arith.constant 0 : i32
      %dma_start3A_945 = tpu.memref_slice %arg23[%dma_start3A_943, %dma_start3A_944] : memref<10240x64xf32, #tpu.memory_space<vmem_shared>> -> memref<10240x64xf32, #tpu.memory_space<vmem_shared>>
      tpu.enqueue_indirect_dma source(%arg10 : memref<128x64xf32, #tpu.memory_space<vmem>>) target(%dma_start3A_945 : memref<10240x64xf32, #tpu.memory_space<vmem_shared>>) offsets(%dma_start3A_942 : memref<128xi32, #tpu.memory_space<vmem>>) semaphore(%arg19 : memref<!tpu.dma_semaphore, #tpu.memory_space<semaphore_mem>>) {add = true}
      %add3A_946 = arith.constant 7 : i32
      %add3A_947 = arith.addi %add3A_684, %add3A_946 : i32
      %dma_wait3A_948 = arith.constant 0 : i32
      %dma_wait3A_949 = arith.constant 0 : i32
      %dma_wait3A_950 = tpu.memref_slice %arg7[%dma_wait3A_948, %dma_wait3A_949] : memref<24x128xi32, #tpu.memory_space<vmem>> -> memref<1x128xi32, #tpu.memory_space<vmem>>
      %dma_wait3A_951 = tpu.memref_squeeze %dma_wait3A_950 : memref<1x128xi32, #tpu.memory_space<vmem>> -> memref<128xi32, #tpu.memory_space<vmem>>
      %dma_wait3A_952 = arith.constant 0 : i32
      %dma_wait3A_953 = arith.constant 0 : i32
      %dma_wait3A_954 = tpu.memref_slice %arg23[%dma_wait3A_952, %dma_wait3A_953] : memref<10240x64xf32, #tpu.memory_space<vmem_shared>> -> memref<10240x64xf32, #tpu.memory_space<vmem_shared>>
      tpu.wait_indirect_dma semaphore(%arg18 : memref<!tpu.dma_semaphore, #tpu.memory_space<semaphore_mem>>) src(%arg9 : memref<128x64xf32, #tpu.memory_space<vmem>>) dst(%dma_wait3A_954 : memref<10240x64xf32, #tpu.memory_space<vmem_shared>>)
      %add3A_955 = arith.constant 2 : i32
      %add3A_956 = arith.addi %add3A_947, %add3A_955 : i32
      %rem3A_957 = arith.constant 24 : i32
      %rem3A_958 = arith.remsi %add3A_956, %rem3A_957 : i32
      %dma_start3A_959 = arith.constant 0 : i32
      %dma_start3A_960 = tpu.memref_slice %arg6[%rem3A_958, %dma_start3A_959] : memref<24x128xi32, #tpu.memory_space<vmem>> -> memref<1x128xi32, #tpu.memory_space<vmem>>
      %dma_start3A_961 = tpu.memref_squeeze %dma_start3A_960 : memref<1x128xi32, #tpu.memory_space<vmem>> -> memref<128xi32, #tpu.memory_space<vmem>>
      %dma_start3A_962 = arith.constant 0 : i32
      %dma_start3A_963 = arith.constant 0 : i32
      %dma_start3A_964 = tpu.memref_slice %arg22[%dma_start3A_962, %dma_start3A_963] : memref<10240x64xf32, #tpu.memory_space<vmem_shared>> -> memref<10240x64xf32, #tpu.memory_space<vmem_shared>>
      tpu.enqueue_indirect_dma source(%dma_start3A_964 : memref<10240x64xf32, #tpu.memory_space<vmem_shared>>) target(%arg9 : memref<128x64xf32, #tpu.memory_space<vmem>>) offsets(%dma_start3A_961 : memref<128xi32, #tpu.memory_space<vmem>>) semaphore(%arg14 : memref<!tpu.dma_semaphore, #tpu.memory_space<semaphore_mem>>)
      %dma_wait3A_965 = arith.constant 0 : i32
      %dma_wait3A_966 = arith.constant 0 : i32
      %dma_wait3A_967 = tpu.memref_slice %arg6[%dma_wait3A_965, %dma_wait3A_966] : memref<24x128xi32, #tpu.memory_space<vmem>> -> memref<1x128xi32, #tpu.memory_space<vmem>>
      %dma_wait3A_968 = tpu.memref_squeeze %dma_wait3A_967 : memref<1x128xi32, #tpu.memory_space<vmem>> -> memref<128xi32, #tpu.memory_space<vmem>>
      %dma_wait3A_969 = arith.constant 0 : i32
      %dma_wait3A_970 = arith.constant 0 : i32
      %dma_wait3A_971 = tpu.memref_slice %arg22[%dma_wait3A_969, %dma_wait3A_970] : memref<10240x64xf32, #tpu.memory_space<vmem_shared>> -> memref<10240x64xf32, #tpu.memory_space<vmem_shared>>
      tpu.wait_indirect_dma semaphore(%arg16 : memref<!tpu.dma_semaphore, #tpu.memory_space<semaphore_mem>>) src(%dma_wait3A_971 : memref<10240x64xf32, #tpu.memory_space<vmem_shared>>) dst(%arg11 : memref<128x64xf32, #tpu.memory_space<vmem>>)
      %rem3A_972 = arith.constant 24 : i32
      %rem3A_973 = arith.remsi %add3A_947, %rem3A_972 : i32
      %dma_start3A_974 = arith.constant 0 : i32
      %dma_start3A_975 = tpu.memref_slice %arg7[%rem3A_973, %dma_start3A_974] : memref<24x128xi32, #tpu.memory_space<vmem>> -> memref<1x128xi32, #tpu.memory_space<vmem>>
      %dma_start3A_976 = tpu.memref_squeeze %dma_start3A_975 : memref<1x128xi32, #tpu.memory_space<vmem>> -> memref<128xi32, #tpu.memory_space<vmem>>
      %dma_start3A_977 = arith.constant 0 : i32
      %dma_start3A_978 = arith.constant 0 : i32
      %dma_start3A_979 = tpu.memref_slice %arg23[%dma_start3A_977, %dma_start3A_978] : memref<10240x64xf32, #tpu.memory_space<vmem_shared>> -> memref<10240x64xf32, #tpu.memory_space<vmem_shared>>
      tpu.enqueue_indirect_dma source(%arg11 : memref<128x64xf32, #tpu.memory_space<vmem>>) target(%dma_start3A_979 : memref<10240x64xf32, #tpu.memory_space<vmem_shared>>) offsets(%dma_start3A_976 : memref<128xi32, #tpu.memory_space<vmem>>) semaphore(%arg20 : memref<!tpu.dma_semaphore, #tpu.memory_space<semaphore_mem>>) {add = true}
      %add3A_980 = arith.constant 16 : i32
      %add3A_981 = arith.addi %add3A_684, %add3A_980 : i32
      %rem3A_982 = arith.constant 24 : i32
      %rem3A_983 = arith.remsi %add3A_981, %rem3A_982 : i32
      %lt3A = arith.constant 160 : i32
      %lt3A_984 = arith.cmpi slt, %add3A_981, %lt3A : i32
      %mul3A_985 = arith.constant 160 : i32
      %mul3A_986 = arith.muli %arg1, %mul3A_985 : i32
      %add3A_987 = arith.addi %mul3A_986, %add3A_981 : i32
      %sub3A = arith.constant 160 : i32
      %sub3A_988 = arith.subi %add3A_981, %sub3A : i32
      %add3A_989 = arith.constant 2560 : i32
      %add3A_990 = arith.addi %add3A_989, %sub3A_988 : i32
      %select_n3A = arith.select %lt3A_984, %add3A_987, %add3A_990 : i32
      %dma_start3A_991 = arith.constant 0 : i32
      %dma_start3A_992 = tpu.memref_slice %arg6[%rem3A_983, %dma_start3A_991] : memref<24x128xi32, #tpu.memory_space<vmem>> -> memref<8x128xi32, #tpu.memory_space<vmem>>
      %dma_start3A_993 = arith.constant 0 : i32
      %dma_start3A_994 = tpu.memref_slice %arg3[%select_n3A, %dma_start3A_993] : memref<2576x128xi32, #tpu.memory_space<hbm>> -> memref<8x128xi32, #tpu.memory_space<hbm>>
      %dma_start3A_995 = arith.constant 0 : i32
      %dma_start3A_996 = tpu.memref_slice %arg6[%rem3A_983, %dma_start3A_995] : memref<24x128xi32, #tpu.memory_space<vmem>> -> memref<8x128xi32, #tpu.memory_space<vmem>>
      %dma_start3A_997 = arith.constant 0 : i32
      %dma_start3A_998 = tpu.memref_slice %arg3[%select_n3A, %dma_start3A_997] : memref<2576x128xi32, #tpu.memory_space<hbm>> -> memref<8x128xi32, #tpu.memory_space<hbm>>
      tpu.enqueue_dma source(%dma_start3A_998 : memref<8x128xi32, #tpu.memory_space<hbm>>) target(%dma_start3A_996 : memref<8x128xi32, #tpu.memory_space<vmem>>) target_semaphore(%arg21 : memref<!tpu.dma_semaphore, #tpu.memory_space<semaphore_mem>>)
      %dma_start3A_999 = arith.constant 0 : i32
      %dma_start3A_1000 = tpu.memref_slice %arg7[%rem3A_983, %dma_start3A_999] : memref<24x128xi32, #tpu.memory_space<vmem>> -> memref<8x128xi32, #tpu.memory_space<vmem>>
      %dma_start3A_1001 = arith.constant 0 : i32
      %dma_start3A_1002 = tpu.memref_slice %arg4[%select_n3A, %dma_start3A_1001] : memref<2576x128xi32, #tpu.memory_space<hbm>> -> memref<8x128xi32, #tpu.memory_space<hbm>>
      %dma_start3A_1003 = arith.constant 0 : i32
      %dma_start3A_1004 = tpu.memref_slice %arg7[%rem3A_983, %dma_start3A_1003] : memref<24x128xi32, #tpu.memory_space<vmem>> -> memref<8x128xi32, #tpu.memory_space<vmem>>
      %dma_start3A_1005 = arith.constant 0 : i32
      %dma_start3A_1006 = tpu.memref_slice %arg4[%select_n3A, %dma_start3A_1005] : memref<2576x128xi32, #tpu.memory_space<hbm>> -> memref<8x128xi32, #tpu.memory_space<hbm>>
      tpu.enqueue_dma source(%dma_start3A_1006 : memref<8x128xi32, #tpu.memory_space<hbm>>) target(%dma_start3A_1004 : memref<8x128xi32, #tpu.memory_space<vmem>>) target_semaphore(%arg21 : memref<!tpu.dma_semaphore, #tpu.memory_space<semaphore_mem>>)
    }
    %scan3A_622 = arith.constant 19 : i32
    %dma_wait3A_623 = arith.constant 0 : i32
    %dma_wait3A_624 = arith.constant 0 : i32
    %dma_wait3A_625 = tpu.memref_slice %arg7[%dma_wait3A_623, %dma_wait3A_624] : memref<24x128xi32, #tpu.memory_space<vmem>> -> memref<1x128xi32, #tpu.memory_space<vmem>>
    %dma_wait3A_626 = tpu.memref_squeeze %dma_wait3A_625 : memref<1x128xi32, #tpu.memory_space<vmem>> -> memref<128xi32, #tpu.memory_space<vmem>>
    %dma_wait3A_627 = arith.constant 0 : i32
    %dma_wait3A_628 = arith.constant 0 : i32
    %dma_wait3A_629 = tpu.memref_slice %arg23[%dma_wait3A_627, %dma_wait3A_628] : memref<10240x64xf32, #tpu.memory_space<vmem_shared>> -> memref<10240x64xf32, #tpu.memory_space<vmem_shared>>
    tpu.wait_indirect_dma semaphore(%arg19 : memref<!tpu.dma_semaphore, #tpu.memory_space<semaphore_mem>>) src(%arg10 : memref<128x64xf32, #tpu.memory_space<vmem>>) dst(%dma_wait3A_629 : memref<10240x64xf32, #tpu.memory_space<vmem_shared>>)
    %dma_wait3A_630 = arith.constant 0 : i32
    %dma_wait3A_631 = arith.constant 0 : i32
    %dma_wait3A_632 = tpu.memref_slice %arg7[%dma_wait3A_630, %dma_wait3A_631] : memref<24x128xi32, #tpu.memory_space<vmem>> -> memref<1x128xi32, #tpu.memory_space<vmem>>
    %dma_wait3A_633 = tpu.memref_squeeze %dma_wait3A_632 : memref<1x128xi32, #tpu.memory_space<vmem>> -> memref<128xi32, #tpu.memory_space<vmem>>
    %dma_wait3A_634 = arith.constant 0 : i32
    %dma_wait3A_635 = arith.constant 0 : i32
    %dma_wait3A_636 = tpu.memref_slice %arg23[%dma_wait3A_634, %dma_wait3A_635] : memref<10240x64xf32, #tpu.memory_space<vmem_shared>> -> memref<10240x64xf32, #tpu.memory_space<vmem_shared>>
    tpu.wait_indirect_dma semaphore(%arg20 : memref<!tpu.dma_semaphore, #tpu.memory_space<semaphore_mem>>) src(%arg11 : memref<128x64xf32, #tpu.memory_space<vmem>>) dst(%dma_wait3A_636 : memref<10240x64xf32, #tpu.memory_space<vmem_shared>>)
    %dma_wait3A_637 = arith.constant 0 : i32
    %dma_wait3A_638 = arith.constant 0 : i32
    %dma_wait3A_639 = tpu.memref_slice %arg6[%dma_wait3A_637, %dma_wait3A_638] : memref<24x128xi32, #tpu.memory_space<vmem>> -> memref<1x128xi32, #tpu.memory_space<vmem>>
    %dma_wait3A_640 = tpu.memref_squeeze %dma_wait3A_639 : memref<1x128xi32, #tpu.memory_space<vmem>> -> memref<128xi32, #tpu.memory_space<vmem>>
    %dma_wait3A_641 = arith.constant 0 : i32
    %dma_wait3A_642 = arith.constant 0 : i32
    %dma_wait3A_643 = tpu.memref_slice %arg22[%dma_wait3A_641, %dma_wait3A_642] : memref<10240x64xf32, #tpu.memory_space<vmem_shared>> -> memref<10240x64xf32, #tpu.memory_space<vmem_shared>>
    tpu.wait_indirect_dma semaphore(%arg13 : memref<!tpu.dma_semaphore, #tpu.memory_space<semaphore_mem>>) src(%dma_wait3A_643 : memref<10240x64xf32, #tpu.memory_space<vmem_shared>>) dst(%arg8 : memref<128x64xf32, #tpu.memory_space<vmem>>)
    %dma_wait3A_644 = arith.constant 0 : i32
    %dma_wait3A_645 = arith.constant 0 : i32
    %dma_wait3A_646 = tpu.memref_slice %arg6[%dma_wait3A_644, %dma_wait3A_645] : memref<24x128xi32, #tpu.memory_space<vmem>> -> memref<1x128xi32, #tpu.memory_space<vmem>>
    %dma_wait3A_647 = tpu.memref_squeeze %dma_wait3A_646 : memref<1x128xi32, #tpu.memory_space<vmem>> -> memref<128xi32, #tpu.memory_space<vmem>>
    %dma_wait3A_648 = arith.constant 0 : i32
    %dma_wait3A_649 = arith.constant 0 : i32
    %dma_wait3A_650 = tpu.memref_slice %arg22[%dma_wait3A_648, %dma_wait3A_649] : memref<10240x64xf32, #tpu.memory_space<vmem_shared>> -> memref<10240x64xf32, #tpu.memory_space<vmem_shared>>
    tpu.wait_indirect_dma semaphore(%arg14 : memref<!tpu.dma_semaphore, #tpu.memory_space<semaphore_mem>>) src(%dma_wait3A_650 : memref<10240x64xf32, #tpu.memory_space<vmem_shared>>) dst(%arg9 : memref<128x64xf32, #tpu.memory_space<vmem>>)
    %dma_wait3A_651 = arith.constant 0 : i32
    %dma_wait3A_652 = arith.constant 0 : i32
    %dma_wait3A_653 = tpu.memref_slice %arg6[%dma_wait3A_651, %dma_wait3A_652] : memref<24x128xi32, #tpu.memory_space<vmem>> -> memref<8x128xi32, #tpu.memory_space<vmem>>
    %dma_wait3A_654 = arith.constant 0 : i32
    %dma_wait3A_655 = arith.constant 0 : i32
    %dma_wait3A_656 = tpu.memref_slice %arg3[%dma_wait3A_654, %dma_wait3A_655] : memref<2576x128xi32, #tpu.memory_space<hbm>> -> memref<8x128xi32, #tpu.memory_space<hbm>>
    %dma_wait3A_657 = arith.constant 0 : i32
    %dma_wait3A_658 = arith.constant 0 : i32
    %dma_wait3A_659 = tpu.memref_slice %arg6[%dma_wait3A_657, %dma_wait3A_658] : memref<24x128xi32, #tpu.memory_space<vmem>> -> memref<8x128xi32, #tpu.memory_space<vmem>>
    %dma_wait3A_660 = arith.constant 0 : i32
    %dma_wait3A_661 = arith.constant 0 : i32
    %dma_wait3A_662 = tpu.memref_slice %arg3[%dma_wait3A_660, %dma_wait3A_661] : memref<2576x128xi32, #tpu.memory_space<hbm>> -> memref<8x128xi32, #tpu.memory_space<hbm>>
    tpu.wait_dma2 semaphore(%arg21 : memref<!tpu.dma_semaphore, #tpu.memory_space<semaphore_mem>>) src(%dma_wait3A_662 : memref<8x128xi32, #tpu.memory_space<hbm>>) dst(%dma_wait3A_659 : memref<8x128xi32, #tpu.memory_space<vmem>>)
    %dma_wait3A_663 = arith.constant 0 : i32
    %dma_wait3A_664 = arith.constant 0 : i32
    %dma_wait3A_665 = tpu.memref_slice %arg7[%dma_wait3A_663, %dma_wait3A_664] : memref<24x128xi32, #tpu.memory_space<vmem>> -> memref<8x128xi32, #tpu.memory_space<vmem>>
    %dma_wait3A_666 = arith.constant 0 : i32
    %dma_wait3A_667 = arith.constant 0 : i32
    %dma_wait3A_668 = tpu.memref_slice %arg4[%dma_wait3A_666, %dma_wait3A_667] : memref<2576x128xi32, #tpu.memory_space<hbm>> -> memref<8x128xi32, #tpu.memory_space<hbm>>
    %dma_wait3A_669 = arith.constant 0 : i32
    %dma_wait3A_670 = arith.constant 0 : i32
    %dma_wait3A_671 = tpu.memref_slice %arg7[%dma_wait3A_669, %dma_wait3A_670] : memref<24x128xi32, #tpu.memory_space<vmem>> -> memref<8x128xi32, #tpu.memory_space<vmem>>
    %dma_wait3A_672 = arith.constant 0 : i32
    %dma_wait3A_673 = arith.constant 0 : i32
    %dma_wait3A_674 = tpu.memref_slice %arg4[%dma_wait3A_672, %dma_wait3A_673] : memref<2576x128xi32, #tpu.memory_space<hbm>> -> memref<8x128xi32, #tpu.memory_space<hbm>>
    tpu.wait_dma2 semaphore(%arg21 : memref<!tpu.dma_semaphore, #tpu.memory_space<semaphore_mem>>) src(%dma_wait3A_674 : memref<8x128xi32, #tpu.memory_space<hbm>>) dst(%dma_wait3A_671 : memref<8x128xi32, #tpu.memory_space<vmem>>)
    %barrier3A_675 = arith.constant 0 : index
    tpu.barrier barrier_id(%barrier3A_675)
    %mul3A_676 = arith.constant 640 : i32
    %mul3A_677 = arith.muli %arg1, %mul3A_676 : i32
    %mul3A_678 = arith.constant 640 : i32
    %mul3A_679 = arith.muli %arg1, %mul3A_678 : i32
    "tpu.region"() ({
      %run_scoped3A = tpu.sem_alloc : memref<!tpu.dma_semaphore, #tpu.memory_space<semaphore_mem>>
      %dma_start3A_680 = arith.constant 0 : i32
      %dma_start3A_681 = tpu.memref_slice %arg5[%arg0, %mul3A_679, %dma_start3A_680] : memref<2x10240x64xf32, #tpu.memory_space<hbm>> -> memref<1x640x64xf32, #tpu.memory_space<hbm>>
      %dma_start3A_682 = tpu.memref_squeeze %dma_start3A_681 : memref<1x640x64xf32, #tpu.memory_space<hbm>> -> memref<640x64xf32, #tpu.memory_space<hbm>>
      %dma_start3A_683 = arith.constant 0 : i32
      %dma_start3A_684 = tpu.memref_slice %arg23[%mul3A_677, %dma_start3A_683] : memref<10240x64xf32, #tpu.memory_space<vmem_shared>> -> memref<640x64xf32, #tpu.memory_space<vmem_shared>>
      tpu.enqueue_dma source(%dma_start3A_684 : memref<640x64xf32, #tpu.memory_space<vmem_shared>>) target(%dma_start3A_682 : memref<640x64xf32, #tpu.memory_space<hbm>>) target_semaphore(%run_scoped3A : memref<!tpu.dma_semaphore, #tpu.memory_space<semaphore_mem>>)
      %dma_wait3A_685 = arith.constant 0 : i32
      %dma_wait3A_686 = tpu.memref_slice %arg5[%arg0, %mul3A_679, %dma_wait3A_685] : memref<2x10240x64xf32, #tpu.memory_space<hbm>> -> memref<1x640x64xf32, #tpu.memory_space<hbm>>
      %dma_wait3A_687 = tpu.memref_squeeze %dma_wait3A_686 : memref<1x640x64xf32, #tpu.memory_space<hbm>> -> memref<640x64xf32, #tpu.memory_space<hbm>>
      %dma_wait3A_688 = arith.constant 0 : i32
      %dma_wait3A_689 = tpu.memref_slice %arg23[%mul3A_677, %dma_wait3A_688] : memref<10240x64xf32, #tpu.memory_space<vmem_shared>> -> memref<640x64xf32, #tpu.memory_space<vmem_shared>>
      tpu.wait_dma2 semaphore(%run_scoped3A : memref<!tpu.dma_semaphore, #tpu.memory_space<semaphore_mem>>) src(%dma_wait3A_689 : memref<640x64xf32, #tpu.memory_space<vmem_shared>>) dst(%dma_wait3A_687 : memref<640x64xf32, #tpu.memory_space<hbm>>)
      tpu.yield
    }) : () -> ()
    return
  }
}

</mosaic_0001>

<sc_bundles>
// kernel: _propagate.3.cloned.1.call-start
scs
__scs_entry_jumppad:
0x0: {  	(pc) =	sbr.rel $0x88, $3  }
0x1: {  	(tag) =	ssettag $0x0;
	lr =	simm.s32 $0x1  }
0x2: {  	[smem:$0x3F9E] =	sst lr;
	_ =	strace $0xD0000000  }
0x3: {  	_ = 	snop  }
0x4: {  	_ = 	snop  }
0x5: {  	_ = 	snop  }
0x6: {  	_ = 	snop  }
0x7: {  	_ = 	snop  }
__scs_overlays_trampoline_lowered:
0x8: {  	[smem:$0x3FAD] =	sst s0  }
0x9: {  	[smem:$0x3FAE] =	sst s1  }
0xa: {  	[smem:$0x3FAF] =	sst s2  }
0xb: {  	[smem:$0x3FB0] =	sst s3  }
0xc: {  	[smem:$0x3FB1] =	sst s4  }
0xd: {  	[smem:$0x3FB2] =	sst s5  }
0xe: {  	[smem:$0x3FB3] =	sst s6  }
0xf: {  	[smem:$0x3FB4] =	sst s7  }
0x10: {  	[smem:$0x3FB5] =	sst s8  }
0x11: {  	[smem:$0x3FB6] =	sst s9;
	s0 =	simm.s32 @!p0 $0x0  }
0x12: {  	s1 =	sld [smem:$0x3F9C];
	s0 =	simm.s32 @p0 $0x1  }
0x13: {  	[smem:$0x3FB7] =	sst s0;
	s0 =	simm.s32 @!p1 $0x0  }
0x14: {  	s2 =	sld [smem:$0x3F9B];
	s0 =	simm.s32 @p1 $0x1  }
0x15: {  	[smem:$0x3FB8] =	sst s0;
	s0 =	simm.s32 @!p2 $0x0  }
0x16: {  	s3 =	sld [smem:$0x3FDB];
	s0 =	simm.s32 @p2 $0x1  }
0x17: {  	s4 =	simm.s32 $0x1BF5;
	[smem:$0x3FBA] =	sst s0  }
0x18: {  	s0 =	sld [smem:$0x3F9D];
	_ =	swait.ge [sflag:s4], $0x0  }
0x19: {  	s7 =	sld [smem:$0x3F9E]  }
0x1a: {  	s8 =	sadd.s32 $0xFFFFE003, lr  }
0x1b: {  	s9 =	sadd.s32 $0xFFFFFEF7, lr;
	s5 =	simm.s32 $0xFFFFFFFF;
	p2 =	slt.u32 s8, $0xFFFFF086  }
0x1c: {  	p1 =	slt.u32 s9, $0xF7A;
	s5 =	simm.s32 @!p2 $0x0  }
0x1d: {  	s5 =	simm.s32 @p1 $0x1;
	p0 =	seq.s32 s7, s2  }
0x1e: {  	s7 =	smul.u32 @!p0 $0xF7A, s2;
	p2 =	seq.s32 @!p0 s5, $0x0  }
0x1f: {  	s9 =	smul.u32 $0xF7A, s1;
	s8 =	simm.s32 @!p0 $0x1BF5;
	p2 =	por !p2, p0  }
0x20: {  	[sflag:s8] =	ssyncset.s32 @!p0 $0xFFFFF086;
	s6 =	sadd.s32 @!p0 s3, s7;
	s7 =	simm.s32 @!p0 $0x108  }
0x21: {  	s3 =	sadd.s32 s3, s9;
	s6 =	sadd.s32 @!p0 $0x88, s6;
	s7 =	simm.s32 @p2 $0x1082  }
0x22: {  	[simem:s7], [sflag:s8] =	dma.local @!p0 [hbm:s6], $0xF7A  }
0x23: {  	s9 =	sor.u32 $0xD0000000, s2;
	s6 =	simm.s32 $0x108;
	_ =	swait.ge @!p0 [sflag:s8], $0x0  }
0x24: {  	s3 =	sadd.s32 $0x88, s3;
	s6 =	simm.s32 @!p1 $0x1082;
	[sflag:s4] =	ssyncset.s32 $0xFFFFF086  }
0x25: {  	[simem:s6], [sflag:s4] =	dma.local [hbm:s3], $0xF7A  }
0x26: {  	[smem:$0x3F9E] =	sst s1;
	(tag) =	ssettag s2;
	_ =	strace s9  }
0x27: {  	s1 =	sld [smem:$0x3FAE]  }
0x28: {  	s2 =	sld [smem:$0x3FAF]  }
0x29: {  	s4 =	sld [smem:$0x3FB1]  }
0x2a: {  	p0 =	seq.s32 s5, $0x0;
	s5 =	sld [smem:$0x3FB2]  }
0x2b: {  	s6 =	sld [smem:$0x3FB3]  }
0x2c: {  	s7 =	sld [smem:$0x3FB4]  }
0x2d: {  	s3 =	simm.s32 $0x108;
	s8 =	sld [smem:$0x3FB5]  }
0x2e: {  	s3 =	simm.s32 @!p0 $0x1082;
	s9 =	sld [smem:$0x3FB6]  }
0x2f: {  	lr =	sadd.s32 s0, s3;
	s0 =	sld [smem:$0x3FAD]  }
0x30: {  	s3 =	sld [smem:$0x3FB0]  }
0x31: {  	[smem:$0x3FB9] =	sst s10  }
0x32: {  	s10 =	sld [smem:$0x3FB7];
	_ =	sdelay $0x3  }
0x33: {  	p0 =	seq.s32 s10, $0x1;
	s10 =	sld [smem:$0x3FB9];
	_ =	sdelay $0x3  }
0x34: {  	[smem:$0x3FB9] =	sst s10  }
0x35: {  	s10 =	sld [smem:$0x3FB8];
	_ =	sdelay $0x3  }
0x36: {  	p1 =	seq.s32 s10, $0x1;
	s10 =	sld [smem:$0x3FB9];
	_ =	sdelay $0x3  }
0x37: {  	[smem:$0x3FB9] =	sst s10  }
0x38: {  	s10 =	sld [smem:$0x3FBA]  }
0x39: {  	_ = 	snop;
	(pc) =	sbr.ind lr, $3  }
0x3a: {  	_ = 	snop  }
0x3b: {  	_ = 	snop  }
0x3c: {  	p2 =	seq.s32 s10, $0x1;
	s10 =	sld [smem:$0x3FB9]  }
0x3d: {  	_ =	shalt  }
0x3e: {  	_ =	shalt  }
0x3f: {  	_ =	shalt  }
0x40: {  	_ =	shalt  }
0x41: {  	_ =	shalt  }
0x42: {  	_ =	shalt  }
0x43: {  	_ =	shalt  }
0x44: {  	_ =	shalt  }
0x45: {  	_ =	shalt  }
0x46: {  	_ =	shalt  }
0x47: {  	_ =	shalt  }
0x48: {  	_ =	shalt  }
0x49: {  	_ =	shalt  }
0x4a: {  	_ =	shalt  }
0x4b: {  	_ =	shalt  }
0x4c: {  	_ =	shalt  }
0x4d: {  	_ =	shalt  }
0x4e: {  	_ =	shalt  }
0x4f: {  	_ =	shalt  }
0x50: {  	_ =	shalt  }
0x51: {  	_ =	shalt  }
0x52: {  	_ =	shalt  }
0x53: {  	_ =	shalt  }
0x54: {  	_ =	shalt  }
0x55: {  	_ =	shalt  }
0x56: {  	_ =	shalt  }
0x57: {  	_ =	shalt  }
0x58: {  	_ =	shalt  }
0x59: {  	_ =	shalt  }
0x5a: {  	_ =	shalt  }
0x5b: {  	_ =	shalt  }
0x5c: {  	_ =	shalt  }
0x5d: {  	_ =	shalt  }
0x5e: {  	_ =	shalt  }
0x5f: {  	_ =	shalt  }
0x60: {  	_ =	shalt  }
0x61: {  	_ =	shalt  }
0x62: {  	_ =	shalt  }
0x63: {  	_ =	shalt  }
0x64: {  	_ =	shalt  }
0x65: {  	_ =	shalt  }
0x66: {  	_ =	shalt  }
0x67: {  	_ =	shalt  }
0x68: {  	_ =	shalt  }
0x69: {  	_ =	shalt  }
0x6a: {  	_ =	shalt  }
0x6b: {  	_ =	shalt  }
0x6c: {  	_ =	shalt  }
0x6d: {  	_ =	shalt  }
0x6e: {  	_ =	shalt  }
0x6f: {  	_ =	shalt  }
0x70: {  	_ =	shalt  }
0x71: {  	_ =	shalt  }
0x72: {  	_ =	shalt  }
0x73: {  	_ =	shalt  }
0x74: {  	_ =	shalt  }
0x75: {  	_ =	shalt  }
0x76: {  	_ =	shalt  }
0x77: {  	_ =	shalt  }
0x78: {  	_ =	shalt  }
0x79: {  	_ =	shalt  }
0x7a: {  	_ =	shalt  }
0x7b: {  	_ =	shalt  }
0x7c: {  	_ =	shalt  }
0x7d: {  	_ =	shalt  }
0x7e: {  	_ =	shalt  }
0x7f: {  	_ =	shalt  }
0x80: {  	_ =	shalt  }
0x81: {  	_ =	shalt  }
0x82: {  	_ =	shalt  }
0x83: {  	_ =	shalt  }
0x84: {  	_ =	shalt  }
0x85: {  	_ =	shalt  }
0x86: {  	_ =	shalt  }
0x87: {  	_ =	shalt  }
.Lfunc_end0:
.L_simem_size_0:
called_computation_lowered:
.L_overlay_start_0:
0x88: {  	s2 =	sld [smem:$0x3FD9]  }
0x89: {  	s3 =	sld [smem:$0x3FFE];
	_ =	sdelay $0x1  }
0x8a: {  	s1 =	srdreg.scid  }
0x8b: {  	s0 =	sand.u32 $0x1, s1  }
0x8c: {  	s17 =	sshll.u32 s0, $0xA;
	s2 =	sadd.s32 s3, s2  }
0x8d: {  	s2 =	sadd.s32 s2, s17  }
0x8e: {  	[smem:$0x3FC5] =	sst s2  }
0x8f: {  	_ = 	snop  }
0x90: {  	s2 =	sld [smem:$0x3FC8]  }
0x91: {  	s18 =	sld [smem:$0x3FC7]  }
0x92: {  	s4 =	sld [smem:$0x3FD0];
	(tm) =	ssettm $0x1  }
0x93: {  	s5 =	sld [smem:$0x3FFB];
	_ =	sdelay $0x3  }
0x94: {  	_ =	strace s5  }
0x95: {  	s5 =	sld [smem:$0x3FFC];
	_ =	sdelay $0x3  }
0x96: {  	_ =	strace s5  }
0x97: {  	s5 =	sld [smem:$0x3FFD];
	_ =	sdelay $0x3  }
0x98: {  	_ =	strace s5  }
0x99: {  	_ =	strace $0x8FFFFFFF  }
0x9a: {  	s19 =	sld [smem:$0x3FDB];
	_ =	sdelay $0x1  }
0x9b: {  	s6 =	simm.s32 $_scs_section_size  }
0x9c: {  	s7 =	simm.s32 $_size__tile_overlayer_lowered;
	s8 =	simm.s32 $_tile_overlayer_lowered  }
0x9d: {  	s22 =	simm.s32 $0x1BFF;
	s21 =	sshll.u32 s8, $0x1;
	s5 =	sadd.s32 s6, s19  }
0x9e: {  	s9 =	simm.s32 $0x0;
	s20 =	sshll.u32 s7, $0x1;
	s7 =	sadd.s32 s21, s5  }
0x9f: {  	[timem:s9], [sflag:s22] =	dma.local [hbm:s7], s20  }
0xa0: {  	_ =	swait.ge [sflag:s22], s20  }
0xa1: {  	s6 =	ssub.s32 $0x0, s20;
	[sflag:s22] =	ssyncset.done $0x0  }
0xa2: {  	[sflag:s22] =	ssyncadd.s32 s6;
	_ =	sdelay $0x1  }
0xa3: {  	s23 =	simm.s32 $0x1B8B  }
0xa4: {  	_ =	swait.ge [sflag:s23], $0x1  }
0xa5: {  	[sflag:s23] =	ssyncset.done $0x0  }
0xa6: {  	s25 =	simm.s32 $0x1B8E;
	s24 =	sld [smem:$0x3FFE];
	[sflag:s23] =	ssyncadd.s32 $0xFFFFFFFF  }
0xa7: {  	s26 =	simm.s32 $execute0_lowered;
	[smem:$0x3FD2] =	sst s25  }
0xa8: {  	s7 =	sshll.u32 s26, $0x1;
	_ =	strace $0x80000046;
	[dreg:$0x1] =	wrdreg $0xFFFFFFFF  }
0xa9: {  	s28 =	simm.s32 $_size_execute0_lowered;
	s5 =	sadd.s32 s5, s7;
	[dreg:$0x0] =	wrdreg $0x0  }
0xaa: {  	s7 =	sshll.u32 s28, $0x1;
	[dreg:$0x2] =	wrdreg s5  }
0xab: {  	[dreg:$0x3] =	wrdreg s7  }
0xac: {  	[dreg:$0x4] =	wrdreg $0xC0  }
0xad: {  	_ =	task [dreg:s9], $0x5FFFF  }
0xae: {  	[dreg:$0x1] =	wrdreg $0xFFFFFFFF  }
0xaf: {  	[dreg:$0x0] =	wrdreg $0x60  }
0xb0: {  	[dreg:$0x2] =	wrdreg s4  }
0xb1: {  	[dreg:$0x3] =	wrdreg s2  }
0xb2: {  	[dreg:$0x4] =	wrdreg s18  }
0xb3: {  	[dreg:$0x5] =	wrdreg s24  }
0xb4: {  	[dreg:$0x6] =	wrdreg $0x9C000  }
0xb5: {  	[dreg:$0x7] =	wrdreg $0x13C000  }
0xb6: {  	[dreg:$0x8] =	wrdreg $0x9  }
0xb7: {  	_ =	task.clear_ibuf [dreg:s9], $0x9FFFF;
	_ =	strace $0x90000046  }
0xb8: {  	s29 =	simm.s32 $0x9;
	_ =	strace $0x80000048  }
0xb9: {  	_ =	swait.ge [sflag:s29], $0x1  }
0xba: {  	[sflag:s29] =	ssyncadd.s32 $0xFFFFFFFF  }
0xbb: {  	_ =	strace $0x90000048  }
0xbc: {  	_ =	sfence  }
0xbd: {  	s30 =	sld [smem:$0x0];
	_ =	sdelay $0x2  }
0xbe: {  	s31 =	sshll.u32 s1, $0xD;
	s1 =	sshrl.u32 s1, $0x2  }
0xbf: {  	s3 =	sand.u32 $0x4000, s31;
	s1 =	sadd.s32 s1, s30  }
0xc0: {  	s0 =	sor.u32 s3, s0;
	s1 =	sshll.u32 s1, $0x11  }
0xc1: {  	s0 =	sor.u32 s1, s0  }
0xc2: {  	s0 =	sadd.s32 $0x8F2B, s0  }
0xc3: {  	[sflag:s0] =	ssyncadd.remote.s32 $0x1  }
0xc4: {  	_ =	sfence.sel $0xFFFF  }
0xc5: {  	[dreg:$0x0] =	wrdreg $0xFFFFFFFF;
	(pc) =	sbr.abs _section_cstart, $3  }
0xc6: {  	[dreg:$0x1] =	wrdreg $0xFFFFFFFF  }
0xc7: {  	_ =	task.clear_ibuf [dreg:s9], $0x2FFFF;
	_ =	strace $0x9FFFFFFF  }
0xc8: {  	(tm) =	ssettm $0x7FFFFFFF  }
0xc9: {  	_ =	shalt  }
tec
execute0_lowered:
.L_overlay_start_1:
0x0: {  	(tag) =	ssettag $0x1  }
0x1: {  	s0 =	rddreg [dreg:$0x0]  }
0x2: {  	s12 =	rddreg [dreg:$0x1]  }
0x3: {  	s21 =	rddreg [dreg:$0x2]  }
0x4: {  	s1 =	rddreg [dreg:$0x3];
	s9 =	stileid.u32  }
0x5: {  	s2 =	srdreg.scid;
	s3 =	smul.u32 $0xA000, s9  }
0x6: {  	s4 =	rddreg [dreg:$0x4];
	s8 =	smul.u32 $0x1400, s9  }
0x7: {  	s5 =	rddreg [dreg:$0x5];
	s18 =	smul.u32 $0x28000, s9  }
0x8: {  	s22 =	simm.s32 $0x0;
	s2 =	sand.u32 $0x1, s2;
	s24 =	smul.u32 $0xA00, s9  }
0x9: {  	[smem:$0x7FF] =	sst s22;
	s20 =	sshll.u32 s9, $0x6;
	s6 =	smul.u32 $0xA0000, s2  }
0xa: {  	s7 =	smul.u32 $0x14000, s2;
	_ =	strace $0x80000047;
	s2 =	ssub.s32 $0x2, s2  }
0xb: {  	s10 =	sor.u32 $0x1C0A, s20;
	s17 =	sshrl.u32 s2, $0x1;
	s19 =	sadd.s32 s3, s4  }
0xc: {  	s23 =	sshrl.u32 s18, $0x2;
	s26 =	sadd.s32 s12, s24;
	[dreg:$0x11] =	wrdreg s10  }
0xd: {  	s28 =	sadd.s32 s21, s24;
	s29 =	sor.u32 $0x80, s24;
	[dreg:$0x13] =	wrdreg s26  }
0xe: {  	s31 =	sor.u32 $0x100, s24;
	[dreg:$0x14] =	wrdreg s28;
	s30 =	sadd.s32 s12, s29  }
0xf: {  	s7 =	sadd.s32 s8, s7;
	s8 =	sadd.s32 s12, s31;
	[dreg:$0x15] =	wrdreg s30  }
0x10: {  	s2 =	ssub.s32 s2, s17;
	s17 =	sshrl.u32 s19, $0x3;
	[dreg:$0x17] =	wrdreg s8  }
0x11: {  	s11 =	sadd.s32 s23, s5;
	[smem:$0x7DB] =	sst s17  }
0x12: {  	s0 =	sadd.s32 s0, s7;
	[dreg:$0x12] =	wrdreg s11  }
0x13: {  	s7 =	sadd.s32 s21, s29;
	[dreg:$0x10] =	wrdreg s0  }
0x14: {  	s2 =	smax.u32 s2, $0x1;
	[dreg:$0x16] =	wrdreg s7  }
0x15: {  	s8 =	sadd.s32 $0x400, s11;
	[dreg:$0x1a] =	wrdreg s2  }
0x16: {  	s25 =	smul.u32 $0xA0, s9;
	s9 =	sadd.s32 $0x800, s11;
	[dreg:$0x1b] =	wrdreg s8  }
0x17: {  	s15 =	smov.u32 s12;
	s12 =	sadd.s32 $0xC00, s11;
	[dreg:$0x1c] =	wrdreg s9  }
0x18: {  	s13 =	sadd.s32 $0x1000, s11;
	[dreg:$0x1d] =	wrdreg s12  }
0x19: {  	s14 =	sadd.s32 $0x1400, s11;
	[dreg:$0x1e] =	wrdreg s13  }
0x1a: {  	s16 =	sadd.s32 $0x1800, s11;
	[dreg:$0x1f] =	wrdreg s14  }
0x1b: {  	s19 =	sadd.s32 $0x1C00, s11;
	[smem:$0x7DA] =	sst s16  }
0x1c: {  	s20 =	sadd.s32 $0x2000, s11;
	[smem:$0x7DD] =	sst s19  }
0x1d: {  	s23 =	sadd.s32 $0x2400, s11;
	[smem:$0x7DE] =	sst s20  }
0x1e: {  	s24 =	sadd.s32 $0x2800, s11;
	[smem:$0x7DF] =	sst s23  }
0x1f: {  	s26 =	sadd.s32 $0x3000, s11;
	[smem:$0x7E0] =	sst s24  }
0x20: {  	s28 =	sadd.s32 $0x3400, s11;
	[smem:$0x7E2] =	sst s26  }
0x21: {  	s29 =	sadd.s32 $0x3800, s11;
	[smem:$0x7E3] =	sst s28  }
0x22: {  	s30 =	sadd.s32 $0x3C00, s11;
	[smem:$0x7E4] =	sst s29  }
0x23: {  	s17 =	sadd.s32 $0x7000, s11;
	[smem:$0x7E5] =	sst s30  }
0x24: {  	s7 =	sadd.s32 s21, s31;
	[smem:$0x7F2] =	sst s17  }
0x25: {  	s0 =	sor.u32 $0x18, s25;
	[dreg:$0x18] =	wrdreg s7  }
0x26: {  	s25 =	sadd.s32 $0x2C00, s11;
	[dreg:$0x7] =	wrdreg s0  }
0x27: {  	s6 =	sadd.s32 s3, s6;
	s31 =	sadd.s32 $0x4000, s11;
	[smem:$0x7E1] =	sst s25  }
0x28: {  	s6 =	sshrl.u32 s6, $0x3;
	s2 =	sadd.s32 $0x4800, s11;
	[smem:$0x7E6] =	sst s31  }
0x29: {  	s1 =	sadd.s32 s6, s1;
	s6 =	sadd.s32 $0x5000, s11;
	[smem:$0x7E8] =	sst s2  }
0x2a: {  	s8 =	sadd.s32 $0x5800, s11;
	[smem:$0x7EA] =	sst s6  }
0x2b: {  	s9 =	sadd.s32 $0x5C00, s11;
	[smem:$0x7EC] =	sst s8  }
0x2c: {  	s12 =	sadd.s32 $0x6000, s11;
	[smem:$0x7ED] =	sst s9  }
0x2d: {  	s13 =	sadd.s32 $0x6400, s11;
	[smem:$0x7EE] =	sst s12  }
0x2e: {  	s14 =	sadd.s32 $0x6800, s11;
	[smem:$0x7EF] =	sst s13  }
0x2f: {  	s16 =	sadd.s32 $0x6C00, s11;
	[smem:$0x7F0] =	sst s14  }
0x30: {  	s19 =	sadd.s32 $0x7800, s11;
	[smem:$0x7F1] =	sst s16  }
0x31: {  	s20 =	sadd.s32 $0x7C00, s11;
	[smem:$0x7F4] =	sst s19  }
0x32: {  	s23 =	sadd.s32 $0x8000, s11;
	[smem:$0x7F5] =	sst s20  }
0x33: {  	s24 =	sadd.s32 $0x8400, s11;
	[smem:$0x7F6] =	sst s23  }
0x34: {  	s26 =	sadd.s32 $0x8C00, s11;
	s28 =	sadd.s32 $0x9000, s11;
	[smem:$0x7F7] =	sst s24  }
0x35: {  	s29 =	sadd.s32 $0x9400, s11;
	s30 =	sadd.s32 $0x9800, s11;
	[smem:$0x7F9] =	sst s26  }
0x36: {  	s1 =	sadd.s32 $0x400, s1;
	s7 =	sadd.s32 s3, s5;
	[smem:$0x7FA] =	sst s28  }
0x37: {  	s3 =	sadd.s32 $0x4C00, s11;
	s25 =	sadd.s32 $0x8800, s11;
	[smem:$0x7FB] =	sst s29  }
0x38: {  	[smem:$0x7FC] =	sst s30;
	s31 =	sadd.s32 $0x9C00, s11;
	s2 =	simm.s32 $0xA  }
0x39: {  	s23 =	simm.s32 $0x1800;
	s24 =	simm.s32 $0x3800;
	[dreg:$0x19] =	wrdreg s1  }
0x3a: {  	s14 =	simm.s32 $0x1;
	s20 =	simm.s32 $0x7800;
	[smem:$0x7E9] =	sst s3  }
0x3b: {  	s26 =	simm.s32 $0x5;
	s8 =	simm.s32 $0x4;
	[smem:$0x7F8] =	sst s25  }
0x3c: {  	s19 =	simm.s32 $0x7;
	s18 =	sshrl.u32 s7, $0x3;
	[smem:$0x7FD] =	sst s31  }
0x3d: {  	s9 =	simm.s32 $0x8;
	s1 =	sadd.s32 $0x4400, s11;
	[smem:$0x7DC] =	sst s18  }
0x3e: {  	s7 =	sadd.s32 $0x5400, s11;
	s25 =	simm.s32 $0x2;
	[smem:$0x7E7] =	sst s1  }
0x3f: {  	[smem:$0x7EB] =	sst s7;
	s18 =	sadd.s32 $0x7400, s11;
	s7 =	simm.s32 $0x6  }
0x40: {  	v0 =	vimm.f32 $0.0e+00;
	s1 =	simm.s32 $0x0;
	[smem:$0x7F3] =	sst s18;
	s18 =	simm.s32 $0x3  }
.LBB2_1:
0x41: {  	s29 =	sld [smem:$0x7DB]  }
0x42: {  	[smem:$0x7D9] =	sst s1  }
0x43: {  	s0 =	rddreg [dreg:$0x10]  }
0x44: {  	[spmem:s29], [sflag:s10] =	dma.local [hbm:s0], $0x1400  }
0x45: {  	_ =	swait.ge [sflag:s2], $0x1400  }
0x46: {  	[sflag:s2] =	ssyncset.done $0x0  }
0x47: {  	[sflag:s2] =	ssyncadd.s32 $0xFFFFEC00  }
0x48: {  	[tilespmem:$0x9800] =	vst v0  }
0x49: {  	[tilespmem:$0x9840] =	vst v0  }
0x4a: {  	[tilespmem:$0x9880] =	vst v0  }
0x4b: {  	[tilespmem:$0x98C0] =	vst v0  }
0x4c: {  	[tilespmem:$0x9900] =	vst v0  }
0x4d: {  	[tilespmem:$0x9940] =	vst v0  }
0x4e: {  	[tilespmem:$0x9980] =	vst v0  }
0x4f: {  	[tilespmem:$0x99C0] =	vst v0  }
0x50: {  	[tilespmem:$0x9A00] =	vst v0  }
0x51: {  	[tilespmem:$0x9A40] =	vst v0  }
0x52: {  	[tilespmem:$0x9A80] =	vst v0  }
0x53: {  	[tilespmem:$0x9AC0] =	vst v0  }
0x54: {  	[tilespmem:$0x9B00] =	vst v0  }
0x55: {  	[tilespmem:$0x9B40] =	vst v0  }
0x56: {  	[tilespmem:$0x9B80] =	vst v0  }
0x57: {  	[tilespmem:$0x9BC0] =	vst v0  }
0x58: {  	[tilespmem:$0x9810] =	vst v0  }
0x59: {  	[tilespmem:$0x9850] =	vst v0  }
0x5a: {  	[tilespmem:$0x9890] =	vst v0  }
0x5b: {  	[tilespmem:$0x98D0] =	vst v0  }
0x5c: {  	[tilespmem:$0x9910] =	vst v0  }
0x5d: {  	[tilespmem:$0x9950] =	vst v0  }
0x5e: {  	[tilespmem:$0x9990] =	vst v0  }
0x5f: {  	[tilespmem:$0x99D0] =	vst v0  }
0x60: {  	[tilespmem:$0x9A10] =	vst v0  }
0x61: {  	[tilespmem:$0x9A50] =	vst v0  }
0x62: {  	[tilespmem:$0x9A90] =	vst v0  }
0x63: {  	[tilespmem:$0x9AD0] =	vst v0  }
0x64: {  	[tilespmem:$0x9B10] =	vst v0  }
0x65: {  	[tilespmem:$0x9B50] =	vst v0  }
0x66: {  	[tilespmem:$0x9B90] =	vst v0  }
0x67: {  	[tilespmem:$0x9BD0] =	vst v0  }
0x68: {  	[tilespmem:$0x9820] =	vst v0  }
0x69: {  	[tilespmem:$0x9860] =	vst v0  }
0x6a: {  	[tilespmem:$0x98A0] =	vst v0  }
0x6b: {  	[tilespmem:$0x98E0] =	vst v0  }
0x6c: {  	[tilespmem:$0x9920] =	vst v0  }
0x6d: {  	[tilespmem:$0x9960] =	vst v0  }
0x6e: {  	[tilespmem:$0x99A0] =	vst v0  }
0x6f: {  	[tilespmem:$0x99E0] =	vst v0  }
0x70: {  	[tilespmem:$0x9A20] =	vst v0  }
0x71: {  	[tilespmem:$0x9A60] =	vst v0  }
0x72: {  	[tilespmem:$0x9AA0] =	vst v0  }
0x73: {  	[tilespmem:$0x9AE0] =	vst v0  }
0x74: {  	[tilespmem:$0x9B20] =	vst v0  }
0x75: {  	[tilespmem:$0x9B60] =	vst v0  }
0x76: {  	[tilespmem:$0x9BA0] =	vst v0  }
0x77: {  	[tilespmem:$0x9BE0] =	vst v0  }
0x78: {  	[tilespmem:$0x9830] =	vst v0  }
0x79: {  	[tilespmem:$0x9870] =	vst v0  }
0x7a: {  	[tilespmem:$0x98B0] =	vst v0  }
0x7b: {  	[tilespmem:$0x98F0] =	vst v0  }
0x7c: {  	[tilespmem:$0x9930] =	vst v0  }
0x7d: {  	[tilespmem:$0x9970] =	vst v0  }
0x7e: {  	[tilespmem:$0x99B0] =	vst v0  }
0x7f: {  	[tilespmem:$0x99F0] =	vst v0  }
0x80: {  	[tilespmem:$0x9A30] =	vst v0  }
0x81: {  	[tilespmem:$0x9A70] =	vst v0  }
0x82: {  	[tilespmem:$0x9AB0] =	vst v0  }
0x83: {  	[tilespmem:$0x9AF0] =	vst v0  }
0x84: {  	[tilespmem:$0x9B30] =	vst v0  }
0x85: {  	[tilespmem:$0x9B70] =	vst v0  }
0x86: {  	s30 =	rddreg [dreg:$0x12];
	[tilespmem:$0x9BB0] =	vst v0  }
0x87: {  	s1 =	simm.s32 $0x9800;
	s31 =	rddreg [dreg:$0x1b];
	[tilespmem:$0x9BF0] =	vst v0  }
0x88: {  	[spmem:s30] =	stream.linear.scatter [tilespmem:s1], [sflag:$0x9], $0x400, $0x38;
	[tilespmem:$0x1DC00] =	vst v63  }
0x89: {  	s3 =	rddreg [dreg:$0x1d]  }
0x8a: {  	[spmem:s31] =	stream.linear.scatter [tilespmem:s1], [sflag:$0x9], $0x400, $0x38;
	[tilespmem:$0x1DC00] =	vst v63  }
0x8b: {  	s2 =	rddreg [dreg:$0x1c]  }
0x8c: {  	[spmem:s2] =	stream.linear.scatter [tilespmem:s1], [sflag:$0x9], $0x400, $0x38;
	[tilespmem:$0x1DC00] =	vst v63  }
0x8d: {  	s6 =	rddreg [dreg:$0x1e]  }
0x8e: {  	[spmem:s3] =	stream.linear.scatter [tilespmem:s1], [sflag:$0x9], $0x400, $0x38;
	[tilespmem:$0x1DC00] =	vst v63  }
0x8f: {  	s10 =	rddreg [dreg:$0x1f]  }
0x90: {  	[spmem:s6] =	stream.linear.scatter [tilespmem:s1], [sflag:$0x9], $0x400, $0x38;
	[tilespmem:$0x1DC00] =	vst v63  }
0x91: {  	s11 =	sld [smem:$0x7DA]  }
0x92: {  	[spmem:s10] =	stream.linear.scatter [tilespmem:s1], [sflag:$0x9], $0x400, $0x38;
	[tilespmem:$0x1DC00] =	vst v63  }
0x93: {  	s12 =	sld [smem:$0x7DD]  }
0x94: {  	[spmem:s11] =	stream.linear.scatter [tilespmem:s1], [sflag:$0x9], $0x400, $0x38;
	[tilespmem:$0x1DC00] =	vst v63  }
0x95: {  	s13 =	sld [smem:$0x7DE]  }
0x96: {  	[spmem:s12] =	stream.linear.scatter [tilespmem:s1], [sflag:$0x9], $0x400, $0x38;
	[tilespmem:$0x1DC00] =	vst v63  }
0x97: {  	s16 =	sld [smem:$0x7DF]  }
0x98: {  	[spmem:s13] =	stream.linear.scatter [tilespmem:s1], [sflag:$0x9], $0x400, $0x38;
	[tilespmem:$0x1DC00] =	vst v63  }
0x99: {  	s17 =	sld [smem:$0x7E0]  }
0x9a: {  	[spmem:s16] =	stream.linear.scatter [tilespmem:s1], [sflag:$0x9], $0x400, $0x38;
	[tilespmem:$0x1DC00] =	vst v63  }
0x9b: {  	s28 =	sld [smem:$0x7E1]  }
0x9c: {  	[spmem:s17] =	stream.linear.scatter [tilespmem:s1], [sflag:$0x9], $0x400, $0x38;
	[tilespmem:$0x1DC00] =	vst v63  }
0x9d: {  	s29 =	sld [smem:$0x7E2]  }
0x9e: {  	[spmem:s28] =	stream.linear.scatter [tilespmem:s1], [sflag:$0x9], $0x400, $0x38;
	[tilespmem:$0x1DC00] =	vst v63  }
0x9f: {  	s30 =	sld [smem:$0x7E3]  }
0xa0: {  	[spmem:s29] =	stream.linear.scatter [tilespmem:s1], [sflag:$0x9], $0x400, $0x38;
	[tilespmem:$0x1DC00] =	vst v63  }
0xa1: {  	s31 =	sld [smem:$0x7E4]  }
0xa2: {  	[spmem:s30] =	stream.linear.scatter [tilespmem:s1], [sflag:$0x9], $0x400, $0x38;
	[tilespmem:$0x1DC00] =	vst v63  }
0xa3: {  	s2 =	sld [smem:$0x7E5]  }
0xa4: {  	[spmem:s31] =	stream.linear.scatter [tilespmem:s1], [sflag:$0x9], $0x400, $0x38;
	[tilespmem:$0x1DC00] =	vst v63  }
0xa5: {  	s3 =	sld [smem:$0x7E6]  }
0xa6: {  	[spmem:s2] =	stream.linear.scatter [tilespmem:s1], [sflag:$0x9], $0x400, $0x38;
	[tilespmem:$0x1DC00] =	vst v63  }
0xa7: {  	s6 =	sld [smem:$0x7E7]  }
0xa8: {  	[spmem:s3] =	stream.linear.scatter [tilespmem:s1], [sflag:$0x9], $0x400, $0x38;
	[tilespmem:$0x1DC00] =	vst v63  }
0xa9: {  	s10 =	sld [smem:$0x7E8]  }
0xaa: {  	[spmem:s6] =	stream.linear.scatter [tilespmem:s1], [sflag:$0x9], $0x400, $0x38;
	[tilespmem:$0x1DC00] =	vst v63  }
0xab: {  	s11 =	sld [smem:$0x7E9]  }
0xac: {  	[spmem:s10] =	stream.linear.scatter [tilespmem:s1], [sflag:$0x9], $0x400, $0x38;
	[tilespmem:$0x1DC00] =	vst v63  }
0xad: {  	s12 =	sld [smem:$0x7EA]  }
0xae: {  	[spmem:s11] =	stream.linear.scatter [tilespmem:s1], [sflag:$0x9], $0x400, $0x38;
	[tilespmem:$0x1DC00] =	vst v63  }
0xaf: {  	s13 =	sld [smem:$0x7EB]  }
0xb0: {  	[spmem:s12] =	stream.linear.scatter [tilespmem:s1], [sflag:$0x9], $0x400, $0x38;
	[tilespmem:$0x1DC00] =	vst v63  }
0xb1: {  	s16 =	sld [smem:$0x7EC]  }
0xb2: {  	[spmem:s13] =	stream.linear.scatter [tilespmem:s1], [sflag:$0x9], $0x400, $0x38;
	[tilespmem:$0x1DC00] =	vst v63  }
0xb3: {  	s17 =	sld [smem:$0x7ED]  }
0xb4: {  	[spmem:s16] =	stream.linear.scatter [tilespmem:s1], [sflag:$0x9], $0x400, $0x38;
	[tilespmem:$0x1DC00] =	vst v63  }
0xb5: {  	s28 =	sld [smem:$0x7EE]  }
0xb6: {  	[spmem:s17] =	stream.linear.scatter [tilespmem:s1], [sflag:$0x9], $0x400, $0x38;
	[tilespmem:$0x1DC00] =	vst v63  }
0xb7: {  	s29 =	sld [smem:$0x7EF]  }
0xb8: {  	[spmem:s28] =	stream.linear.scatter [tilespmem:s1], [sflag:$0x9], $0x400, $0x38;
	[tilespmem:$0x1DC00] =	vst v63  }
0xb9: {  	s30 =	sld [smem:$0x7F0]  }
0xba: {  	[spmem:s29] =	stream.linear.scatter [tilespmem:s1], [sflag:$0x9], $0x400, $0x38;
	[tilespmem:$0x1DC00] =	vst v63  }
0xbb: {  	s31 =	sld [smem:$0x7F1]  }
0xbc: {  	[spmem:s30] =	stream.linear.scatter [tilespmem:s1], [sflag:$0x9], $0x400, $0x38;
	[tilespmem:$0x1DC00] =	vst v63  }
0xbd: {  	s2 =	sld [smem:$0x7F2]  }
0xbe: {  	[spmem:s31] =	stream.linear.scatter [tilespmem:s1], [sflag:$0x9], $0x400, $0x38;
	[tilespmem:$0x1DC00] =	vst v63  }
0xbf: {  	s3 =	sld [smem:$0x7F3]  }
0xc0: {  	[spmem:s2] =	stream.linear.scatter [tilespmem:s1], [sflag:$0x9], $0x400, $0x38;
	[tilespmem:$0x1DC00] =	vst v63  }
0xc1: {  	s6 =	sld [smem:$0x7F4]  }
0xc2: {  	[spmem:s3] =	stream.linear.scatter [tilespmem:s1], [sflag:$0x9], $0x400, $0x38;
	[tilespmem:$0x1DC00] =	vst v63  }
0xc3: {  	s10 =	sld [smem:$0x7F5]  }
0xc4: {  	[spmem:s6] =	stream.linear.scatter [tilespmem:s1], [sflag:$0x9], $0x400, $0x38;
	[tilespmem:$0x1DC00] =	vst v63  }
0xc5: {  	s11 =	sld [smem:$0x7F6]  }
0xc6: {  	[spmem:s10] =	stream.linear.scatter [tilespmem:s1], [sflag:$0x9], $0x400, $0x38;
	[tilespmem:$0x1DC00] =	vst v63  }
0xc7: {  	s12 =	sld [smem:$0x7F7]  }
0xc8: {  	[spmem:s11] =	stream.linear.scatter [tilespmem:s1], [sflag:$0x9], $0x400, $0x38;
	[tilespmem:$0x1DC00] =	vst v63  }
0xc9: {  	s13 =	sld [smem:$0x7F8]  }
0xca: {  	[spmem:s12] =	stream.linear.scatter [tilespmem:s1], [sflag:$0x9], $0x400, $0x38;
	[tilespmem:$0x1DC00] =	vst v63  }
0xcb: {  	s16 =	sld [smem:$0x7F9]  }
0xcc: {  	[spmem:s13] =	stream.linear.scatter [tilespmem:s1], [sflag:$0x9], $0x400, $0x38;
	[tilespmem:$0x1DC00] =	vst v63  }
0xcd: {  	s17 =	sld [smem:$0x7FA]  }
0xce: {  	[spmem:s16] =	stream.linear.scatter [tilespmem:s1], [sflag:$0x9], $0x400, $0x38;
	[tilespmem:$0x1DC00] =	vst v63  }
0xcf: {  	s28 =	sld [smem:$0x7FB]  }
0xd0: {  	[spmem:s17] =	stream.linear.scatter [tilespmem:s1], [sflag:$0x9], $0x400, $0x38;
	[tilespmem:$0x1DC00] =	vst v63  }
0xd1: {  	s29 =	sld [smem:$0x7FC]  }
0xd2: {  	[spmem:s28] =	stream.linear.scatter [tilespmem:s1], [sflag:$0x9], $0x400, $0x38;
	[tilespmem:$0x1DC00] =	vst v63  }
0xd3: {  	s30 =	sld [smem:$0x7FD]  }
0xd4: {  	[spmem:s29] =	stream.linear.scatter [tilespmem:s1], [sflag:$0x9], $0x400, $0x38;
	[tilespmem:$0x1DC00] =	vst v63  }
0xd5: {  	s31 =	simm.s32 $0x9  }
0xd6: {  	[spmem:s30] =	stream.linear.scatter [tilespmem:s1], [sflag:$0x9], $0x400, $0x38;
	[tilespmem:$0x1DC00] =	vst v63  }
0xd7: {  	_ =	swait.ge [sflag:s31], $0x400  }
0xd8: {  	s0 =	simm.s32 $0x27;
	[sflag:s31] =	ssyncset.done $0x0  }
.LBB2_2:
0xd9: {  	s1 =	simm.s32 $0x9  }
0xda: {  	p0 =	sne.s32 s0, $0x1;
	s0 =	sadd.s32 $0xFFFFFFFF, s0;
	[sflag:s1] =	ssyncadd.s32 $0xFFFFFC00  }
.Ltmp0:
0xdb: {  	(pc) =	sbr.rel @p0 .LBB2_2-.Ltmp0, $3  }
0xdc: {  	_ =	sdelay $0x1  }
0xdd: {  	_ =	swait.ge [sflag:s1], $0x400  }
0xde: {  	[sflag:s1] =	ssyncset.done $0x0  }
0xdf: {  	s12 =	simm.s32 $0x9  }
0xe0: {  	s0 =	simm.s32 $0x0;
	s1 =	rddreg [dreg:$0x13];
	[sflag:s12] =	ssyncadd.s32 $0xFFFFFC00  }
0xe1: {  	[tilespmem:s0], [sflag:$0x9] =	stream.linear.gather [hbm4b:s1+s0], $0x400, $0x38;
	[tilespmem:$0x1DC00] =	vst v63  }
0xe2: {  	s3 =	rddreg [dreg:$0x14];
	s2 =	simm.s32 $0xC00  }
0xe3: {  	[tilespmem:s2], [sflag:$0x9] =	stream.linear.gather [hbm4b:s3+s0], $0x400, $0x38;
	[tilespmem:$0x1DC00] =	vst v63  }
0xe4: {  	s6 =	rddreg [dreg:$0x15];
	s3 =	simm.s32 $0x400  }
0xe5: {  	[tilespmem:s3], [sflag:$0x9] =	stream.linear.gather [hbm4b:s6+s0], $0x400, $0x38;
	[tilespmem:$0x1DC00] =	vst v63  }
0xe6: {  	s10 =	rddreg [dreg:$0x16];
	s6 =	simm.s32 $0x1000  }
0xe7: {  	[tilespmem:s6], [sflag:$0x9] =	stream.linear.gather [hbm4b:s10+s0], $0x400, $0x38;
	[tilespmem:$0x1DC00] =	vst v63  }
0xe8: {  	s11 =	rddreg [dreg:$0x17];
	s13 =	simm.s32 $0x800  }
0xe9: {  	[tilespmem:s13], [sflag:$0x9] =	stream.linear.gather [hbm4b:s11+s0], $0x400, $0x38;
	[tilespmem:$0x1DC00] =	vst v63  }
0xea: {  	s16 =	rddreg [dreg:$0x18];
	s17 =	simm.s32 $0x1400  }
0xeb: {  	[tilespmem:s17], [sflag:$0x9] =	stream.linear.gather [hbm4b:s16+s0], $0x400, $0x38;
	[tilespmem:$0x1DC00] =	vst v63  }
0xec: {  	_ =	swait.ge [sflag:s12], $0x400  }
0xed: {  	[sflag:s12] =	ssyncset.done $0x0  }
0xee: {  	[sflag:s12] =	ssyncadd.s32 $0xFFFFFC00  }
0xef: {  	_ =	swait.ge [sflag:s12], $0x400  }
0xf0: {  	[sflag:s12] =	ssyncset.done $0x0  }
0xf1: {  	[sflag:s12] =	ssyncadd.s32 $0xFFFFFC00  }
0xf2: {  	_ =	swait.ge [sflag:s12], $0x400  }
0xf3: {  	[sflag:s12] =	ssyncset.done $0x0  }
0xf4: {  	[sflag:s12] =	ssyncadd.s32 $0xFFFFFC00  }
0xf5: {  	_ =	swait.ge [sflag:s12], $0x400  }
0xf6: {  	[sflag:s12] =	ssyncset.done $0x0  }
0xf7: {  	[sflag:s12] =	ssyncadd.s32 $0xFFFFFC00  }
0xf8: {  	s16 =	simm.s32 $0x80;
	[bflag:$0x0] =	sbarrier.arrive $0xFFFF  }
0xf9: {  	[tilespmem:s23], [sflag:$0x1] =	stream.indirect.gather [spmem:s4], $0x40, s0, s16, $0xb8;
	[tilespmem:$0x1DC00] =	vst v63  }
0xfa: {  	_ = 	snop  }
0xfb: {  	[tilespmem:s24], [sflag:$0x2] =	stream.indirect.gather [spmem:s4], $0x40, s16, s16, $0xb8;
	[tilespmem:$0x1DC00] =	vst v63  }
0xfc: {  	s1 =	simm.s32 $0x100;
	s6 =	simm.s32 $0x5800  }
0xfd: {  	[tilespmem:s6], [sflag:$0x3] =	stream.indirect.gather [spmem:s4], $0x40, s1, s16, $0xb8;
	[tilespmem:$0x1DC00] =	vst v63  }
0xfe: {  	_ =	swait.ge [sflag:s14], $0x2000  }
0xff: {  	[sflag:s14] =	ssyncset.done $0x0  }
0x100: {  	[sflag:s14] =	ssyncadd.s32 $0xFFFFE000  }
0x101: {  	[spmem:s5] =	stream.indirect.scatter.add.f32 [tilespmem:s23], [sflag:$0x5], $0x40, s2, s16, $0xb8;
	[tilespmem:$0x1DC00] =	vst v63  }
0x102: {  	s10 =	simm.s32 $0x180  }
0x103: {  	[tilespmem:s20], [sflag:$0x4] =	stream.indirect.gather [spmem:s4], $0x40, s10, s16, $0xb8;
	[tilespmem:$0x1DC00] =	vst v63  }
0x104: {  	_ =	swait.ge [sflag:s25], $0x2000  }
0x105: {  	[sflag:s25] =	ssyncset.done $0x0  }
0x106: {  	s11 =	simm.s32 $0xC80;
	[sflag:s25] =	ssyncadd.s32 $0xFFFFE000  }
0x107: {  	[spmem:s5] =	stream.indirect.scatter.add.f32 [tilespmem:s24], [sflag:$0x6], $0x40, s11, s16, $0xb8;
	[tilespmem:$0x1DC00] =	vst v63  }
0x108: {  	_ =	swait.ge [sflag:s26], $0x2000  }
0x109: {  	[sflag:s26] =	ssyncset.done $0x0  }
0x10a: {  	s13 =	simm.s32 $0x200;
	[sflag:s26] =	ssyncadd.s32 $0xFFFFE000  }
0x10b: {  	[tilespmem:s23], [sflag:$0x1] =	stream.indirect.gather [spmem:s4], $0x40, s13, s16, $0xb8;
	[tilespmem:$0x1DC00] =	vst v63  }
0x10c: {  	_ =	swait.ge [sflag:s18], $0x2000  }
0x10d: {  	[sflag:s18] =	ssyncset.done $0x0  }
0x10e: {  	s17 =	simm.s32 $0xD00;
	s1 =	simm.s32 $0x5800;
	[sflag:s18] =	ssyncadd.s32 $0xFFFFE000  }
0x10f: {  	[spmem:s5] =	stream.indirect.scatter.add.f32 [tilespmem:s1], [sflag:$0x7], $0x40, s17, s16, $0xb8;
	[tilespmem:$0x1DC00] =	vst v63  }
0x110: {  	_ =	swait.ge [sflag:s7], $0x2000  }
0x111: {  	[sflag:s7] =	ssyncset.done $0x0  }
0x112: {  	s2 =	simm.s32 $0x280;
	[sflag:s7] =	ssyncadd.s32 $0xFFFFE000  }
0x113: {  	[tilespmem:s24], [sflag:$0x2] =	stream.indirect.gather [spmem:s4], $0x40, s2, s16, $0xb8;
	[tilespmem:$0x1DC00] =	vst v63  }
0x114: {  	_ =	swait.ge [sflag:s8], $0x2000  }
0x115: {  	[sflag:s8] =	ssyncset.done $0x0  }
0x116: {  	s6 =	simm.s32 $0xD80;
	[sflag:s8] =	ssyncadd.s32 $0xFFFFE000  }
0x117: {  	[spmem:s5] =	stream.indirect.scatter.add.f32 [tilespmem:s20], [sflag:$0x8], $0x40, s6, s16, $0xb8;
	[tilespmem:$0x1DC00] =	vst v63  }
0x118: {  	_ =	swait.ge [sflag:s19], $0x2000  }
0x119: {  	[sflag:s19] =	ssyncset.done $0x0  }
0x11a: {  	s10 =	simm.s32 $0x300;
	[sflag:s19] =	ssyncadd.s32 $0xFFFFE000  }
0x11b: {  	[tilespmem:s1], [sflag:$0x3] =	stream.indirect.gather [spmem:s4], $0x40, s10, s16, $0xb8;
	[tilespmem:$0x1DC00] =	vst v63  }
0x11c: {  	_ =	swait.ge [sflag:s14], $0x2000  }
0x11d: {  	[sflag:s14] =	ssyncset.done $0x0  }
0x11e: {  	s13 =	simm.s32 $0xE00;
	[sflag:s14] =	ssyncadd.s32 $0xFFFFE000  }
0x11f: {  	[spmem:s5] =	stream.indirect.scatter.add.f32 [tilespmem:s23], [sflag:$0x5], $0x40, s13, s16, $0xb8;
	[tilespmem:$0x1DC00] =	vst v63  }
0x120: {  	_ =	swait.ge [sflag:s9], $0x2000  }
0x121: {  	s30 =	simm.s32 $0x8;
	[sflag:s9] =	ssyncset.done $0x0  }
0x122: {  	s28 =	simm.s32 $0x5800;
	s17 =	simm.s32 $0x380;
	[sflag:s9] =	ssyncadd.s32 $0xFFFFE000  }
0x123: {  	[tilespmem:s20], [sflag:$0x4] =	stream.indirect.gather [spmem:s4], $0x40, s17, s16, $0xb8;
	[tilespmem:$0x1DC00] =	vst v63  }
0x124: {  	s31 =	simm.s32 $0x6;
	s10 =	simm.s32 $0xB;
	_ =	swait.ge [sflag:s25], $0x2000  }
0x125: {  	p0 =	por $0x1, $0x1;
	s0 =	sand.u32 $0xFF, s10;
	[sflag:s25] =	ssyncset.done $0x0  }
0x126: {  	s2 =	simm.s32 $0xE80;
	s0 =	smul.u32 $0xAB, s0;
	[sflag:s25] =	ssyncadd.s32 $0xFFFFE000  }
0x127: {  	[spmem:s5] =	stream.indirect.scatter.add.f32 [tilespmem:s24], [sflag:$0x6], $0x40, s2, s16, $0xb8;
	[tilespmem:$0x1DC00] =	vst v63  }
0x128: {  	s11 =	simm.s32 $0x5800;
	s6 =	simm.s32 $0xF00;
	_ =	swait.ge [sflag:s26], $0x2000  }
0x129: {  	s0 =	sshrl.u32 s0, $0xC;
	s13 =	simm.s32 $0xE;
	[sflag:s26] =	ssyncset.done $0x0  }
0x12a: {  	s0 =	smul.u32 $0x18, s0;
	s2 =	sand.u32 $0xFF, s13;
	[sflag:s26] =	ssyncadd.s32 $0xFFFFE000  }
0x12b: {  	[tilespmem:s23], [sflag:$0x1] =	stream.indirect.gather [spmem:s4], $0x40, s3, s16, $0xb8;
	[tilespmem:$0x1DC00] =	vst v63  }
0x12c: {  	s17 =	simm.s32 $0x9;
	s2 =	smul.u32 $0xAB, s2;
	_ =	swait.ge [sflag:s18], $0x2000  }
0x12d: {  	s9 =	simm.s32 $0xF80;
	s3 =	sand.u32 $0xFF, s17;
	[sflag:s18] =	ssyncset.done $0x0  }
0x12e: {  	s2 =	sshrl.u32 s2, $0xC;
	s3 =	smul.u32 $0xAB, s3;
	[sflag:s18] =	ssyncadd.s32 $0xFFFFE000  }
0x12f: {  	[spmem:s5] =	stream.indirect.scatter.add.f32 [tilespmem:s11], [sflag:$0x7], $0x40, s6, s16, $0xb8;
	[tilespmem:$0x1DC00] =	vst v63  }
0x130: {  	s2 =	smul.u32 $0x18, s2;
	s11 =	simm.s32 $0xC;
	_ =	swait.ge [sflag:s7], $0x2000  }
0x131: {  	s3 =	sshrl.u32 s3, $0xC;
	s1 =	sand.u32 $0xFF, s11;
	[sflag:s7] =	ssyncset.done $0x0  }
0x132: {  	s1 =	smul.u32 $0xAB, s1;
	[sflag:s7] =	ssyncadd.s32 $0xFFFFE000;
	s7 =	simm.s32 $0x480  }
0x133: {  	[tilespmem:s24], [sflag:$0x2] =	stream.indirect.gather [spmem:s4], $0x40, s7, s16, $0xb8;
	[tilespmem:$0x1DC00] =	vst v63  }
0x134: {  	s0 =	ssub.s32 $0xB, s0;
	s11 =	smul.u32 $0x18, s3;
	s7 =	simm.s32 $0x1  }
0x135: {  	s1 =	sshrl.u32 s1, $0xC;
	_ =	swait.ge [sflag:s8], $0x2000;
	[dreg:$0x8] =	wrdreg s7  }
0x136: {  	s1 =	smul.u32 $0x18, s1;
	s7 =	sand.u32 $0xFF, s0;
	[sflag:s8] =	ssyncset.done $0x0  }
0x137: {  	s7 =	sshll.u32 s7, $0x7;
	[sflag:s8] =	ssyncadd.s32 $0xFFFFE000;
	s8 =	simm.s32 $0xF  }
0x138: {  	[spmem:s5] =	stream.indirect.scatter.add.f32 [tilespmem:s20], [sflag:$0x8], $0x40, s9, s16, $0xb8;
	[tilespmem:$0x1DC00] =	vst v63  }
0x139: {  	s1 =	ssub.s32 $0xC, s1;
	s6 =	sand.u32 $0xFF, s8;
	s9 =	simm.s32 $0x10  }
0x13a: {  	s3 =	sand.u32 $0xFF, s1;
	s10 =	smul.u32 $0xAB, s6;
	s13 =	sand.u32 $0xFF, s9  }
0x13b: {  	s6 =	ssub.s32 $0xE, s2;
	s9 =	ssub.s32 $0x9, s11;
	s17 =	smul.u32 $0xAB, s13  }
0x13c: {  	s13 =	simm.s32 $0xA;
	s6 =	sand.u32 $0xFF, s6;
	s8 =	sshrl.u32 s10, $0xC  }
0x13d: {  	s10 =	simm.s32 $0x11;
	s1 =	smul.u32 $0x18, s8;
	s0 =	sshrl.u32 s17, $0xC  }
0x13e: {  	s6 =	sshll.u32 s6, $0x7;
	s11 =	sand.u32 $0xFF, s10;
	s0 =	smul.u32 $0x18, s0  }
0x13f: {  	s8 =	sand.u32 $0xFF, s9;
	s9 =	sand.u32 $0xFF, s13;
	s2 =	smul.u32 $0xAB, s11  }
0x140: {  	s10 =	simm.s32 $0x18;
	s17 =	simm.s32 $0xD;
	s9 =	smul.u32 $0xAB, s9  }
0x141: {  	s10 =	sand.u32 $0xFF, s10;
	s11 =	sand.u32 $0xFF, s30;
	s1 =	ssub.s32 $0xF, s1  }
0x142: {  	s8 =	sshll.u32 s8, $0x7;
	s11 =	smul.u32 $0xAB, s11;
	s1 =	sand.u32 $0xFF, s1  }
0x143: {  	s10 =	smul.u32 $0xAB, s10;
	s8 =	sadd.s32 $0xC00, s8;
	[smem:$0x7D7] =	sst s1  }
0x144: {  	s0 =	ssub.s32 $0x10, s0;
	s2 =	sshrl.u32 s2, $0xC;
	_ =	swait.ge [sflag:s12], $0x400  }
0x145: {  	s9 =	sshrl.u32 s9, $0xC;
	s2 =	smul.u32 $0x18, s2;
	[sflag:s12] =	ssyncset.done $0x0  }
0x146: {  	s1 =	simm.s32 $0x8;
	s9 =	smul.u32 $0x18, s9;
	[sflag:s12] =	ssyncadd.s32 $0xFFFFFC00  }
0x147: {  	s0 =	sand.u32 $0xFF, s0;
	s11 =	sshrl.u32 s11, $0xC;
	_ =	swait.ge [sflag:s12], $0x400  }
0x148: {  	s10 =	sshrl.u32 s10, $0xC;
	s11 =	smul.u32 $0x18, s11;
	[sflag:s12] =	ssyncset.done $0x0  }
0x149: {  	s10 =	smul.u32 $0x18, s10;
	s0 =	sshll.u32 s0, $0x7;
	[sflag:s12] =	ssyncadd.s32 $0xFFFFFC00  }
0x14a: {  	s2 =	ssub.s32 $0x11, s2;
	s9 =	ssub.s32 $0xA, s9;
	_ =	swait.ge [sflag:s19], $0x2000  }
0x14b: {  	s9 =	sand.u32 $0xFF, s9;
	s11 =	ssub.s32 $0x8, s11;
	[sflag:s19] =	ssyncset.done $0x0  }
0x14c: {  	s10 =	ssub.s32 $0x18, s10;
	s9 =	sshll.u32 s9, $0x7;
	[sflag:s19] =	ssyncadd.s32 $0xFFFFE000  }
0x14d: {  	[tilespmem:s28], [sflag:$0x3] =	stream.indirect.gather [spmem:s4], $0x40, s9, s16, $0xb8;
	[tilespmem:$0x1DC00] =	vst v63  }
0x14e: {  	s11 =	sand.u32 $0xFF, s11;
	s10 =	sand.u32 $0xFF, s10;
	_ =	swait.ge [sflag:s14], $0x2000  }
0x14f: {  	s11 =	sshll.u32 s11, $0x7;
	s12 =	sand.u32 $0xFF, s17;
	[sflag:s14] =	ssyncset.done $0x0  }
0x150: {  	s11 =	sadd.s32 $0xC00, s11;
	s12 =	smul.u32 $0xAB, s12;
	[sflag:s14] =	ssyncadd.s32 $0xFFFFE000  }
0x151: {  	[spmem:s5] =	stream.indirect.scatter.add.f32 [tilespmem:s23], [sflag:$0x5], $0x40, s11, s16, $0xb8;
	[tilespmem:$0x1DC00] =	vst v63  }
0x152: {  	s2 =	sand.u32 $0xFF, s2;
	s29 =	sshll.u32 s10, $0x7;
	_ =	swait.ge [sflag:s1], $0x2000  }
0x153: {  	s17 =	simm.s32 $0x13;
	s13 =	sshrl.u32 s12, $0xC;
	[sflag:s1] =	ssyncset.done $0x0  }
0x154: {  	s10 =	smul.u32 $0x18, s13;
	[smem:$0x7D8] =	sst s2;
	[sflag:s1] =	ssyncadd.s32 $0xFFFFE000  }
0x155: {  	[tilespmem:s20], [sflag:$0x4] =	stream.indirect.gather [spmem:s4], $0x40, s7, s16, $0xb8;
	[tilespmem:$0x1DC00] =	vst v63  }
0x156: {  	s13 =	simm.s32 $0x2;
	s10 =	ssub.s32 $0xD, s10;
	_ =	swait.ge [sflag:s25], $0x2000  }
0x157: {  	s9 =	sadd.s32 $0xC00, s9;
	s10 =	sand.u32 $0xFF, s10;
	[sflag:s25] =	ssyncset.done $0x0  }
0x158: {  	s11 =	sand.u32 $0xFF, s17;
	s17 =	sshll.u32 s3, $0x7;
	[sflag:s25] =	ssyncadd.s32 $0xFFFFE000  }
0x159: {  	[spmem:s5] =	stream.indirect.scatter.add.f32 [tilespmem:s24], [sflag:$0x6], $0x40, s8, s16, $0xb8;
	[tilespmem:$0x1DC00] =	vst v63  }
0x15a: {  	s11 =	smul.u32 $0xAB, s11;
	s2 =	simm.s32 $0x14;
	_ =	swait.ge [sflag:s26], $0x2000  }
0x15b: {  	s3 =	simm.s32 $0x16;
	s8 =	sand.u32 $0xFF, s2;
	[sflag:s26] =	ssyncset.done $0x0  }
0x15c: {  	s11 =	sshrl.u32 s11, $0xC;
	s8 =	smul.u32 $0xAB, s8;
	[sflag:s26] =	ssyncadd.s32 $0xFFFFE000  }
0x15d: {  	[tilespmem:s23], [sflag:$0x1] =	stream.indirect.gather [spmem:s4], $0x40, s17, s16, $0xb8;
	[tilespmem:$0x1DC00] =	vst v63  }
0x15e: {  	s10 =	sshll.u32 s10, $0x7;
	s11 =	smul.u32 $0x18, s11;
	_ =	swait.ge [sflag:s18], $0x2000  }
0x15f: {  	s7 =	sadd.s32 $0xC00, s7;
	s8 =	sshrl.u32 s8, $0xC;
	[sflag:s18] =	ssyncset.done $0x0  }
0x160: {  	s11 =	ssub.s32 $0x13, s11;
	s8 =	smul.u32 $0x18, s8;
	[sflag:s18] =	ssyncadd.s32 $0xFFFFE000  }
0x161: {  	[spmem:s5] =	stream.indirect.scatter.add.f32 [tilespmem:s28], [sflag:$0x7], $0x40, s9, s16, $0xb8;
	[tilespmem:$0x1DC00] =	vst v63  }
0x162: {  	s12 =	sand.u32 $0xFF, s11;
	s8 =	ssub.s32 $0x14, s8;
	_ =	swait.ge [sflag:s31], $0x2000  }
0x163: {  	s2 =	simm.s32 $0x5800;
	s11 =	sand.u32 $0xFF, s8;
	[sflag:s31] =	ssyncset.done $0x0  }
0x164: {  	s9 =	sand.u32 $0xFF, s3;
	s3 =	simm.s32 $0x4;
	[sflag:s31] =	ssyncadd.s32 $0xFFFFE000  }
0x165: {  	[tilespmem:s24], [sflag:$0x2] =	stream.indirect.gather [spmem:s4], $0x40, s10, s16, $0xb8;
	[tilespmem:$0x1DC00] =	vst v63  }
0x166: {  	s18 =	simm.s32 $0x17;
	s8 =	smul.u32 $0xAB, s9;
	_ =	swait.ge [sflag:s3], $0x2000  }
0x167: {  	s17 =	sadd.s32 $0xC00, s17;
	s9 =	sand.u32 $0xFF, s18;
	[sflag:s3] =	ssyncset.done $0x0  }
0x168: {  	s18 =	simm.s32 $0x11;
	s8 =	sshrl.u32 s8, $0xC;
	[sflag:s3] =	ssyncadd.s32 $0xFFFFE000  }
0x169: {  	[spmem:s5] =	stream.indirect.scatter.add.f32 [tilespmem:s20], [sflag:$0x8], $0x40, s7, s16, $0xb8;
	[tilespmem:$0x1DC00] =	vst v63  }
0x16a: {  	s18 =	sand.u32 $0xFF, s18;
	s7 =	smul.u32 $0x18, s8;
	_ =	swait.ge [sflag:s19], $0x2000  }
0x16b: {  	s31 =	simm.s32 $0x3;
	s8 =	smul.u32 $0xAB, s18;
	[sflag:s19] =	ssyncset.done $0x0  }
0x16c: {  	s10 =	sadd.s32 $0xC00, s10;
	s18 =	smul.u32 $0xAB, s9;
	[sflag:s19] =	ssyncadd.s32 $0xFFFFE000  }
0x16d: {  	[tilespmem:s2], [sflag:$0x3] =	stream.indirect.gather [spmem:s4], $0x40, s6, s16, $0xb8;
	[tilespmem:$0x1DC00] =	vst v63  }
0x16e: {  	s3 =	simm.s32 $0x4;
	s8 =	sshrl.u32 s8, $0xC;
	_ =	swait.ge [sflag:s14], $0x2000  }
0x16f: {  	s9 =	ssub.s32 $0x16, s7;
	s18 =	sshrl.u32 s18, $0xC;
	[sflag:s14] =	ssyncset.done $0x0  }
0x170: {  	s19 =	simm.s32 $0x18;
	s8 =	smul.u32 $0x18, s8;
	[sflag:s14] =	ssyncadd.s32 $0xFFFFE000  }
0x171: {  	[spmem:s5] =	stream.indirect.scatter.add.f32 [tilespmem:s23], [sflag:$0x5], $0x40, s17, s16, $0xb8;
	[tilespmem:$0x1DC00] =	vst v63  }
0x172: {  	s7 =	smul.u32 $0x18, s18;
	s19 =	sand.u32 $0xFF, s19;
	_ =	swait.ge [sflag:s1], $0x2000  }
0x173: {  	s6 =	sadd.s32 $0xC00, s6;
	s8 =	ssub.s32 $0x11, s8;
	s14 =	sld [smem:$0x7D7]  }
0x174: {  	s18 =	ssub.s32 $0x17, s7;
	s7 =	simm.s32 $0x12;
	s17 =	smul.u32 $0xAB, s19  }
0x175: {  	s28 =	sand.u32 $0xFF, s8;
	s19 =	simm.s32 $0x19;
	[sflag:s1] =	ssyncset.done $0x0  }
0x176: {  	s17 =	sshrl.u32 s17, $0xC;
	[sflag:s1] =	ssyncadd.s32 $0xFFFFE000;
	s8 =	sshll.u32 s14, $0x7  }
0x177: {  	[tilespmem:s20], [sflag:$0x4] =	stream.indirect.gather [spmem:s4], $0x40, s8, s16, $0xb8;
	[tilespmem:$0x1DC00] =	vst v63  }
0x178: {  	s1 =	sand.u32 $0xFF, s18;
	s20 =	smul.u32 $0x18, s17;
	_ =	swait.ge [sflag:s25], $0x2000  }
0x179: {  	[dreg:$0xa] =	wrdreg s1;
	s1 =	sand.u32 $0xFF, s19;
	[sflag:s25] =	ssyncset.done $0x0  }
0x17a: {  	s19 =	simm.s32 $0x6;
	s1 =	smul.u32 $0xAB, s1;
	[sflag:s25] =	ssyncadd.s32 $0xFFFFE000  }
0x17b: {  	[spmem:s5] =	stream.indirect.scatter.add.f32 [tilespmem:s24], [sflag:$0x6], $0x40, s10, s16, $0xb8;
	[tilespmem:$0x1DC00] =	vst v63  }
0x17c: {  	s18 =	ssub.s32 $0x18, s20;
	s20 =	simm.s32 $0x6;
	_ =	swait.ge [sflag:s26], $0x2000  }
0x17d: {  	s16 =	sand.u32 $0xFF, s7;
	s1 =	sshrl.u32 s1, $0xC;
	[sflag:s26] =	ssyncset.done $0x0  }
0x17e: {  	s17 =	smul.u32 $0xAB, s16;
	[sflag:s26] =	ssyncadd.s32 $0xFFFFE000;
	s26 =	simm.s32 $0x80  }
0x17f: {  	[tilespmem:s23], [sflag:$0x1] =	stream.indirect.gather [spmem:s4], $0x40, s0, s26, $0xb8;
	[tilespmem:$0x1DC00] =	vst v63  }
0x180: {  	s25 =	simm.s32 $0x20;
	s1 =	smul.u32 $0x18, s1;
	_ =	swait.ge [sflag:s31], $0x2000  }
0x181: {  	s14 =	sand.u32 $0xFF, s25;
	s17 =	sshrl.u32 s17, $0xC;
	[sflag:s31] =	ssyncset.done $0x0  }
0x182: {  	s1 =	ssub.s32 $0x19, s1;
	s0 =	smul.u32 $0xAB, s14;
	[sflag:s31] =	ssyncadd.s32 $0xFFFFE000  }
0x183: {  	[spmem:s5] =	stream.indirect.scatter.add.f32 [tilespmem:s2], [sflag:$0x7], $0x40, s6, s26, $0xb8;
	[tilespmem:$0x1DC00] =	vst v63  }
0x184: {  	s7 =	smul.u32 $0x18, s17;
	s16 =	sand.u32 $0xFF, s1;
	_ =	swait.ge [sflag:s19], $0x2000  }
0x185: {  	s1 =	simm.s32 $0x15;
	s0 =	sshrl.u32 s0, $0xC;
	s25 =	sld [smem:$0x7D8]  }
0x186: {  	s31 =	simm.s32 $0x5800;
	s0 =	smul.u32 $0x18, s0;
	s6 =	sand.u32 $0xFF, s18  }
0x187: {  	s18 =	ssub.s32 $0x12, s7;
	[dreg:$0xb] =	wrdreg s6;
	[sflag:s19] =	ssyncset.done $0x0  }
0x188: {  	s10 =	ssub.s32 $0x20, s0;
	[sflag:s20] =	ssyncadd.s32 $0xFFFFE000;
	s2 =	sshll.u32 s25, $0x7  }
0x189: {  	[tilespmem:s24], [sflag:$0x2] =	stream.indirect.gather [spmem:s4], $0x40, s2, s26, $0xb8;
	[tilespmem:$0x1DC00] =	vst v63  }
0x18a: {  	s6 =	sand.u32 $0xFF, s18;
	s18 =	simm.s32 $0x978;
	_ =	swait.ge [sflag:s3], $0x2000  }
0x18b: {  	s19 =	sand.u32 $0xFF, s10;
	s20 =	sand.u32 $0xFF, s1;
	s14 =	rddreg [dreg:$0x7]  }
0x18c: {  	s25 =	simm.s32 $0x8;
	s2 =	sshll.u32 s19, $0x7;
	s17 =	sadd.s32 $0x0, s14  }
0x18d: {  	s19 =	sadd.s32 $0xC00, s8;
	[dreg:$0x9] =	wrdreg s16;
	s18 =	smov.u32 @p0 s17  }
0x18e: {  	[dreg:$0xc] =	wrdreg s25;
	[sflag:s3] =	ssyncset.done $0x0;
	s18 =	sshll.u32 s18, $0x4  }
0x18f: {  	[sflag:s3] =	ssyncadd.s32 $0xFFFFE000;
	s17 =	smul.u32 $0xAB, s20;
	s18 =	sand.u32 $0x1FFFFF80, s18  }
.LBB2_4:
0x190: {  	s7 =	smov.u32 s15;
	s20 =	sadd.s32 s15, s18  }
0x191: {  	s0 =	simm.s32 $0x7800;
	s8 =	simm.s32 $0x7800;
	s15 =	sadd.s32 $0xC00, s29  }
0x192: {  	s16 =	sadd.s32 s21, s18;
	s21 =	smov.u32 s13;
	s25 =	simm.s32 $0x9  }
0x193: {  	s30 =	sadd.s32 $0x8, s30;
	s3 =	smov.u32 s2;
	s11 =	sshll.u32 s11, $0x7  }
0x194: {  	[spmem:s5] =	stream.indirect.scatter.add.f32 [tilespmem:s0], [sflag:$0x8], $0x40, s19, s26, $0xb8;
	[tilespmem:$0x1DC00] =	vst v63  }
0x195: {  	s9 =	sand.u32 $0xFF, s9;
	s17 =	sshrl.u32 s17, $0xC;
	[dreg:$0xd] =	wrdreg s21  }
0x196: {  	s10 =	sadd.s32 $0xB, s30;
	s14 =	sand.u32 $0xFF, s30;
	s18 =	sadd.s32 $0xC, s30  }
0x197: {  	[tilespmem:s29], [sflag:$0x9] =	stream.linear.gather [hbm4b:s20+s22], $0x400, $0x38;
	[tilespmem:$0x1DC00] =	vst v63  }
0x198: {  	s0 =	simm.s32 $0x80;
	s17 =	smul.u32 $0x18, s17;
	s29 =	simm.s32 $0x2  }
0x199: {  	[tilespmem:s15], [sflag:$0x9] =	stream.linear.gather [hbm4b:s16+s22], $0x400, $0x38;
	[tilespmem:$0x1DC00] =	vst v63  }
0x19a: {  	s17 =	ssub.s32 s1, s17;
	s15 =	sand.u32 $0xFF, s10;
	s16 =	smul.u32 $0xAB, s14  }
0x19b: {  	s22 =	sshll.u32 s6, $0x7;
	s17 =	sand.u32 $0xFF, s17;
	_ =	swait.ge [sflag:s25], $0x400  }
0x19c: {  	[dreg:$0xe] =	wrdreg s3;
	s19 =	smul.u32 $0xAB, s15;
	[sflag:s25] =	ssyncset.done $0x0  }
0x19d: {  	s3 =	sand.u32 $0xFF, s18;
	s15 =	simm.s32 $0x7;
	[sflag:s25] =	ssyncadd.s32 $0xFFFFFC00  }
0x19e: {  	s20 =	smul.u32 $0xAB, s3;
	s19 =	sshrl.u32 s19, $0xC;
	_ =	swait.ge [sflag:s25], $0x400  }
0x19f: {  	s1 =	sshrl.u32 s16, $0xC;
	s19 =	smul.u32 $0x18, s19;
	[sflag:s25] =	ssyncset.done $0x0  }
0x1a0: {  	s16 =	sadd.s32 $0xE, s30;
	s6 =	smul.u32 $0x18, s1;
	[sflag:s25] =	ssyncadd.s32 $0xFFFFFC00  }
0x1a1: {  	s14 =	sshrl.u32 s20, $0xC;
	s2 =	ssub.s32 s10, s19;
	_ =	swait.ge [sflag:s15], $0x2000  }
0x1a2: {  	s6 =	ssub.s32 s30, s6;
	s10 =	sand.u32 $0xFF, s2;
	[sflag:s15] =	ssyncset.done $0x0  }
0x1a3: {  	s2 =	simm.s32 $0x1;
	[dreg:$0xf] =	wrdreg s10;
	[sflag:s15] =	ssyncadd.s32 $0xFFFFE000  }
0x1a4: {  	[tilespmem:s31], [sflag:$0x3] =	stream.indirect.gather [spmem:s4], $0x40, s22, s26, $0xb8;
	[tilespmem:$0x1DC00] =	vst v63  }
0x1a5: {  	s6 =	sand.u32 $0xFF, s6;
	s19 =	smul.u32 $0x18, s14;
	_ =	swait.ge [sflag:s2], $0x2000  }
0x1a6: {  	s25 =	sand.u32 $0xFF, s16;
	s6 =	sshll.u32 s6, $0x7;
	[sflag:s2] =	ssyncset.done $0x0  }
0x1a7: {  	s14 =	sadd.s32 $0x9, s30;
	s6 =	sadd.s32 $0xC00, s6;
	[sflag:s2] =	ssyncadd.s32 $0xFFFFE000  }
0x1a8: {  	[spmem:s5] =	stream.indirect.scatter.add.f32 [tilespmem:s23], [sflag:$0x5], $0x40, s6, s26, $0xb8;
	[tilespmem:$0x1DC00] =	vst v63  }
0x1a9: {  	s20 =	smul.u32 $0xAB, s25;
	s1 =	sand.u32 $0xFF, s14;
	s26 =	simm.s32 $0x8  }
0x1aa: {  	s25 =	simm.s32 $0x5800;
	s21 =	ssub.s32 s18, s19;
	_ =	swait.ge [sflag:s26], $0x2000  }
0x1ab: {  	s10 =	simm.s32 $0x1800;
	s20 =	sshrl.u32 s20, $0xC;
	[sflag:s26] =	ssyncset.done $0x0  }
0x1ac: {  	s6 =	sand.u32 $0xFF, s21;
	s21 =	sshll.u32 s12, $0x7;
	[sflag:s26] =	ssyncadd.s32 $0xFFFFE000  }
0x1ad: {  	[tilespmem:s8], [sflag:$0x4] =	stream.indirect.gather [spmem:s4], $0x40, s21, s0, $0xb8;
	[tilespmem:$0x1DC00] =	vst v63  }
0x1ae: {  	s18 =	sadd.s32 $0xC00, s22;
	s3 =	smul.u32 $0x18, s20;
	_ =	swait.ge [sflag:s29], $0x2000  }
0x1af: {  	s31 =	simm.s32 $0x3;
	s23 =	sshll.u32 s28, $0x7;
	[sflag:s29] =	ssyncset.done $0x0  }
0x1b0: {  	s19 =	sadd.s32 $0xC00, s23;
	s8 =	simm.s32 $0x5;
	[sflag:s29] =	ssyncadd.s32 $0xFFFFE000  }
0x1b1: {  	[spmem:s5] =	stream.indirect.scatter.add.f32 [tilespmem:s24], [sflag:$0x6], $0x40, s19, s0, $0xb8;
	[tilespmem:$0x1DC00] =	vst v63  }
0x1b2: {  	s20 =	sshll.u32 s17, $0x7;
	s23 =	sadd.s32 $0xF, s30;
	_ =	swait.ge [sflag:s8], $0x2000  }
0x1b3: {  	s17 =	ssub.s32 s16, s3;
	s28 =	sand.u32 $0xFF, s23;
	[sflag:s8] =	ssyncset.done $0x0  }
0x1b4: {  	s12 =	sadd.s32 $0x10, s30;
	s28 =	smul.u32 $0xAB, s28;
	[sflag:s8] =	ssyncadd.s32 $0xFFFFE000  }
0x1b5: {  	[tilespmem:s10], [sflag:$0x1] =	stream.indirect.gather [spmem:s4], $0x40, s11, s0, $0xb8;
	[tilespmem:$0x1DC00] =	vst v63  }
0x1b6: {  	s21 =	sadd.s32 $0xC00, s21;
	s16 =	sshrl.u32 s28, $0xC;
	_ =	swait.ge [sflag:s31], $0x2000  }
0x1b7: {  	s22 =	smul.u32 $0x18, s16;
	s16 =	simm.s32 $0x3800;
	[sflag:s31] =	ssyncset.done $0x0  }
0x1b8: {  	s19 =	smul.u32 $0xAB, s1;
	s1 =	simm.s32 $0x6;
	[sflag:s31] =	ssyncadd.s32 $0xFFFFE000  }
0x1b9: {  	[spmem:s5] =	stream.indirect.scatter.add.f32 [tilespmem:s25], [sflag:$0x7], $0x40, s18, s0, $0xb8;
	[tilespmem:$0x1DC00] =	vst v63  }
0x1ba: {  	s23 =	ssub.s32 s23, s22;
	s24 =	sand.u32 $0xFF, s12;
	_ =	swait.ge [sflag:s1], $0x2000  }
0x1bb: {  	s3 =	smul.u32 $0xAB, s24;
	s19 =	sshrl.u32 s19, $0xC;
	[sflag:s1] =	ssyncset.done $0x0  }
0x1bc: {  	s22 =	sadd.s32 $0x11, s30;
	s19 =	smul.u32 $0x18, s19;
	[sflag:s1] =	ssyncadd.s32 $0xFFFFE000  }
0x1bd: {  	[tilespmem:s16], [sflag:$0x2] =	stream.indirect.gather [spmem:s4], $0x40, s20, s0, $0xb8;
	[tilespmem:$0x1DC00] =	vst v63  }
0x1be: {  	s11 =	sadd.s32 $0xC00, s11;
	s14 =	ssub.s32 s14, s19;
	s16 =	simm.s32 $0x4  }
0x1bf: {  	s28 =	sand.u32 $0xFF, s14;
	s14 =	sshrl.u32 s3, $0xC;
	_ =	swait.ge [sflag:s16], $0x2000  }
0x1c0: {  	s3 =	simm.s32 $0x7800;
	s14 =	smul.u32 $0x18, s14;
	[sflag:s16] =	ssyncset.done $0x0  }
0x1c1: {  	s18 =	sand.u32 $0xFF, s23;
	s23 =	sand.u32 $0xFF, s22;
	[sflag:s16] =	ssyncadd.s32 $0xFFFFE000  }
0x1c2: {  	[spmem:s5] =	stream.indirect.scatter.add.f32 [tilespmem:s3], [sflag:$0x8], $0x40, s21, s0, $0xb8;
	[tilespmem:$0x1DC00] =	vst v63  }
0x1c3: {  	s19 =	sadd.s32 $0x18, s30;
	s21 =	smul.u32 $0xAB, s23;
	_ =	swait.ge [sflag:s15], $0x2000  }
0x1c4: {  	s24 =	ssub.s32 s12, s14;
	s14 =	sand.u32 $0xFF, s19;
	[sflag:s15] =	ssyncset.done $0x0  }
0x1c5: {  	s23 =	sshll.u32 s9, $0x7;
	s12 =	sshrl.u32 s21, $0xC;
	[sflag:s15] =	ssyncadd.s32 $0xFFFFE000  }
0x1c6: {  	[tilespmem:s25], [sflag:$0x3] =	stream.indirect.gather [spmem:s4], $0x40, s23, s0, $0xb8;
	[tilespmem:$0x1DC00] =	vst v63  }
0x1c7: {  	s20 =	sadd.s32 $0xC00, s20;
	s9 =	smul.u32 $0x18, s12;
	_ =	swait.ge [sflag:s2], $0x2000  }
0x1c8: {  	s15 =	sadd.s32 $0xA, s30;
	s25 =	smov.u32 s7;
	[sflag:s2] =	ssyncset.done $0x0  }
0x1c9: {  	s21 =	sand.u32 $0xFF, s15;
	s9 =	ssub.s32 s22, s9;
	[sflag:s2] =	ssyncadd.s32 $0xFFFFE000  }
0x1ca: {  	[spmem:s5] =	stream.indirect.scatter.add.f32 [tilespmem:s10], [sflag:$0x5], $0x40, s11, s0, $0xb8;
	[tilespmem:$0x1DC00] =	vst v63  }
0x1cb: {  	s22 =	sand.u32 $0xFF, s9;
	s0 =	smul.u32 $0xAB, s21;
	_ =	swait.ge [sflag:s26], $0x2000  }
0x1cc: {  	s9 =	smov.u32 s17;
	s17 =	smov.u32 s18;
	[sflag:s26] =	ssyncset.done $0x0  }
0x1cd: {  	s2 =	sshrl.u32 s0, $0xC;
	s7 =	rddreg [dreg:$0xa];
	[sflag:s26] =	ssyncadd.s32 $0xFFFFE000  }
0x1ce: {  	s26 =	simm.s32 $0x80;
	s21 =	sshll.u32 s7, $0x7;
	s10 =	smul.u32 $0x18, s2  }
0x1cf: {  	[tilespmem:s3], [sflag:$0x4] =	stream.indirect.gather [spmem:s4], $0x40, s21, s26, $0xb8;
	[tilespmem:$0x1DC00] =	vst v63  }
0x1d0: {  	s3 =	smul.u32 $0xAB, s14;
	_ =	swait.ge [sflag:s29], $0x2000;
	s7 =	ssub.s32 s15, s10  }
0x1d1: {  	s10 =	simm.s32 $0x3800;
	s2 =	rddreg [dreg:$0xf];
	[sflag:s29] =	ssyncset.done $0x0  }
0x1d2: {  	s12 =	smov.u32 s2;
	[sflag:s29] =	ssyncadd.s32 $0xFFFFE000;
	s29 =	rddreg [dreg:$0xe]  }
0x1d3: {  	[spmem:s5] =	stream.indirect.scatter.add.f32 [tilespmem:s10], [sflag:$0x6], $0x40, s20, s26, $0xb8;
	[tilespmem:$0x1DC00] =	vst v63  }
0x1d4: {  	s2 =	sshrl.u32 s3, $0xC;
	s3 =	sadd.s32 $0xC00, s23;
	_ =	swait.ge [sflag:s8], $0x2000  }
0x1d5: {  	s23 =	simm.s32 $0x1800;
	[sflag:s8] =	ssyncset.done $0x0;
	s10 =	rddreg [dreg:$0xb]  }
0x1d6: {  	[dreg:$0xa] =	wrdreg s17;
	[sflag:s8] =	ssyncadd.s32 $0xFFFFE000;
	s15 =	sshll.u32 s10, $0x7  }
0x1d7: {  	[tilespmem:s23], [sflag:$0x1] =	stream.indirect.gather [spmem:s4], $0x40, s15, s26, $0xb8;
	[tilespmem:$0x1DC00] =	vst v63  }
0x1d8: {  	s24 =	sand.u32 $0xFF, s24;
	_ =	swait.ge [sflag:s31], $0x2000  }
0x1d9: {  	s20 =	smov.u32 s24;
	[sflag:s31] =	ssyncset.done $0x0  }
0x1da: {  	s14 =	simm.s32 $0x5800;
	[dreg:$0xb] =	wrdreg s20;
	[sflag:s31] =	ssyncadd.s32 $0xFFFFE000  }
0x1db: {  	[spmem:s5] =	stream.indirect.scatter.add.f32 [tilespmem:s14], [sflag:$0x7], $0x40, s3, s26, $0xb8;
	[tilespmem:$0x1DC00] =	vst v63  }
0x1dc: {  	p0 =	sne.s32 s13, $0x12;
	s11 =	smov.u32 s6;
	_ =	swait.ge [sflag:s1], $0x2000  }
0x1dd: {  	s6 =	sand.u32 $0xFF, s7;
	s7 =	smov.u32 s22;
	[sflag:s1] =	ssyncset.done $0x0  }
0x1de: {  	s2 =	smul.u32 $0x18, s2;
	[sflag:s1] =	ssyncadd.s32 $0xFFFFE000;
	s1 =	rddreg [dreg:$0x9]  }
0x1df: {  	s24 =	simm.s32 $0x3800;
	[dreg:$0x9] =	wrdreg s7;
	s3 =	sshll.u32 s1, $0x7  }
0x1e0: {  	[tilespmem:s24], [sflag:$0x2] =	stream.indirect.gather [spmem:s4], $0x40, s3, s26, $0xb8;
	[tilespmem:$0x1DC00] =	vst v63  }
0x1e1: {  	s13 =	sadd.s32 $0x1, s13;
	s2 =	ssub.s32 s19, s2;
	_ =	swait.ge [sflag:s16], $0x2000  }
0x1e2: {  	s22 =	simm.s32 $0x0;
	s2 =	sand.u32 $0xFF, s2;
	s8 =	rddreg [dreg:$0x7]  }
0x1e3: {  	s2 =	sshll.u32 s2, $0x7;
	s15 =	smov.u32 s25;
	s10 =	rddreg [dreg:$0x8]  }
0x1e4: {  	s25 =	smov.u32 s30;
	s1 =	sadd.s32 $0xD, s30;
	s17 =	rddreg [dreg:$0xd]  }
0x1e5: {  	s31 =	simm.s32 $0x5800;
	s20 =	sand.u32 $0xFF, s1;
	s19 =	rddreg [dreg:$0xc]  }
.Ltmp1:
0x1e6: {  	[sflag:s16] =	ssyncset.done $0x0;
	[dreg:$0xc] =	wrdreg s25;
	(pc) =	sbr.rel @p0 .LBB2_4-.Ltmp1, $4  }
0x1e7: {  	p1 =	slt.u32 s10, $0x11;
	s14 =	sadd.s32 s19, s8;
	s8 =	sadd.s32 $0x978, s19  }
0x1e8: {  	s18 =	smov.u32 s17;
	s17 =	smul.u32 $0xAB, s20;
	s8 =	smov.u32 @p1 s14  }
0x1e9: {  	[sflag:s16] =	ssyncadd.s32 $0xFFFFE000;
	[dreg:$0x8] =	wrdreg s18;
	s8 =	sshll.u32 s8, $0x4  }
0x1ea: {  	s19 =	sadd.s32 $0xC00, s21;
	s21 =	rddreg [dreg:$0x2];
	s18 =	sand.u32 $0x1FFFFF80, s8  }
0x1eb: {  	s25 =	simm.s32 $0x7800  }
0x1ec: {  	[spmem:s5] =	stream.indirect.scatter.add.f32 [tilespmem:s25], [sflag:$0x8], $0x40, s19, s26, $0xb8;
	[tilespmem:$0x1DC00] =	vst v63  }
0x1ed: {  	s3 =	sadd.s32 s15, s18  }
0x1ee: {  	[tilespmem:s29], [sflag:$0x9] =	stream.linear.gather [hbm4b:s3+s22], $0x400, $0x38;
	[tilespmem:$0x1DC00] =	vst v63  }
0x1ef: {  	s14 =	sadd.s32 s21, s18;
	s13 =	simm.s32 $0x9;
	s29 =	sadd.s32 $0xC00, s29  }
0x1f0: {  	[tilespmem:s29], [sflag:$0x9] =	stream.linear.gather [hbm4b:s14+s22], $0x400, $0x38;
	[tilespmem:$0x1DC00] =	vst v63  }
0x1f1: {  	_ =	swait.ge [sflag:s13], $0x400  }
0x1f2: {  	s31 =	sadd.s32 $0x8, s30;
	[sflag:s13] =	ssyncset.done $0x0  }
0x1f3: {  	s0 =	sand.u32 $0xFF, s31;
	[sflag:s13] =	ssyncadd.s32 $0xFFFFFC00  }
0x1f4: {  	s14 =	smul.u32 $0xAB, s0;
	_ =	swait.ge [sflag:s13], $0x400  }
0x1f5: {  	[sflag:s13] =	ssyncset.done $0x0  }
0x1f6: {  	s16 =	simm.s32 $0x7;
	s14 =	sshrl.u32 s14, $0xC;
	[sflag:s13] =	ssyncadd.s32 $0xFFFFFC00  }
0x1f7: {  	s14 =	smul.u32 $0x18, s14;
	_ =	swait.ge [sflag:s16], $0x2000  }
0x1f8: {  	s6 =	sshll.u32 s6, $0x7;
	s10 =	simm.s32 $0x5800;
	[sflag:s16] =	ssyncset.done $0x0  }
0x1f9: {  	s20 =	simm.s32 $0x1;
	s3 =	ssub.s32 s31, s14;
	[sflag:s16] =	ssyncadd.s32 $0xFFFFE000  }
0x1fa: {  	[tilespmem:s10], [sflag:$0x3] =	stream.indirect.gather [spmem:s4], $0x40, s6, s26, $0xb8;
	[tilespmem:$0x1DC00] =	vst v63  }
0x1fb: {  	s3 =	sand.u32 $0xFF, s3;
	_ =	swait.ge [sflag:s20], $0x2000  }
0x1fc: {  	s3 =	sshll.u32 s3, $0x7;
	[sflag:s20] =	ssyncset.done $0x0  }
0x1fd: {  	s14 =	simm.s32 $0x8;
	s3 =	sadd.s32 $0xC00, s3;
	[sflag:s20] =	ssyncadd.s32 $0xFFFFE000  }
0x1fe: {  	[spmem:s5] =	stream.indirect.scatter.add.f32 [tilespmem:s23], [sflag:$0x5], $0x40, s3, s26, $0xb8;
	[tilespmem:$0x1DC00] =	vst v63  }
0x1ff: {  	_ =	swait.ge [sflag:s14], $0x2000  }
0x200: {  	[sflag:s14] =	ssyncset.done $0x0  }
0x201: {  	s7 =	sshll.u32 s12, $0x7;
	s19 =	simm.s32 $0x2;
	[sflag:s14] =	ssyncadd.s32 $0xFFFFE000  }
0x202: {  	[tilespmem:s25], [sflag:$0x4] =	stream.indirect.gather [spmem:s4], $0x40, s7, s26, $0xb8;
	[tilespmem:$0x1DC00] =	vst v63  }
0x203: {  	_ =	swait.ge [sflag:s19], $0x2000  }
0x204: {  	s8 =	sshll.u32 s28, $0x7;
	[sflag:s19] =	ssyncset.done $0x0  }
0x205: {  	s12 =	sadd.s32 $0xC00, s8;
	s8 =	simm.s32 $0x5;
	[sflag:s19] =	ssyncadd.s32 $0xFFFFE000  }
0x206: {  	[spmem:s5] =	stream.indirect.scatter.add.f32 [tilespmem:s24], [sflag:$0x6], $0x40, s12, s26, $0xb8;
	[tilespmem:$0x1DC00] =	vst v63  }
0x207: {  	_ =	swait.ge [sflag:s8], $0x2000  }
0x208: {  	[sflag:s8] =	ssyncset.done $0x0  }
0x209: {  	s11 =	sshll.u32 s11, $0x7;
	s18 =	simm.s32 $0x3;
	[sflag:s8] =	ssyncadd.s32 $0xFFFFE000  }
0x20a: {  	[tilespmem:s23], [sflag:$0x1] =	stream.indirect.gather [spmem:s4], $0x40, s11, s26, $0xb8;
	[tilespmem:$0x1DC00] =	vst v63  }
0x20b: {  	_ =	swait.ge [sflag:s18], $0x2000  }
0x20c: {  	s17 =	sshrl.u32 s17, $0xC;
	s0 =	simm.s32 $0x6;
	[sflag:s18] =	ssyncset.done $0x0  }
0x20d: {  	s6 =	sadd.s32 $0xC00, s6;
	s12 =	smul.u32 $0x18, s17;
	[sflag:s18] =	ssyncadd.s32 $0xFFFFE000  }
0x20e: {  	[spmem:s5] =	stream.indirect.scatter.add.f32 [tilespmem:s10], [sflag:$0x7], $0x40, s6, s26, $0xb8;
	[tilespmem:$0x1DC00] =	vst v63  }
0x20f: {  	s1 =	ssub.s32 s1, s12;
	_ =	swait.ge [sflag:s0], $0x2000  }
0x210: {  	s1 =	sand.u32 $0xFF, s1;
	[sflag:s0] =	ssyncset.done $0x0  }
0x211: {  	s28 =	simm.s32 $0x4;
	s1 =	sshll.u32 s1, $0x7;
	[sflag:s0] =	ssyncadd.s32 $0xFFFFE000  }
0x212: {  	[tilespmem:s24], [sflag:$0x2] =	stream.indirect.gather [spmem:s4], $0x40, s1, s26, $0xb8;
	[tilespmem:$0x1DC00] =	vst v63  }
0x213: {  	_ =	swait.ge [sflag:s28], $0x2000  }
0x214: {  	[sflag:s28] =	ssyncset.done $0x0  }
0x215: {  	s3 =	sadd.s32 $0xC00, s7;
	[sflag:s28] =	ssyncadd.s32 $0xFFFFE000  }
0x216: {  	[spmem:s5] =	stream.indirect.scatter.add.f32 [tilespmem:s25], [sflag:$0x8], $0x40, s3, s26, $0xb8;
	[tilespmem:$0x1DC00] =	vst v63  }
0x217: {  	_ =	swait.ge [sflag:s16], $0x2000  }
0x218: {  	s29 =	sand.u32 $0xFF, s9;
	[sflag:s16] =	ssyncset.done $0x0  }
0x219: {  	s3 =	sshll.u32 s29, $0x7;
	[sflag:s16] =	ssyncadd.s32 $0xFFFFE000  }
0x21a: {  	[tilespmem:s10], [sflag:$0x3] =	stream.indirect.gather [spmem:s4], $0x40, s3, s26, $0xb8;
	[tilespmem:$0x1DC00] =	vst v63  }
0x21b: {  	_ =	swait.ge [sflag:s20], $0x2000  }
0x21c: {  	[sflag:s20] =	ssyncset.done $0x0  }
0x21d: {  	s30 =	sadd.s32 $0xC00, s11;
	[sflag:s20] =	ssyncadd.s32 $0xFFFFE000  }
0x21e: {  	[spmem:s5] =	stream.indirect.scatter.add.f32 [tilespmem:s23], [sflag:$0x5], $0x40, s30, s26, $0xb8;
	[tilespmem:$0x1DC00] =	vst v63  }
0x21f: {  	_ =	swait.ge [sflag:s14], $0x2000  }
0x220: {  	[sflag:s14] =	ssyncset.done $0x0;
	s31 =	rddreg [dreg:$0xa]  }
0x221: {  	[sflag:s14] =	ssyncadd.s32 $0xFFFFE000;
	s6 =	sshll.u32 s31, $0x7  }
0x222: {  	[tilespmem:s25], [sflag:$0x4] =	stream.indirect.gather [spmem:s4], $0x40, s6, s26, $0xb8;
	[tilespmem:$0x1DC00] =	vst v63  }
0x223: {  	_ =	swait.ge [sflag:s19], $0x2000  }
0x224: {  	[sflag:s19] =	ssyncset.done $0x0  }
0x225: {  	s1 =	sadd.s32 $0xC00, s1;
	[sflag:s19] =	ssyncadd.s32 $0xFFFFE000  }
0x226: {  	[spmem:s5] =	stream.indirect.scatter.add.f32 [tilespmem:s24], [sflag:$0x6], $0x40, s1, s26, $0xb8;
	[tilespmem:$0x1DC00] =	vst v63  }
0x227: {  	_ =	swait.ge [sflag:s8], $0x2000  }
0x228: {  	[sflag:s8] =	ssyncset.done $0x0;
	s7 =	rddreg [dreg:$0xb]  }
0x229: {  	[sflag:s8] =	ssyncadd.s32 $0xFFFFE000;
	s1 =	sshll.u32 s7, $0x7  }
0x22a: {  	[tilespmem:s23], [sflag:$0x1] =	stream.indirect.gather [spmem:s4], $0x40, s1, s26, $0xb8;
	[tilespmem:$0x1DC00] =	vst v63  }
0x22b: {  	_ =	swait.ge [sflag:s18], $0x2000  }
0x22c: {  	[sflag:s18] =	ssyncset.done $0x0  }
0x22d: {  	s8 =	sadd.s32 $0xC00, s3;
	[sflag:s18] =	ssyncadd.s32 $0xFFFFE000  }
0x22e: {  	[spmem:s5] =	stream.indirect.scatter.add.f32 [tilespmem:s10], [sflag:$0x7], $0x40, s8, s26, $0xb8;
	[tilespmem:$0x1DC00] =	vst v63  }
0x22f: {  	_ =	swait.ge [sflag:s0], $0x2000  }
0x230: {  	[sflag:s0] =	ssyncset.done $0x0;
	s9 =	rddreg [dreg:$0x9]  }
0x231: {  	[sflag:s0] =	ssyncadd.s32 $0xFFFFE000;
	s0 =	sshll.u32 s9, $0x7  }
0x232: {  	[tilespmem:s24], [sflag:$0x2] =	stream.indirect.gather [spmem:s4], $0x40, s0, s26, $0xb8;
	[tilespmem:$0x1DC00] =	vst v63  }
0x233: {  	_ =	swait.ge [sflag:s28], $0x2000  }
0x234: {  	s10 =	rddreg [dreg:$0x7]  }
0x235: {  	s11 =	rddreg [dreg:$0x8]  }
0x236: {  	s17 =	rddreg [dreg:$0xc];
	[sflag:s28] =	ssyncset.done $0x0  }
0x237: {  	p0 =	slt.u32 s11, $0x11;
	s0 =	sadd.s32 s17, s10;
	s1 =	sadd.s32 $0x978, s17  }
0x238: {  	s18 =	sadd.s32 $0xC00, s6;
	[sflag:s28] =	ssyncadd.s32 $0xFFFFE000;
	s1 =	smov.u32 @p0 s0  }
0x239: {  	[spmem:s5] =	stream.indirect.scatter.add.f32 [tilespmem:s25], [sflag:$0x8], $0x40, s18, s26, $0xb8;
	[tilespmem:$0x1DC00] =	vst v63  }
0x23a: {  	s0 =	sshll.u32 s1, $0x4  }
0x23b: {  	s0 =	sand.u32 $0x1FFFFF80, s0  }
0x23c: {  	s25 =	sadd.s32 s15, s0  }
0x23d: {  	[tilespmem:s2], [sflag:$0x9] =	stream.linear.gather [hbm4b:s25+s22], $0x400, $0x38;
	[tilespmem:$0x1DC00] =	vst v63  }
0x23e: {  	s26 =	sadd.s32 $0xC00, s2;
	s0 =	sadd.s32 s21, s0  }
0x23f: {  	[tilespmem:s26], [sflag:$0x9] =	stream.linear.gather [hbm4b:s0+s22], $0x400, $0x38;
	[tilespmem:$0x1DC00] =	vst v63  }
0x240: {  	_ =	swait.ge [sflag:s16], $0x2000  }
0x241: {  	[sflag:s16] =	ssyncset.done $0x0  }
0x242: {  	[sflag:s16] =	ssyncadd.s32 $0xFFFFE000  }
0x243: {  	_ =	swait.ge [sflag:s14], $0x2000  }
0x244: {  	[sflag:s14] =	ssyncset.done $0x0  }
0x245: {  	[sflag:s14] =	ssyncadd.s32 $0xFFFFE000  }
0x246: {  	_ =	swait.ge [sflag:s20], $0x2000  }
0x247: {  	[sflag:s20] =	ssyncset.done $0x0  }
0x248: {  	[sflag:s20] =	ssyncadd.s32 $0xFFFFE000  }
0x249: {  	_ =	swait.ge [sflag:s19], $0x2000  }
0x24a: {  	[sflag:s19] =	ssyncset.done $0x0  }
0x24b: {  	[sflag:s19] =	ssyncadd.s32 $0xFFFFE000  }
0x24c: {  	_ =	swait.ge [sflag:s13], $0x400  }
0x24d: {  	[sflag:s13] =	ssyncset.done $0x0  }
0x24e: {  	[sflag:s13] =	ssyncadd.s32 $0xFFFFFC00  }
0x24f: {  	_ =	swait.ge [sflag:s13], $0x400  }
0x250: {  	[sflag:s13] =	ssyncset.done $0x0  }
0x251: {  	[sflag:s13] =	ssyncadd.s32 $0xFFFFFC00  }
0x252: {  	[bflag:$0x0] =	sbarrier.arrive $0xFFFF  }
0x253: {  	s29 =	sld [smem:$0x7DC]  }
0x254: {  	s10 =	rddreg [dreg:$0x11]  }
0x255: {  	s2 =	simm.s32 $0xA;
	s28 =	rddreg [dreg:$0x19]  }
0x256: {  	[hbm:s28], [sflag:s10] =	dma.local [spmem:s29], $0x1400  }
0x257: {  	_ =	swait.ge [sflag:s2], $0x1400  }
0x258: {  	s30 =	sld [smem:$0x7D9];
	_ =	sdelay $0x2  }
0x259: {  	s31 =	rddreg [dreg:$0x1a];
	s1 =	sadd.s32 $0x1, s30  }
0x25a: {  	p0 =	sne.s32 s1, s31  }
.Ltmp2:
0x25b: {  	_ = 	snop;
	(pc) =	sbr.rel @p0 .LBB2_1-.Ltmp2, $4  }
0x25c: {  	s7 =	simm.s32 $0x6;
	s8 =	simm.s32 $0x4  }
0x25d: {  	s9 =	simm.s32 $0x8;
	s18 =	simm.s32 $0x3;
	s25 =	simm.s32 $0x2  }
0x25e: {  	s26 =	simm.s32 $0x5;
	s14 =	simm.s32 $0x1;
	[sflag:s2] =	ssyncset.done $0x0  }
0x25f: {  	s20 =	simm.s32 $0x7800;
	s19 =	simm.s32 $0x7;
	[sflag:s2] =	ssyncadd.s32 $0xFFFFEC00  }
0x260: {  	_ =	sfence.sel $0x180000  }
0x261: {  	[bflag:$0x0] =	sbarrier.arrive $0xFFFF  }
0x262: {  	_ =	strace $0x90000047  }
0x263: {  	s0 =	stileid.u32;
	[bflag:$0x2] =	sbarrier.arrive $0xFFFF  }
0x264: {  	p0 =	sne.s32 s0, $0x0;
	s0 =	rddreg [dreg:$0x6]  }
0x265: {  	s0 =	sadd.s32 @!p0 $0x100000, s0  }
0x266: {  	[sflag:s0] =	ssyncadd.tile.s32 @!p0 $0x1;
	_ =	shalt  }
.Lfunc_end2:
_tile_overlayer_lowered:
.L_overlay_start_2:
0x267: {  	(tag) =	ssettag $0x2  }
0x268: {  	s0 =	rddreg [dreg:$0x0];
	s2 =	stileid.u32  }
0x269: {  	s1 =	rddreg [dreg:$0x1];
	p0 =	sne.s32 s2, $0x0  }
0x26a: {  	s3 =	rddreg [dreg:$0x2];
	[bflag:$0x3] =	sbarrier.arrive $0xFFFF;
	s2 =	simm.s32 @!p0 $0x1C0A  }
0x26b: {  	[timem:s3], [sflag:s2] =	dma.local @!p0 [hbm:s0], s1  }
0x26c: {  	s0 =	simm.s32 @!p0 $0xA  }
0x26d: {  	_ =	swait.ge @!p0 [sflag:s0], s1  }
0x26e: {  	s1 =	ssub.s32 @!p0 $0x0, s1;
	[sflag:s0] =	ssyncset.done @!p0 $0x0  }
0x26f: {  	[sflag:s0] =	ssyncadd.s32 @!p0 s1  }
0x270: {  	[bflag:$0x3] =	sbarrier.arrive $0xFFFF  }
0x271: {  	_ =	shalt  }

</sc_bundles>
